<compile_context>
chip_gen: v7x
topology: tpu7x:2x2x1
jax: 0.10.2.dev20260603
libtpu: 0.0.44.dev20260713+nightly
codegen_flags: <defaults>
</compile_context>

<pallas_src>
import functools

import jax
import jax.numpy as jnp
from jax import lax
from jax.experimental import pallas as pl
from jax.experimental.pallas import tpu as pltpu
from jax.experimental.pallas import tpu_sc as plsc

K = 16
BR = 256
RB = 32


def _dist_body(xr_ref, xt_ref, dist_ref, dst_ref, *, M, K):
    n = pl.program_id(0)
    rb = pl.program_id(1)
    xr = xr_ref[0]
    xt = xt_ref[0]
    sq_all = jnp.sum(xt * xt, axis=0, keepdims=True)
    mm = jax.lax.dot_general(
        xr, xt, (((1,), (0,)), ((), ())),
        preferred_element_type=jnp.float32)
    sq_r = jnp.sum(xr * xr, axis=1, keepdims=True)
    dist_ref[0] = sq_r + sq_all - 2.0 * mm
    row0 = rb * BR + n * M
    dst_ref[0] = lax.broadcasted_iota(jnp.int32, (BR, K), 0) + row0


def _merge16(bk, bi, ck, ci):
    sk, si = plsc.sort_key_val(ck, ci)
    tk = jnp.minimum(sk, bk)
    ti = jnp.where(sk <= bk, si, bi)
    ok, oi = plsc.sort_key_val(tk, ti, descending=True)
    return ok, oi


def _make_sc_topk(R, M):
    info = plsc.get_sparse_core_info()
    nw = info.num_cores * info.num_subcores
    rows_per_w = R // nw
    nblocks = rows_per_w // RB
    nchunk = M // 16

    mesh = plsc.VectorSubcoreMesh(core_axis_name="c", subcore_axis_name="s")

    @functools.partial(
        pl.kernel, mesh=mesh,
        out_type=jax.ShapeDtypeStruct((R, K), jnp.int32),
        compiler_params=pltpu.CompilerParams(needs_layout_passes=False),
        scratch_types=[
            pltpu.VMEM((RB, M), jnp.float32),
            pltpu.VMEM((RB, K), jnp.int32),
        ],
    )
    def sc_topk(dist_hbm, out_hbm, buf, obuf):
        wid = lax.axis_index("s") * info.num_cores + lax.axis_index("c")
        iota16 = lax.broadcasted_iota(jnp.int32, (16,), 0)
        inf16 = jnp.full((16,), jnp.inf, jnp.float32)
        zero16 = jnp.zeros((16,), jnp.int32)

        G = 8

        def block_body(b, _):
            base = wid * rows_per_w + b * RB
            pltpu.sync_copy(dist_hbm.at[pl.ds(base, RB)], buf)

            for g in range(RB // G):
                def chunk_body(c, carry):
                    ci = iota16 + c * 16
                    outs = []
                    for i in range(G):
                        bk, bi = carry[2 * i], carry[2 * i + 1]
                        ck = buf[g * G + i, pl.ds(c * 16, 16)]
                        nk, ni = _merge16(bk, bi, ck, ci)
                        outs += [nk, ni]
                    return tuple(outs)

                res = lax.fori_loop(
                    0, nchunk, chunk_body, (inf16, zero16) * G)
                for i in range(G):
                    row = base + g * G + i
                    off = (row // M) * M
                    obuf[g * G + i, :] = lax.rev(res[2 * i + 1], (0,)) + off

            pltpu.sync_copy(obuf, out_hbm.at[pl.ds(base, RB)])
            return ()

        lax.fori_loop(0, nblocks, block_body, ())

    return sc_topk


@jax.jit
def kernel(x):
    if x.ndim == 2:
        x = x[None, :, :]
    N, M, D = x.shape
    xt = x.transpose(0, 2, 1)

    grid = (N, M // BR)
    dist, dst = pl.pallas_call(
        functools.partial(_dist_body, M=M, K=K),
        grid=grid,
        in_specs=[
            pl.BlockSpec((1, BR, D), lambda n, r: (n, r, 0)),
            pl.BlockSpec((1, D, M), lambda n, r: (n, 0, 0)),
        ],
        out_specs=[
            pl.BlockSpec((1, BR, M), lambda n, r: (n, r, 0)),
            pl.BlockSpec((1, BR, K), lambda n, r: (n, r, 0)),
        ],
        out_shape=[
            jax.ShapeDtypeStruct((N, M, M), jnp.float32),
            jax.ShapeDtypeStruct((N, M, K), jnp.int32),
        ],
    )(x, xt)

    sc_topk = _make_sc_topk(N * M, M)
    src = sc_topk(dist.reshape(N * M, M))
    return src.reshape(-1), dst.reshape(-1)

# --- scband reference (transcript-rebuilt; emitter-appended) ---
"""Pipeline reference for scband-knngraph-37752762532327 (READ-ONLY COPY).

The authoritative reference and input builder live on the scoring server;
editing this copy changes nothing except your own understanding.
"""

import jax, jax.numpy as jnp
import numpy as np

K = 16

def setup_inputs(seed: int = 0) -> dict:
    key = jax.random.key(seed)
    x = jax.random.normal(key, (8, 2048, 64), dtype=jnp.float32)
    return {"x": x}

def reference(x):
    # KNNGraph.forward: build kNN graph over each point set; point j in set i
    # maps to global node id i*M + j. Edges go from the k nearest neighbors
    # (predecessors) to each point.
    if x.ndim == 2:
        x = x[None, :, :]
    N, M, D = x.shape
    sq = jnp.sum(x * x, axis=-1)  # [N, M]
    # pairwise squared euclidean distances within each point set
    dist = sq[:, :, None] + sq[:, None, :] - 2.0 * jnp.einsum('nmd,npd->nmp', x, x)  # [N, M, M]
    # k nearest (smallest distance) -> top_k of negated distances; includes self
    _, nbr = jax.lax.top_k(-dist, K)  # [N, M, K]
    offset = (jnp.arange(N, dtype=nbr.dtype) * M)[:, None, None]  # [N,1,1]
    src = (nbr + offset).reshape(-1)  # neighbor (predecessor) node ids
    dst = (jnp.broadcast_to(jnp.arange(M, dtype=nbr.dtype)[None, :, None], (N, M, K)) + offset).reshape(-1)
    return src.astype(jnp.int32), dst.astype(jnp.int32)

if __name__ == "__main__":
    import jax
    _d = setup_inputs()
    print(jax.jit(kernel)(*tuple(_d.values())))

</pallas_src>

<mosaic_0001>
#map = affine_map<(d0, d1) -> (0, 0)>
module attributes {stable_mosaic.version = 14 : i64} {
  func.func @sc_topk(%arg0: i32, %arg1: i32, %arg2: memref<16384x2048xf32, #tpu.memory_space<hbm>>, %arg3: memref<16384x16xi32, #tpu.memory_space<hbm>>, %arg4: memref<32x2048xf32, #tpu.memory_space<vmem>>, %arg5: memref<32x16xi32, #tpu.memory_space<vmem>>) attributes {dimension_semantics = [#tpu.dimension_semantics<core_parallel>, #tpu.dimension_semantics<subcore_parallel>], iteration_bounds = array<i64: 2, 16>, scalar_prefetch = 0 : i64, scratch_operands = 2 : i64, tpu.core_type = #tpu.core_type<sc_vector_subcore>, window_params = [{transform_indices = #map}, {transform_indices = #map}]} {
    %mul3A = arith.constant 2 : i32
    %mul3A_0 = arith.muli %arg1, %mul3A : i32
    %add3A = arith.addi %mul3A_0, %arg0 : i32
    %iota3A = tpu.iota {dimensions = array<i32: 0>} : vector<16xi32>
    %broadcast_in_dim3A = arith.constant 0x7F800000 : f32
    %broadcast_in_dim3A_1 = vector.broadcast %broadcast_in_dim3A : f32 to vector<16xf32>
    %broadcast_in_dim3A_2 = arith.constant 0 : i32
    %broadcast_in_dim3A_3 = vector.broadcast %broadcast_in_dim3A_2 : i32 to vector<16xi32>
    %scan3A = arith.constant 0 : i32
    %scan3A_4 = arith.constant 16 : i32
    %scan3A_5 = arith.addi %scan3A, %scan3A_4 : i32
    %scan3A_6 = arith.constant 1 : i32
    scf.for %scan3A_8 = %scan3A to %scan3A_5 step %scan3A_6  : i32 {
      %mul3A_9 = arith.constant 512 : i32
      %mul3A_10 = arith.muli %add3A, %mul3A_9 : i32
      %mul3A_11 = arith.constant 32 : i32
      %mul3A_12 = arith.muli %scan3A_8, %mul3A_11 : i32
      %add3A_13 = arith.addi %mul3A_10, %mul3A_12 : i32
      "tpu.region"() ({
        %run_scoped3A = tpu.sem_alloc : memref<!tpu.dma_semaphore, #tpu.memory_space<semaphore_mem>>
        %dma_start3A = arith.constant 0 : i32
        %dma_start3A_1340 = tpu.memref_slice %arg2[%add3A_13, %dma_start3A] : memref<16384x2048xf32, #tpu.memory_space<hbm>> -> memref<32x2048xf32, #tpu.memory_space<hbm>>
        %dma_start3A_1341 = arith.constant 0 : i32
        %dma_start3A_1342 = tpu.memref_slice %arg2[%add3A_13, %dma_start3A_1341] : memref<16384x2048xf32, #tpu.memory_space<hbm>> -> memref<32x2048xf32, #tpu.memory_space<hbm>>
        tpu.enqueue_dma source(%dma_start3A_1342 : memref<32x2048xf32, #tpu.memory_space<hbm>>) target(%arg4 : memref<32x2048xf32, #tpu.memory_space<vmem>>) target_semaphore(%run_scoped3A : memref<!tpu.dma_semaphore, #tpu.memory_space<semaphore_mem>>)
        %dma_wait3A = arith.constant 0 : i32
        %dma_wait3A_1343 = tpu.memref_slice %arg2[%add3A_13, %dma_wait3A] : memref<16384x2048xf32, #tpu.memory_space<hbm>> -> memref<32x2048xf32, #tpu.memory_space<hbm>>
        %dma_wait3A_1344 = arith.constant 0 : i32
        %dma_wait3A_1345 = tpu.memref_slice %arg2[%add3A_13, %dma_wait3A_1344] : memref<16384x2048xf32, #tpu.memory_space<hbm>> -> memref<32x2048xf32, #tpu.memory_space<hbm>>
        tpu.wait_dma2 semaphore(%run_scoped3A : memref<!tpu.dma_semaphore, #tpu.memory_space<semaphore_mem>>) src(%dma_wait3A_1345 : memref<32x2048xf32, #tpu.memory_space<hbm>>) dst(%arg4 : memref<32x2048xf32, #tpu.memory_space<vmem>>)
        tpu.yield
      }) : () -> ()
      %scan3A_14 = arith.constant 0 : i32
      %scan3A_15 = arith.constant 128 : i32
      %scan3A_16 = arith.addi %scan3A_14, %scan3A_15 : i32
      %scan3A_17 = arith.constant 1 : i32
      %scan3A_18:16 = scf.for %scan3A_1340 = %scan3A_14 to %scan3A_16 step %scan3A_17 iter_args(%scan3A_1341 = %broadcast_in_dim3A_1, %scan3A_1342 = %broadcast_in_dim3A_3, %scan3A_1343 = %broadcast_in_dim3A_1, %scan3A_1344 = %broadcast_in_dim3A_3, %scan3A_1345 = %broadcast_in_dim3A_1, %scan3A_1346 = %broadcast_in_dim3A_3, %scan3A_1347 = %broadcast_in_dim3A_1, %scan3A_1348 = %broadcast_in_dim3A_3, %scan3A_1349 = %broadcast_in_dim3A_1, %scan3A_1350 = %broadcast_in_dim3A_3, %scan3A_1351 = %broadcast_in_dim3A_1, %scan3A_1352 = %broadcast_in_dim3A_3, %scan3A_1353 = %broadcast_in_dim3A_1, %scan3A_1354 = %broadcast_in_dim3A_3, %scan3A_1355 = %broadcast_in_dim3A_1, %scan3A_1356 = %broadcast_in_dim3A_3) -> (vector<16xf32>, vector<16xi32>, vector<16xf32>, vector<16xi32>, vector<16xf32>, vector<16xi32>, vector<16xf32>, vector<16xi32>, vector<16xf32>, vector<16xi32>, vector<16xf32>, vector<16xi32>, vector<16xf32>, vector<16xi32>, vector<16xf32>, vector<16xi32>)  : i32 {
        %mul3A_1357 = arith.constant 16 : i32
        %mul3A_1358 = arith.muli %scan3A_1340, %mul3A_1357 : i32
        %add3A_1359 = vector.broadcast %mul3A_1358 : i32 to vector<16xi32>
        %add3A_1360 = arith.addi %iota3A, %add3A_1359 : vector<16xi32>
        %mul3A_1361 = arith.constant 16 : i32
        %mul3A_1362 = arith.muli %scan3A_1340, %mul3A_1361 : i32
        %get3A = arith.constant 0 : i32
        %get3A_1363 = arith.index_cast %get3A : i32 to index
        %get3A_1364 = arith.index_cast %mul3A_1362 : i32 to index
        %get3A_1365 = tpu.vector_load %arg4[%get3A_1363, %get3A_1364] {strides = array<i32>} : memref<32x2048xf32, #tpu.memory_space<vmem>>, vector<16xf32>,
        %masked_sort3A = arith.constant dense<true> : vector<16xi1>
        %masked_sort3A_1366, %masked_sort3A_1367, %masked_sort3A_1368 = tpu.sort %get3A_1365, %add3A_1360 masked %masked_sort3A : (vector<16xf32>, vector<16xi32>, vector<16xi1>) -> (vector<16xi1>, vector<16xf32>, vector<16xi32>)
        %min3A = arith.minimumf %masked_sort3A_1367, %scan3A_1341 : vector<16xf32>
        %le3A = arith.cmpf ole, %masked_sort3A_1367, %scan3A_1341 : vector<16xf32>
        %select_n3A_1369 = arith.select %le3A, %masked_sort3A_1368, %scan3A_1342 : vector<16xi1>, vector<16xi32>
        %masked_sort3A_1370 = arith.constant dense<true> : vector<16xi1>
        %masked_sort3A_1371, %masked_sort3A_1372, %masked_sort3A_1373 = tpu.sort %min3A, %select_n3A_1369 masked %masked_sort3A_1370 {descending = true} : (vector<16xf32>, vector<16xi32>, vector<16xi1>) -> (vector<16xi1>, vector<16xf32>, vector<16xi32>)
        %mul3A_1374 = arith.constant 16 : i32
        %mul3A_1375 = arith.muli %scan3A_1340, %mul3A_1374 : i32
        %get3A_1376 = arith.constant 1 : i32
        %get3A_1377 = arith.index_cast %get3A_1376 : i32 to index
        %get3A_1378 = arith.index_cast %mul3A_1375 : i32 to index
        %get3A_1379 = tpu.vector_load %arg4[%get3A_1377, %get3A_1378] {strides = array<i32>} : memref<32x2048xf32, #tpu.memory_space<vmem>>, vector<16xf32>,
        %masked_sort3A_1380 = arith.constant dense<true> : vector<16xi1>
        %masked_sort3A_1381, %masked_sort3A_1382, %masked_sort3A_1383 = tpu.sort %get3A_1379, %add3A_1360 masked %masked_sort3A_1380 : (vector<16xf32>, vector<16xi32>, vector<16xi1>) -> (vector<16xi1>, vector<16xf32>, vector<16xi32>)
        %min3A_1384 = arith.minimumf %masked_sort3A_1382, %scan3A_1343 : vector<16xf32>
        %le3A_1385 = arith.cmpf ole, %masked_sort3A_1382, %scan3A_1343 : vector<16xf32>
        %select_n3A_1386 = arith.select %le3A_1385, %masked_sort3A_1383, %scan3A_1344 : vector<16xi1>, vector<16xi32>
        %masked_sort3A_1387 = arith.constant dense<true> : vector<16xi1>
        %masked_sort3A_1388, %masked_sort3A_1389, %masked_sort3A_1390 = tpu.sort %min3A_1384, %select_n3A_1386 masked %masked_sort3A_1387 {descending = true} : (vector<16xf32>, vector<16xi32>, vector<16xi1>) -> (vector<16xi1>, vector<16xf32>, vector<16xi32>)
        %mul3A_1391 = arith.constant 16 : i32
        %mul3A_1392 = arith.muli %scan3A_1340, %mul3A_1391 : i32
        %get3A_1393 = arith.constant 2 : i32
        %get3A_1394 = arith.index_cast %get3A_1393 : i32 to index
        %get3A_1395 = arith.index_cast %mul3A_1392 : i32 to index
        %get3A_1396 = tpu.vector_load %arg4[%get3A_1394, %get3A_1395] {strides = array<i32>} : memref<32x2048xf32, #tpu.memory_space<vmem>>, vector<16xf32>,
        %masked_sort3A_1397 = arith.constant dense<true> : vector<16xi1>
        %masked_sort3A_1398, %masked_sort3A_1399, %masked_sort3A_1400 = tpu.sort %get3A_1396, %add3A_1360 masked %masked_sort3A_1397 : (vector<16xf32>, vector<16xi32>, vector<16xi1>) -> (vector<16xi1>, vector<16xf32>, vector<16xi32>)
        %min3A_1401 = arith.minimumf %masked_sort3A_1399, %scan3A_1345 : vector<16xf32>
        %le3A_1402 = arith.cmpf ole, %masked_sort3A_1399, %scan3A_1345 : vector<16xf32>
        %select_n3A_1403 = arith.select %le3A_1402, %masked_sort3A_1400, %scan3A_1346 : vector<16xi1>, vector<16xi32>
        %masked_sort3A_1404 = arith.constant dense<true> : vector<16xi1>
        %masked_sort3A_1405, %masked_sort3A_1406, %masked_sort3A_1407 = tpu.sort %min3A_1401, %select_n3A_1403 masked %masked_sort3A_1404 {descending = true} : (vector<16xf32>, vector<16xi32>, vector<16xi1>) -> (vector<16xi1>, vector<16xf32>, vector<16xi32>)
        %mul3A_1408 = arith.constant 16 : i32
        %mul3A_1409 = arith.muli %scan3A_1340, %mul3A_1408 : i32
        %get3A_1410 = arith.constant 3 : i32
        %get3A_1411 = arith.index_cast %get3A_1410 : i32 to index
        %get3A_1412 = arith.index_cast %mul3A_1409 : i32 to index
        %get3A_1413 = tpu.vector_load %arg4[%get3A_1411, %get3A_1412] {strides = array<i32>} : memref<32x2048xf32, #tpu.memory_space<vmem>>, vector<16xf32>,
        %masked_sort3A_1414 = arith.constant dense<true> : vector<16xi1>
        %masked_sort3A_1415, %masked_sort3A_1416, %masked_sort3A_1417 = tpu.sort %get3A_1413, %add3A_1360 masked %masked_sort3A_1414 : (vector<16xf32>, vector<16xi32>, vector<16xi1>) -> (vector<16xi1>, vector<16xf32>, vector<16xi32>)
        %min3A_1418 = arith.minimumf %masked_sort3A_1416, %scan3A_1347 : vector<16xf32>
        %le3A_1419 = arith.cmpf ole, %masked_sort3A_1416, %scan3A_1347 : vector<16xf32>
        %select_n3A_1420 = arith.select %le3A_1419, %masked_sort3A_1417, %scan3A_1348 : vector<16xi1>, vector<16xi32>
        %masked_sort3A_1421 = arith.constant dense<true> : vector<16xi1>
        %masked_sort3A_1422, %masked_sort3A_1423, %masked_sort3A_1424 = tpu.sort %min3A_1418, %select_n3A_1420 masked %masked_sort3A_1421 {descending = true} : (vector<16xf32>, vector<16xi32>, vector<16xi1>) -> (vector<16xi1>, vector<16xf32>, vector<16xi32>)
        %mul3A_1425 = arith.constant 16 : i32
        %mul3A_1426 = arith.muli %scan3A_1340, %mul3A_1425 : i32
        %get3A_1427 = arith.constant 4 : i32
        %get3A_1428 = arith.index_cast %get3A_1427 : i32 to index
        %get3A_1429 = arith.index_cast %mul3A_1426 : i32 to index
        %get3A_1430 = tpu.vector_load %arg4[%get3A_1428, %get3A_1429] {strides = array<i32>} : memref<32x2048xf32, #tpu.memory_space<vmem>>, vector<16xf32>,
        %masked_sort3A_1431 = arith.constant dense<true> : vector<16xi1>
        %masked_sort3A_1432, %masked_sort3A_1433, %masked_sort3A_1434 = tpu.sort %get3A_1430, %add3A_1360 masked %masked_sort3A_1431 : (vector<16xf32>, vector<16xi32>, vector<16xi1>) -> (vector<16xi1>, vector<16xf32>, vector<16xi32>)
        %min3A_1435 = arith.minimumf %masked_sort3A_1433, %scan3A_1349 : vector<16xf32>
        %le3A_1436 = arith.cmpf ole, %masked_sort3A_1433, %scan3A_1349 : vector<16xf32>
        %select_n3A_1437 = arith.select %le3A_1436, %masked_sort3A_1434, %scan3A_1350 : vector<16xi1>, vector<16xi32>
        %masked_sort3A_1438 = arith.constant dense<true> : vector<16xi1>
        %masked_sort3A_1439, %masked_sort3A_1440, %masked_sort3A_1441 = tpu.sort %min3A_1435, %select_n3A_1437 masked %masked_sort3A_1438 {descending = true} : (vector<16xf32>, vector<16xi32>, vector<16xi1>) -> (vector<16xi1>, vector<16xf32>, vector<16xi32>)
        %mul3A_1442 = arith.constant 16 : i32
        %mul3A_1443 = arith.muli %scan3A_1340, %mul3A_1442 : i32
        %get3A_1444 = arith.constant 5 : i32
        %get3A_1445 = arith.index_cast %get3A_1444 : i32 to index
        %get3A_1446 = arith.index_cast %mul3A_1443 : i32 to index
        %get3A_1447 = tpu.vector_load %arg4[%get3A_1445, %get3A_1446] {strides = array<i32>} : memref<32x2048xf32, #tpu.memory_space<vmem>>, vector<16xf32>,
        %masked_sort3A_1448 = arith.constant dense<true> : vector<16xi1>
        %masked_sort3A_1449, %masked_sort3A_1450, %masked_sort3A_1451 = tpu.sort %get3A_1447, %add3A_1360 masked %masked_sort3A_1448 : (vector<16xf32>, vector<16xi32>, vector<16xi1>) -> (vector<16xi1>, vector<16xf32>, vector<16xi32>)
        %min3A_1452 = arith.minimumf %masked_sort3A_1450, %scan3A_1351 : vector<16xf32>
        %le3A_1453 = arith.cmpf ole, %masked_sort3A_1450, %scan3A_1351 : vector<16xf32>
        %select_n3A_1454 = arith.select %le3A_1453, %masked_sort3A_1451, %scan3A_1352 : vector<16xi1>, vector<16xi32>
        %masked_sort3A_1455 = arith.constant dense<true> : vector<16xi1>
        %masked_sort3A_1456, %masked_sort3A_1457, %masked_sort3A_1458 = tpu.sort %min3A_1452, %select_n3A_1454 masked %masked_sort3A_1455 {descending = true} : (vector<16xf32>, vector<16xi32>, vector<16xi1>) -> (vector<16xi1>, vector<16xf32>, vector<16xi32>)
        %mul3A_1459 = arith.constant 16 : i32
        %mul3A_1460 = arith.muli %scan3A_1340, %mul3A_1459 : i32
        %get3A_1461 = arith.constant 6 : i32
        %get3A_1462 = arith.index_cast %get3A_1461 : i32 to index
        %get3A_1463 = arith.index_cast %mul3A_1460 : i32 to index
        %get3A_1464 = tpu.vector_load %arg4[%get3A_1462, %get3A_1463] {strides = array<i32>} : memref<32x2048xf32, #tpu.memory_space<vmem>>, vector<16xf32>,
        %masked_sort3A_1465 = arith.constant dense<true> : vector<16xi1>
        %masked_sort3A_1466, %masked_sort3A_1467, %masked_sort3A_1468 = tpu.sort %get3A_1464, %add3A_1360 masked %masked_sort3A_1465 : (vector<16xf32>, vector<16xi32>, vector<16xi1>) -> (vector<16xi1>, vector<16xf32>, vector<16xi32>)
        %min3A_1469 = arith.minimumf %masked_sort3A_1467, %scan3A_1353 : vector<16xf32>
        %le3A_1470 = arith.cmpf ole, %masked_sort3A_1467, %scan3A_1353 : vector<16xf32>
        %select_n3A_1471 = arith.select %le3A_1470, %masked_sort3A_1468, %scan3A_1354 : vector<16xi1>, vector<16xi32>
        %masked_sort3A_1472 = arith.constant dense<true> : vector<16xi1>
        %masked_sort3A_1473, %masked_sort3A_1474, %masked_sort3A_1475 = tpu.sort %min3A_1469, %select_n3A_1471 masked %masked_sort3A_1472 {descending = true} : (vector<16xf32>, vector<16xi32>, vector<16xi1>) -> (vector<16xi1>, vector<16xf32>, vector<16xi32>)
        %mul3A_1476 = arith.constant 16 : i32
        %mul3A_1477 = arith.muli %scan3A_1340, %mul3A_1476 : i32
        %get3A_1478 = arith.constant 7 : i32
        %get3A_1479 = arith.index_cast %get3A_1478 : i32 to index
        %get3A_1480 = arith.index_cast %mul3A_1477 : i32 to index
        %get3A_1481 = tpu.vector_load %arg4[%get3A_1479, %get3A_1480] {strides = array<i32>} : memref<32x2048xf32, #tpu.memory_space<vmem>>, vector<16xf32>,
        %masked_sort3A_1482 = arith.constant dense<true> : vector<16xi1>
        %masked_sort3A_1483, %masked_sort3A_1484, %masked_sort3A_1485 = tpu.sort %get3A_1481, %add3A_1360 masked %masked_sort3A_1482 : (vector<16xf32>, vector<16xi32>, vector<16xi1>) -> (vector<16xi1>, vector<16xf32>, vector<16xi32>)
        %min3A_1486 = arith.minimumf %masked_sort3A_1484, %scan3A_1355 : vector<16xf32>
        %le3A_1487 = arith.cmpf ole, %masked_sort3A_1484, %scan3A_1355 : vector<16xf32>
        %select_n3A_1488 = arith.select %le3A_1487, %masked_sort3A_1485, %scan3A_1356 : vector<16xi1>, vector<16xi32>
        %masked_sort3A_1489 = arith.constant dense<true> : vector<16xi1>
        %masked_sort3A_1490, %masked_sort3A_1491, %masked_sort3A_1492 = tpu.sort %min3A_1486, %select_n3A_1488 masked %masked_sort3A_1489 {descending = true} : (vector<16xf32>, vector<16xi32>, vector<16xi1>) -> (vector<16xi1>, vector<16xf32>, vector<16xi32>)
        scf.yield %masked_sort3A_1372, %masked_sort3A_1373, %masked_sort3A_1389, %masked_sort3A_1390, %masked_sort3A_1406, %masked_sort3A_1407, %masked_sort3A_1423, %masked_sort3A_1424, %masked_sort3A_1440, %masked_sort3A_1441, %masked_sort3A_1457, %masked_sort3A_1458, %masked_sort3A_1474, %masked_sort3A_1475, %masked_sort3A_1491, %masked_sort3A_1492 : vector<16xf32>, vector<16xi32>, vector<16xf32>, vector<16xi32>, vector<16xf32>, vector<16xi32>, vector<16xf32>, vector<16xi32>, vector<16xf32>, vector<16xi32>, vector<16xf32>, vector<16xi32>, vector<16xf32>, vector<16xi32>, vector<16xf32>, vector<16xi32>
      }
      %scan3A_19 = arith.constant 128 : i32
      %add3A_20 = arith.constant 0 : i32
      %add3A_21 = arith.addi %add3A_13, %add3A_20 : i32
      %add3A_22 = arith.constant 0 : i32
      %add3A_23 = arith.addi %add3A_21, %add3A_22 : i32
      %jit3A = arith.constant 2048 : i32
      %div3A = arith.divsi %add3A_23, %jit3A : i32
      %sign3A = arith.constant 0 : i32
      %sign3A_24 = arith.cmpi sgt, %add3A_23, %sign3A : i32
      %sign3A_25 = arith.extui %sign3A_24 : i1 to i32
      %sign3A_26 = arith.constant 0 : i32
      %sign3A_27 = arith.cmpi slt, %add3A_23, %sign3A_26 : i32
      %sign3A_28 = arith.extui %sign3A_27 : i1 to i32
      %sign3A_29 = arith.subi %sign3A_25, %sign3A_28 : i32
      %sign3A_30 = arith.constant 0 : i32
      %sign3A_31 = arith.cmpi sgt, %jit3A, %sign3A_30 : i32
      %sign3A_32 = arith.extui %sign3A_31 : i1 to i32
      %sign3A_33 = arith.constant 0 : i32
      %sign3A_34 = arith.cmpi slt, %jit3A, %sign3A_33 : i32
      %sign3A_35 = arith.extui %sign3A_34 : i1 to i32
      %sign3A_36 = arith.subi %sign3A_32, %sign3A_35 : i32
      %ne3A = arith.cmpi ne, %sign3A_29, %sign3A_36 : i32
      %rem3A = arith.remsi %add3A_23, %jit3A : i32
      %ne3A_37 = arith.constant 0 : i32
      %ne3A_38 = arith.cmpi ne, %rem3A, %ne3A_37 : i32
      %and3A = arith.andi %ne3A, %ne3A_38 : i1
      %sub3A = arith.constant 1 : i32
      %sub3A_39 = arith.subi %div3A, %sub3A : i32
      %select_n3A = arith.select %and3A, %sub3A_39, %div3A : i32
      %mul3A_40 = arith.constant 2048 : i32
      %mul3A_41 = arith.muli %select_n3A, %mul3A_40 : i32
      %rev3A = arith.constant 15 : i32
      %rev3A_42 = vector.broadcast %rev3A : i32 to vector<16xi32>
      %rev3A_43 = tpu.iota {dimensions = array<i32: 0>} : vector<16xi32>
      %rev3A_44 = arith.subi %rev3A_42, %rev3A_43 : vector<16xi32>
      %rev3A_45 = tpu.dynamic_gather %scan3A_18#1[%rev3A_44] in [0] : vector<16xi32>, vector<16xi32> -> vector<16xi32>
      %add3A_46 = vector.broadcast %mul3A_41 : i32 to vector<16xi32>
      %add3A_47 = arith.addi %rev3A_45, %add3A_46 : vector<16xi32>
      %swap3A = arith.constant 0 : i32
      %swap3A_48 = arith.index_cast %swap3A : i32 to index
      %swap3A_49 = arith.constant 0 : index
      %swap3A_50 = tpu.vector_load %arg5[%swap3A_48, %swap3A_49] {strides = array<i32>} : memref<32x16xi32, #tpu.memory_space<vmem>>, vector<16xi32>,
      tpu.vector_store %arg5[%swap3A_48, %swap3A_49], %add3A_47 {strides = array<i32>} : memref<32x16xi32, #tpu.memory_space<vmem>>, vector<16xi32>,
      %add3A_51 = arith.constant 0 : i32
      %add3A_52 = arith.addi %add3A_13, %add3A_51 : i32
      %add3A_53 = arith.constant 1 : i32
      %add3A_54 = arith.addi %add3A_52, %add3A_53 : i32
      %jit3A_55 = arith.constant 2048 : i32
      %div3A_56 = arith.divsi %add3A_54, %jit3A_55 : i32
      %sign3A_57 = arith.constant 0 : i32
      %sign3A_58 = arith.cmpi sgt, %add3A_54, %sign3A_57 : i32
      %sign3A_59 = arith.extui %sign3A_58 : i1 to i32
      %sign3A_60 = arith.constant 0 : i32
      %sign3A_61 = arith.cmpi slt, %add3A_54, %sign3A_60 : i32
      %sign3A_62 = arith.extui %sign3A_61 : i1 to i32
      %sign3A_63 = arith.subi %sign3A_59, %sign3A_62 : i32
      %sign3A_64 = arith.constant 0 : i32
      %sign3A_65 = arith.cmpi sgt, %jit3A_55, %sign3A_64 : i32
      %sign3A_66 = arith.extui %sign3A_65 : i1 to i32
      %sign3A_67 = arith.constant 0 : i32
      %sign3A_68 = arith.cmpi slt, %jit3A_55, %sign3A_67 : i32
      %sign3A_69 = arith.extui %sign3A_68 : i1 to i32
      %sign3A_70 = arith.subi %sign3A_66, %sign3A_69 : i32
      %ne3A_71 = arith.cmpi ne, %sign3A_63, %sign3A_70 : i32
      %rem3A_72 = arith.remsi %add3A_54, %jit3A_55 : i32
      %ne3A_73 = arith.constant 0 : i32
      %ne3A_74 = arith.cmpi ne, %rem3A_72, %ne3A_73 : i32
      %and3A_75 = arith.andi %ne3A_71, %ne3A_74 : i1
      %sub3A_76 = arith.constant 1 : i32
      %sub3A_77 = arith.subi %div3A_56, %sub3A_76 : i32
      %select_n3A_78 = arith.select %and3A_75, %sub3A_77, %div3A_56 : i32
      %mul3A_79 = arith.constant 2048 : i32
      %mul3A_80 = arith.muli %select_n3A_78, %mul3A_79 : i32
      %rev3A_81 = arith.constant 15 : i32
      %rev3A_82 = vector.broadcast %rev3A_81 : i32 to vector<16xi32>
      %rev3A_83 = tpu.iota {dimensions = array<i32: 0>} : vector<16xi32>
      %rev3A_84 = arith.subi %rev3A_82, %rev3A_83 : vector<16xi32>
      %rev3A_85 = tpu.dynamic_gather %scan3A_18#3[%rev3A_84] in [0] : vector<16xi32>, vector<16xi32> -> vector<16xi32>
      %add3A_86 = vector.broadcast %mul3A_80 : i32 to vector<16xi32>
      %add3A_87 = arith.addi %rev3A_85, %add3A_86 : vector<16xi32>
      %swap3A_88 = arith.constant 1 : i32
      %swap3A_89 = arith.index_cast %swap3A_88 : i32 to index
      %swap3A_90 = arith.constant 0 : index
      %swap3A_91 = tpu.vector_load %arg5[%swap3A_89, %swap3A_90] {strides = array<i32>} : memref<32x16xi32, #tpu.memory_space<vmem>>, vector<16xi32>,
      tpu.vector_store %arg5[%swap3A_89, %swap3A_90], %add3A_87 {strides = array<i32>} : memref<32x16xi32, #tpu.memory_space<vmem>>, vector<16xi32>,
      %add3A_92 = arith.constant 0 : i32
      %add3A_93 = arith.addi %add3A_13, %add3A_92 : i32
      %add3A_94 = arith.constant 2 : i32
      %add3A_95 = arith.addi %add3A_93, %add3A_94 : i32
      %jit3A_96 = arith.constant 2048 : i32
      %div3A_97 = arith.divsi %add3A_95, %jit3A_96 : i32
      %sign3A_98 = arith.constant 0 : i32
      %sign3A_99 = arith.cmpi sgt, %add3A_95, %sign3A_98 : i32
      %sign3A_100 = arith.extui %sign3A_99 : i1 to i32
      %sign3A_101 = arith.constant 0 : i32
      %sign3A_102 = arith.cmpi slt, %add3A_95, %sign3A_101 : i32
      %sign3A_103 = arith.extui %sign3A_102 : i1 to i32
      %sign3A_104 = arith.subi %sign3A_100, %sign3A_103 : i32
      %sign3A_105 = arith.constant 0 : i32
      %sign3A_106 = arith.cmpi sgt, %jit3A_96, %sign3A_105 : i32
      %sign3A_107 = arith.extui %sign3A_106 : i1 to i32
      %sign3A_108 = arith.constant 0 : i32
      %sign3A_109 = arith.cmpi slt, %jit3A_96, %sign3A_108 : i32
      %sign3A_110 = arith.extui %sign3A_109 : i1 to i32
      %sign3A_111 = arith.subi %sign3A_107, %sign3A_110 : i32
      %ne3A_112 = arith.cmpi ne, %sign3A_104, %sign3A_111 : i32
      %rem3A_113 = arith.remsi %add3A_95, %jit3A_96 : i32
      %ne3A_114 = arith.constant 0 : i32
      %ne3A_115 = arith.cmpi ne, %rem3A_113, %ne3A_114 : i32
      %and3A_116 = arith.andi %ne3A_112, %ne3A_115 : i1
      %sub3A_117 = arith.constant 1 : i32
      %sub3A_118 = arith.subi %div3A_97, %sub3A_117 : i32
      %select_n3A_119 = arith.select %and3A_116, %sub3A_118, %div3A_97 : i32
      %mul3A_120 = arith.constant 2048 : i32
      %mul3A_121 = arith.muli %select_n3A_119, %mul3A_120 : i32
      %rev3A_122 = arith.constant 15 : i32
      %rev3A_123 = vector.broadcast %rev3A_122 : i32 to vector<16xi32>
      %rev3A_124 = tpu.iota {dimensions = array<i32: 0>} : vector<16xi32>
      %rev3A_125 = arith.subi %rev3A_123, %rev3A_124 : vector<16xi32>
      %rev3A_126 = tpu.dynamic_gather %scan3A_18#5[%rev3A_125] in [0] : vector<16xi32>, vector<16xi32> -> vector<16xi32>
      %add3A_127 = vector.broadcast %mul3A_121 : i32 to vector<16xi32>
      %add3A_128 = arith.addi %rev3A_126, %add3A_127 : vector<16xi32>
      %swap3A_129 = arith.constant 2 : i32
      %swap3A_130 = arith.index_cast %swap3A_129 : i32 to index
      %swap3A_131 = arith.constant 0 : index
      %swap3A_132 = tpu.vector_load %arg5[%swap3A_130, %swap3A_131] {strides = array<i32>} : memref<32x16xi32, #tpu.memory_space<vmem>>, vector<16xi32>,
      tpu.vector_store %arg5[%swap3A_130, %swap3A_131], %add3A_128 {strides = array<i32>} : memref<32x16xi32, #tpu.memory_space<vmem>>, vector<16xi32>,
      %add3A_133 = arith.constant 0 : i32
      %add3A_134 = arith.addi %add3A_13, %add3A_133 : i32
      %add3A_135 = arith.constant 3 : i32
      %add3A_136 = arith.addi %add3A_134, %add3A_135 : i32
      %jit3A_137 = arith.constant 2048 : i32
      %div3A_138 = arith.divsi %add3A_136, %jit3A_137 : i32
      %sign3A_139 = arith.constant 0 : i32
      %sign3A_140 = arith.cmpi sgt, %add3A_136, %sign3A_139 : i32
      %sign3A_141 = arith.extui %sign3A_140 : i1 to i32
      %sign3A_142 = arith.constant 0 : i32
      %sign3A_143 = arith.cmpi slt, %add3A_136, %sign3A_142 : i32
      %sign3A_144 = arith.extui %sign3A_143 : i1 to i32
      %sign3A_145 = arith.subi %sign3A_141, %sign3A_144 : i32
      %sign3A_146 = arith.constant 0 : i32
      %sign3A_147 = arith.cmpi sgt, %jit3A_137, %sign3A_146 : i32
      %sign3A_148 = arith.extui %sign3A_147 : i1 to i32
      %sign3A_149 = arith.constant 0 : i32
      %sign3A_150 = arith.cmpi slt, %jit3A_137, %sign3A_149 : i32
      %sign3A_151 = arith.extui %sign3A_150 : i1 to i32
      %sign3A_152 = arith.subi %sign3A_148, %sign3A_151 : i32
      %ne3A_153 = arith.cmpi ne, %sign3A_145, %sign3A_152 : i32
      %rem3A_154 = arith.remsi %add3A_136, %jit3A_137 : i32
      %ne3A_155 = arith.constant 0 : i32
      %ne3A_156 = arith.cmpi ne, %rem3A_154, %ne3A_155 : i32
      %and3A_157 = arith.andi %ne3A_153, %ne3A_156 : i1
      %sub3A_158 = arith.constant 1 : i32
      %sub3A_159 = arith.subi %div3A_138, %sub3A_158 : i32
      %select_n3A_160 = arith.select %and3A_157, %sub3A_159, %div3A_138 : i32
      %mul3A_161 = arith.constant 2048 : i32
      %mul3A_162 = arith.muli %select_n3A_160, %mul3A_161 : i32
      %rev3A_163 = arith.constant 15 : i32
      %rev3A_164 = vector.broadcast %rev3A_163 : i32 to vector<16xi32>
      %rev3A_165 = tpu.iota {dimensions = array<i32: 0>} : vector<16xi32>
      %rev3A_166 = arith.subi %rev3A_164, %rev3A_165 : vector<16xi32>
      %rev3A_167 = tpu.dynamic_gather %scan3A_18#7[%rev3A_166] in [0] : vector<16xi32>, vector<16xi32> -> vector<16xi32>
      %add3A_168 = vector.broadcast %mul3A_162 : i32 to vector<16xi32>
      %add3A_169 = arith.addi %rev3A_167, %add3A_168 : vector<16xi32>
      %swap3A_170 = arith.constant 3 : i32
      %swap3A_171 = arith.index_cast %swap3A_170 : i32 to index
      %swap3A_172 = arith.constant 0 : index
      %swap3A_173 = tpu.vector_load %arg5[%swap3A_171, %swap3A_172] {strides = array<i32>} : memref<32x16xi32, #tpu.memory_space<vmem>>, vector<16xi32>,
      tpu.vector_store %arg5[%swap3A_171, %swap3A_172], %add3A_169 {strides = array<i32>} : memref<32x16xi32, #tpu.memory_space<vmem>>, vector<16xi32>,
      %add3A_174 = arith.constant 0 : i32
      %add3A_175 = arith.addi %add3A_13, %add3A_174 : i32
      %add3A_176 = arith.constant 4 : i32
      %add3A_177 = arith.addi %add3A_175, %add3A_176 : i32
      %jit3A_178 = arith.constant 2048 : i32
      %div3A_179 = arith.divsi %add3A_177, %jit3A_178 : i32
      %sign3A_180 = arith.constant 0 : i32
      %sign3A_181 = arith.cmpi sgt, %add3A_177, %sign3A_180 : i32
      %sign3A_182 = arith.extui %sign3A_181 : i1 to i32
      %sign3A_183 = arith.constant 0 : i32
      %sign3A_184 = arith.cmpi slt, %add3A_177, %sign3A_183 : i32
      %sign3A_185 = arith.extui %sign3A_184 : i1 to i32
      %sign3A_186 = arith.subi %sign3A_182, %sign3A_185 : i32
      %sign3A_187 = arith.constant 0 : i32
      %sign3A_188 = arith.cmpi sgt, %jit3A_178, %sign3A_187 : i32
      %sign3A_189 = arith.extui %sign3A_188 : i1 to i32
      %sign3A_190 = arith.constant 0 : i32
      %sign3A_191 = arith.cmpi slt, %jit3A_178, %sign3A_190 : i32
      %sign3A_192 = arith.extui %sign3A_191 : i1 to i32
      %sign3A_193 = arith.subi %sign3A_189, %sign3A_192 : i32
      %ne3A_194 = arith.cmpi ne, %sign3A_186, %sign3A_193 : i32
      %rem3A_195 = arith.remsi %add3A_177, %jit3A_178 : i32
      %ne3A_196 = arith.constant 0 : i32
      %ne3A_197 = arith.cmpi ne, %rem3A_195, %ne3A_196 : i32
      %and3A_198 = arith.andi %ne3A_194, %ne3A_197 : i1
      %sub3A_199 = arith.constant 1 : i32
      %sub3A_200 = arith.subi %div3A_179, %sub3A_199 : i32
      %select_n3A_201 = arith.select %and3A_198, %sub3A_200, %div3A_179 : i32
      %mul3A_202 = arith.constant 2048 : i32
      %mul3A_203 = arith.muli %select_n3A_201, %mul3A_202 : i32
      %rev3A_204 = arith.constant 15 : i32
      %rev3A_205 = vector.broadcast %rev3A_204 : i32 to vector<16xi32>
      %rev3A_206 = tpu.iota {dimensions = array<i32: 0>} : vector<16xi32>
      %rev3A_207 = arith.subi %rev3A_205, %rev3A_206 : vector<16xi32>
      %rev3A_208 = tpu.dynamic_gather %scan3A_18#9[%rev3A_207] in [0] : vector<16xi32>, vector<16xi32> -> vector<16xi32>
      %add3A_209 = vector.broadcast %mul3A_203 : i32 to vector<16xi32>
      %add3A_210 = arith.addi %rev3A_208, %add3A_209 : vector<16xi32>
      %swap3A_211 = arith.constant 4 : i32
      %swap3A_212 = arith.index_cast %swap3A_211 : i32 to index
      %swap3A_213 = arith.constant 0 : index
      %swap3A_214 = tpu.vector_load %arg5[%swap3A_212, %swap3A_213] {strides = array<i32>} : memref<32x16xi32, #tpu.memory_space<vmem>>, vector<16xi32>,
      tpu.vector_store %arg5[%swap3A_212, %swap3A_213], %add3A_210 {strides = array<i32>} : memref<32x16xi32, #tpu.memory_space<vmem>>, vector<16xi32>,
      %add3A_215 = arith.constant 0 : i32
      %add3A_216 = arith.addi %add3A_13, %add3A_215 : i32
      %add3A_217 = arith.constant 5 : i32
      %add3A_218 = arith.addi %add3A_216, %add3A_217 : i32
      %jit3A_219 = arith.constant 2048 : i32
      %div3A_220 = arith.divsi %add3A_218, %jit3A_219 : i32
      %sign3A_221 = arith.constant 0 : i32
      %sign3A_222 = arith.cmpi sgt, %add3A_218, %sign3A_221 : i32
      %sign3A_223 = arith.extui %sign3A_222 : i1 to i32
      %sign3A_224 = arith.constant 0 : i32
      %sign3A_225 = arith.cmpi slt, %add3A_218, %sign3A_224 : i32
      %sign3A_226 = arith.extui %sign3A_225 : i1 to i32
      %sign3A_227 = arith.subi %sign3A_223, %sign3A_226 : i32
      %sign3A_228 = arith.constant 0 : i32
      %sign3A_229 = arith.cmpi sgt, %jit3A_219, %sign3A_228 : i32
      %sign3A_230 = arith.extui %sign3A_229 : i1 to i32
      %sign3A_231 = arith.constant 0 : i32
      %sign3A_232 = arith.cmpi slt, %jit3A_219, %sign3A_231 : i32
      %sign3A_233 = arith.extui %sign3A_232 : i1 to i32
      %sign3A_234 = arith.subi %sign3A_230, %sign3A_233 : i32
      %ne3A_235 = arith.cmpi ne, %sign3A_227, %sign3A_234 : i32
      %rem3A_236 = arith.remsi %add3A_218, %jit3A_219 : i32
      %ne3A_237 = arith.constant 0 : i32
      %ne3A_238 = arith.cmpi ne, %rem3A_236, %ne3A_237 : i32
      %and3A_239 = arith.andi %ne3A_235, %ne3A_238 : i1
      %sub3A_240 = arith.constant 1 : i32
      %sub3A_241 = arith.subi %div3A_220, %sub3A_240 : i32
      %select_n3A_242 = arith.select %and3A_239, %sub3A_241, %div3A_220 : i32
      %mul3A_243 = arith.constant 2048 : i32
      %mul3A_244 = arith.muli %select_n3A_242, %mul3A_243 : i32
      %rev3A_245 = arith.constant 15 : i32
      %rev3A_246 = vector.broadcast %rev3A_245 : i32 to vector<16xi32>
      %rev3A_247 = tpu.iota {dimensions = array<i32: 0>} : vector<16xi32>
      %rev3A_248 = arith.subi %rev3A_246, %rev3A_247 : vector<16xi32>
      %rev3A_249 = tpu.dynamic_gather %scan3A_18#11[%rev3A_248] in [0] : vector<16xi32>, vector<16xi32> -> vector<16xi32>
      %add3A_250 = vector.broadcast %mul3A_244 : i32 to vector<16xi32>
      %add3A_251 = arith.addi %rev3A_249, %add3A_250 : vector<16xi32>
      %swap3A_252 = arith.constant 5 : i32
      %swap3A_253 = arith.index_cast %swap3A_252 : i32 to index
      %swap3A_254 = arith.constant 0 : index
      %swap3A_255 = tpu.vector_load %arg5[%swap3A_253, %swap3A_254] {strides = array<i32>} : memref<32x16xi32, #tpu.memory_space<vmem>>, vector<16xi32>,
      tpu.vector_store %arg5[%swap3A_253, %swap3A_254], %add3A_251 {strides = array<i32>} : memref<32x16xi32, #tpu.memory_space<vmem>>, vector<16xi32>,
      %add3A_256 = arith.constant 0 : i32
      %add3A_257 = arith.addi %add3A_13, %add3A_256 : i32
      %add3A_258 = arith.constant 6 : i32
      %add3A_259 = arith.addi %add3A_257, %add3A_258 : i32
      %jit3A_260 = arith.constant 2048 : i32
      %div3A_261 = arith.divsi %add3A_259, %jit3A_260 : i32
      %sign3A_262 = arith.constant 0 : i32
      %sign3A_263 = arith.cmpi sgt, %add3A_259, %sign3A_262 : i32
      %sign3A_264 = arith.extui %sign3A_263 : i1 to i32
      %sign3A_265 = arith.constant 0 : i32
      %sign3A_266 = arith.cmpi slt, %add3A_259, %sign3A_265 : i32
      %sign3A_267 = arith.extui %sign3A_266 : i1 to i32
      %sign3A_268 = arith.subi %sign3A_264, %sign3A_267 : i32
      %sign3A_269 = arith.constant 0 : i32
      %sign3A_270 = arith.cmpi sgt, %jit3A_260, %sign3A_269 : i32
      %sign3A_271 = arith.extui %sign3A_270 : i1 to i32
      %sign3A_272 = arith.constant 0 : i32
      %sign3A_273 = arith.cmpi slt, %jit3A_260, %sign3A_272 : i32
      %sign3A_274 = arith.extui %sign3A_273 : i1 to i32
      %sign3A_275 = arith.subi %sign3A_271, %sign3A_274 : i32
      %ne3A_276 = arith.cmpi ne, %sign3A_268, %sign3A_275 : i32
      %rem3A_277 = arith.remsi %add3A_259, %jit3A_260 : i32
      %ne3A_278 = arith.constant 0 : i32
      %ne3A_279 = arith.cmpi ne, %rem3A_277, %ne3A_278 : i32
      %and3A_280 = arith.andi %ne3A_276, %ne3A_279 : i1
      %sub3A_281 = arith.constant 1 : i32
      %sub3A_282 = arith.subi %div3A_261, %sub3A_281 : i32
      %select_n3A_283 = arith.select %and3A_280, %sub3A_282, %div3A_261 : i32
      %mul3A_284 = arith.constant 2048 : i32
      %mul3A_285 = arith.muli %select_n3A_283, %mul3A_284 : i32
      %rev3A_286 = arith.constant 15 : i32
      %rev3A_287 = vector.broadcast %rev3A_286 : i32 to vector<16xi32>
      %rev3A_288 = tpu.iota {dimensions = array<i32: 0>} : vector<16xi32>
      %rev3A_289 = arith.subi %rev3A_287, %rev3A_288 : vector<16xi32>
      %rev3A_290 = tpu.dynamic_gather %scan3A_18#13[%rev3A_289] in [0] : vector<16xi32>, vector<16xi32> -> vector<16xi32>
      %add3A_291 = vector.broadcast %mul3A_285 : i32 to vector<16xi32>
      %add3A_292 = arith.addi %rev3A_290, %add3A_291 : vector<16xi32>
      %swap3A_293 = arith.constant 6 : i32
      %swap3A_294 = arith.index_cast %swap3A_293 : i32 to index
      %swap3A_295 = arith.constant 0 : index
      %swap3A_296 = tpu.vector_load %arg5[%swap3A_294, %swap3A_295] {strides = array<i32>} : memref<32x16xi32, #tpu.memory_space<vmem>>, vector<16xi32>,
      tpu.vector_store %arg5[%swap3A_294, %swap3A_295], %add3A_292 {strides = array<i32>} : memref<32x16xi32, #tpu.memory_space<vmem>>, vector<16xi32>,
      %add3A_297 = arith.constant 0 : i32
      %add3A_298 = arith.addi %add3A_13, %add3A_297 : i32
      %add3A_299 = arith.constant 7 : i32
      %add3A_300 = arith.addi %add3A_298, %add3A_299 : i32
      %jit3A_301 = arith.constant 2048 : i32
      %div3A_302 = arith.divsi %add3A_300, %jit3A_301 : i32
      %sign3A_303 = arith.constant 0 : i32
      %sign3A_304 = arith.cmpi sgt, %add3A_300, %sign3A_303 : i32
      %sign3A_305 = arith.extui %sign3A_304 : i1 to i32
      %sign3A_306 = arith.constant 0 : i32
      %sign3A_307 = arith.cmpi slt, %add3A_300, %sign3A_306 : i32
      %sign3A_308 = arith.extui %sign3A_307 : i1 to i32
      %sign3A_309 = arith.subi %sign3A_305, %sign3A_308 : i32
      %sign3A_310 = arith.constant 0 : i32
      %sign3A_311 = arith.cmpi sgt, %jit3A_301, %sign3A_310 : i32
      %sign3A_312 = arith.extui %sign3A_311 : i1 to i32
      %sign3A_313 = arith.constant 0 : i32
      %sign3A_314 = arith.cmpi slt, %jit3A_301, %sign3A_313 : i32
      %sign3A_315 = arith.extui %sign3A_314 : i1 to i32
      %sign3A_316 = arith.subi %sign3A_312, %sign3A_315 : i32
      %ne3A_317 = arith.cmpi ne, %sign3A_309, %sign3A_316 : i32
      %rem3A_318 = arith.remsi %add3A_300, %jit3A_301 : i32
      %ne3A_319 = arith.constant 0 : i32
      %ne3A_320 = arith.cmpi ne, %rem3A_318, %ne3A_319 : i32
      %and3A_321 = arith.andi %ne3A_317, %ne3A_320 : i1
      %sub3A_322 = arith.constant 1 : i32
      %sub3A_323 = arith.subi %div3A_302, %sub3A_322 : i32
      %select_n3A_324 = arith.select %and3A_321, %sub3A_323, %div3A_302 : i32
      %mul3A_325 = arith.constant 2048 : i32
      %mul3A_326 = arith.muli %select_n3A_324, %mul3A_325 : i32
      %rev3A_327 = arith.constant 15 : i32
      %rev3A_328 = vector.broadcast %rev3A_327 : i32 to vector<16xi32>
      %rev3A_329 = tpu.iota {dimensions = array<i32: 0>} : vector<16xi32>
      %rev3A_330 = arith.subi %rev3A_328, %rev3A_329 : vector<16xi32>
      %rev3A_331 = tpu.dynamic_gather %scan3A_18#15[%rev3A_330] in [0] : vector<16xi32>, vector<16xi32> -> vector<16xi32>
      %add3A_332 = vector.broadcast %mul3A_326 : i32 to vector<16xi32>
      %add3A_333 = arith.addi %rev3A_331, %add3A_332 : vector<16xi32>
      %swap3A_334 = arith.constant 7 : i32
      %swap3A_335 = arith.index_cast %swap3A_334 : i32 to index
      %swap3A_336 = arith.constant 0 : index
      %swap3A_337 = tpu.vector_load %arg5[%swap3A_335, %swap3A_336] {strides = array<i32>} : memref<32x16xi32, #tpu.memory_space<vmem>>, vector<16xi32>,
      tpu.vector_store %arg5[%swap3A_335, %swap3A_336], %add3A_333 {strides = array<i32>} : memref<32x16xi32, #tpu.memory_space<vmem>>, vector<16xi32>,
      %scan3A_338 = arith.constant 0 : i32
      %scan3A_339 = arith.constant 128 : i32
      %scan3A_340 = arith.addi %scan3A_338, %scan3A_339 : i32
      %scan3A_341 = arith.constant 1 : i32
      %scan3A_342:16 = scf.for %scan3A_1340 = %scan3A_338 to %scan3A_340 step %scan3A_341 iter_args(%scan3A_1341 = %broadcast_in_dim3A_1, %scan3A_1342 = %broadcast_in_dim3A_3, %scan3A_1343 = %broadcast_in_dim3A_1, %scan3A_1344 = %broadcast_in_dim3A_3, %scan3A_1345 = %broadcast_in_dim3A_1, %scan3A_1346 = %broadcast_in_dim3A_3, %scan3A_1347 = %broadcast_in_dim3A_1, %scan3A_1348 = %broadcast_in_dim3A_3, %scan3A_1349 = %broadcast_in_dim3A_1, %scan3A_1350 = %broadcast_in_dim3A_3, %scan3A_1351 = %broadcast_in_dim3A_1, %scan3A_1352 = %broadcast_in_dim3A_3, %scan3A_1353 = %broadcast_in_dim3A_1, %scan3A_1354 = %broadcast_in_dim3A_3, %scan3A_1355 = %broadcast_in_dim3A_1, %scan3A_1356 = %broadcast_in_dim3A_3) -> (vector<16xf32>, vector<16xi32>, vector<16xf32>, vector<16xi32>, vector<16xf32>, vector<16xi32>, vector<16xf32>, vector<16xi32>, vector<16xf32>, vector<16xi32>, vector<16xf32>, vector<16xi32>, vector<16xf32>, vector<16xi32>, vector<16xf32>, vector<16xi32>)  : i32 {
        %mul3A_1357 = arith.constant 16 : i32
        %mul3A_1358 = arith.muli %scan3A_1340, %mul3A_1357 : i32
        %add3A_1359 = vector.broadcast %mul3A_1358 : i32 to vector<16xi32>
        %add3A_1360 = arith.addi %iota3A, %add3A_1359 : vector<16xi32>
        %mul3A_1361 = arith.constant 16 : i32
        %mul3A_1362 = arith.muli %scan3A_1340, %mul3A_1361 : i32
        %get3A = arith.constant 8 : i32
        %get3A_1363 = arith.index_cast %get3A : i32 to index
        %get3A_1364 = arith.index_cast %mul3A_1362 : i32 to index
        %get3A_1365 = tpu.vector_load %arg4[%get3A_1363, %get3A_1364] {strides = array<i32>} : memref<32x2048xf32, #tpu.memory_space<vmem>>, vector<16xf32>,
        %masked_sort3A = arith.constant dense<true> : vector<16xi1>
        %masked_sort3A_1366, %masked_sort3A_1367, %masked_sort3A_1368 = tpu.sort %get3A_1365, %add3A_1360 masked %masked_sort3A : (vector<16xf32>, vector<16xi32>, vector<16xi1>) -> (vector<16xi1>, vector<16xf32>, vector<16xi32>)
        %min3A = arith.minimumf %masked_sort3A_1367, %scan3A_1341 : vector<16xf32>
        %le3A = arith.cmpf ole, %masked_sort3A_1367, %scan3A_1341 : vector<16xf32>
        %select_n3A_1369 = arith.select %le3A, %masked_sort3A_1368, %scan3A_1342 : vector<16xi1>, vector<16xi32>
        %masked_sort3A_1370 = arith.constant dense<true> : vector<16xi1>
        %masked_sort3A_1371, %masked_sort3A_1372, %masked_sort3A_1373 = tpu.sort %min3A, %select_n3A_1369 masked %masked_sort3A_1370 {descending = true} : (vector<16xf32>, vector<16xi32>, vector<16xi1>) -> (vector<16xi1>, vector<16xf32>, vector<16xi32>)
        %mul3A_1374 = arith.constant 16 : i32
        %mul3A_1375 = arith.muli %scan3A_1340, %mul3A_1374 : i32
        %get3A_1376 = arith.constant 9 : i32
        %get3A_1377 = arith.index_cast %get3A_1376 : i32 to index
        %get3A_1378 = arith.index_cast %mul3A_1375 : i32 to index
        %get3A_1379 = tpu.vector_load %arg4[%get3A_1377, %get3A_1378] {strides = array<i32>} : memref<32x2048xf32, #tpu.memory_space<vmem>>, vector<16xf32>,
        %masked_sort3A_1380 = arith.constant dense<true> : vector<16xi1>
        %masked_sort3A_1381, %masked_sort3A_1382, %masked_sort3A_1383 = tpu.sort %get3A_1379, %add3A_1360 masked %masked_sort3A_1380 : (vector<16xf32>, vector<16xi32>, vector<16xi1>) -> (vector<16xi1>, vector<16xf32>, vector<16xi32>)
        %min3A_1384 = arith.minimumf %masked_sort3A_1382, %scan3A_1343 : vector<16xf32>
        %le3A_1385 = arith.cmpf ole, %masked_sort3A_1382, %scan3A_1343 : vector<16xf32>
        %select_n3A_1386 = arith.select %le3A_1385, %masked_sort3A_1383, %scan3A_1344 : vector<16xi1>, vector<16xi32>
        %masked_sort3A_1387 = arith.constant dense<true> : vector<16xi1>
        %masked_sort3A_1388, %masked_sort3A_1389, %masked_sort3A_1390 = tpu.sort %min3A_1384, %select_n3A_1386 masked %masked_sort3A_1387 {descending = true} : (vector<16xf32>, vector<16xi32>, vector<16xi1>) -> (vector<16xi1>, vector<16xf32>, vector<16xi32>)
        %mul3A_1391 = arith.constant 16 : i32
        %mul3A_1392 = arith.muli %scan3A_1340, %mul3A_1391 : i32
        %get3A_1393 = arith.constant 10 : i32
        %get3A_1394 = arith.index_cast %get3A_1393 : i32 to index
        %get3A_1395 = arith.index_cast %mul3A_1392 : i32 to index
        %get3A_1396 = tpu.vector_load %arg4[%get3A_1394, %get3A_1395] {strides = array<i32>} : memref<32x2048xf32, #tpu.memory_space<vmem>>, vector<16xf32>,
        %masked_sort3A_1397 = arith.constant dense<true> : vector<16xi1>
        %masked_sort3A_1398, %masked_sort3A_1399, %masked_sort3A_1400 = tpu.sort %get3A_1396, %add3A_1360 masked %masked_sort3A_1397 : (vector<16xf32>, vector<16xi32>, vector<16xi1>) -> (vector<16xi1>, vector<16xf32>, vector<16xi32>)
        %min3A_1401 = arith.minimumf %masked_sort3A_1399, %scan3A_1345 : vector<16xf32>
        %le3A_1402 = arith.cmpf ole, %masked_sort3A_1399, %scan3A_1345 : vector<16xf32>
        %select_n3A_1403 = arith.select %le3A_1402, %masked_sort3A_1400, %scan3A_1346 : vector<16xi1>, vector<16xi32>
        %masked_sort3A_1404 = arith.constant dense<true> : vector<16xi1>
        %masked_sort3A_1405, %masked_sort3A_1406, %masked_sort3A_1407 = tpu.sort %min3A_1401, %select_n3A_1403 masked %masked_sort3A_1404 {descending = true} : (vector<16xf32>, vector<16xi32>, vector<16xi1>) -> (vector<16xi1>, vector<16xf32>, vector<16xi32>)
        %mul3A_1408 = arith.constant 16 : i32
        %mul3A_1409 = arith.muli %scan3A_1340, %mul3A_1408 : i32
        %get3A_1410 = arith.constant 11 : i32
        %get3A_1411 = arith.index_cast %get3A_1410 : i32 to index
        %get3A_1412 = arith.index_cast %mul3A_1409 : i32 to index
        %get3A_1413 = tpu.vector_load %arg4[%get3A_1411, %get3A_1412] {strides = array<i32>} : memref<32x2048xf32, #tpu.memory_space<vmem>>, vector<16xf32>,
        %masked_sort3A_1414 = arith.constant dense<true> : vector<16xi1>
        %masked_sort3A_1415, %masked_sort3A_1416, %masked_sort3A_1417 = tpu.sort %get3A_1413, %add3A_1360 masked %masked_sort3A_1414 : (vector<16xf32>, vector<16xi32>, vector<16xi1>) -> (vector<16xi1>, vector<16xf32>, vector<16xi32>)
        %min3A_1418 = arith.minimumf %masked_sort3A_1416, %scan3A_1347 : vector<16xf32>
        %le3A_1419 = arith.cmpf ole, %masked_sort3A_1416, %scan3A_1347 : vector<16xf32>
        %select_n3A_1420 = arith.select %le3A_1419, %masked_sort3A_1417, %scan3A_1348 : vector<16xi1>, vector<16xi32>
        %masked_sort3A_1421 = arith.constant dense<true> : vector<16xi1>
        %masked_sort3A_1422, %masked_sort3A_1423, %masked_sort3A_1424 = tpu.sort %min3A_1418, %select_n3A_1420 masked %masked_sort3A_1421 {descending = true} : (vector<16xf32>, vector<16xi32>, vector<16xi1>) -> (vector<16xi1>, vector<16xf32>, vector<16xi32>)
        %mul3A_1425 = arith.constant 16 : i32
        %mul3A_1426 = arith.muli %scan3A_1340, %mul3A_1425 : i32
        %get3A_1427 = arith.constant 12 : i32
        %get3A_1428 = arith.index_cast %get3A_1427 : i32 to index
        %get3A_1429 = arith.index_cast %mul3A_1426 : i32 to index
        %get3A_1430 = tpu.vector_load %arg4[%get3A_1428, %get3A_1429] {strides = array<i32>} : memref<32x2048xf32, #tpu.memory_space<vmem>>, vector<16xf32>,
        %masked_sort3A_1431 = arith.constant dense<true> : vector<16xi1>
        %masked_sort3A_1432, %masked_sort3A_1433, %masked_sort3A_1434 = tpu.sort %get3A_1430, %add3A_1360 masked %masked_sort3A_1431 : (vector<16xf32>, vector<16xi32>, vector<16xi1>) -> (vector<16xi1>, vector<16xf32>, vector<16xi32>)
        %min3A_1435 = arith.minimumf %masked_sort3A_1433, %scan3A_1349 : vector<16xf32>
        %le3A_1436 = arith.cmpf ole, %masked_sort3A_1433, %scan3A_1349 : vector<16xf32>
        %select_n3A_1437 = arith.select %le3A_1436, %masked_sort3A_1434, %scan3A_1350 : vector<16xi1>, vector<16xi32>
        %masked_sort3A_1438 = arith.constant dense<true> : vector<16xi1>
        %masked_sort3A_1439, %masked_sort3A_1440, %masked_sort3A_1441 = tpu.sort %min3A_1435, %select_n3A_1437 masked %masked_sort3A_1438 {descending = true} : (vector<16xf32>, vector<16xi32>, vector<16xi1>) -> (vector<16xi1>, vector<16xf32>, vector<16xi32>)
        %mul3A_1442 = arith.constant 16 : i32
        %mul3A_1443 = arith.muli %scan3A_1340, %mul3A_1442 : i32
        %get3A_1444 = arith.constant 13 : i32
        %get3A_1445 = arith.index_cast %get3A_1444 : i32 to index
        %get3A_1446 = arith.index_cast %mul3A_1443 : i32 to index
        %get3A_1447 = tpu.vector_load %arg4[%get3A_1445, %get3A_1446] {strides = array<i32>} : memref<32x2048xf32, #tpu.memory_space<vmem>>, vector<16xf32>,
        %masked_sort3A_1448 = arith.constant dense<true> : vector<16xi1>
        %masked_sort3A_1449, %masked_sort3A_1450, %masked_sort3A_1451 = tpu.sort %get3A_1447, %add3A_1360 masked %masked_sort3A_1448 : (vector<16xf32>, vector<16xi32>, vector<16xi1>) -> (vector<16xi1>, vector<16xf32>, vector<16xi32>)
        %min3A_1452 = arith.minimumf %masked_sort3A_1450, %scan3A_1351 : vector<16xf32>
        %le3A_1453 = arith.cmpf ole, %masked_sort3A_1450, %scan3A_1351 : vector<16xf32>
        %select_n3A_1454 = arith.select %le3A_1453, %masked_sort3A_1451, %scan3A_1352 : vector<16xi1>, vector<16xi32>
        %masked_sort3A_1455 = arith.constant dense<true> : vector<16xi1>
        %masked_sort3A_1456, %masked_sort3A_1457, %masked_sort3A_1458 = tpu.sort %min3A_1452, %select_n3A_1454 masked %masked_sort3A_1455 {descending = true} : (vector<16xf32>, vector<16xi32>, vector<16xi1>) -> (vector<16xi1>, vector<16xf32>, vector<16xi32>)
        %mul3A_1459 = arith.constant 16 : i32
        %mul3A_1460 = arith.muli %scan3A_1340, %mul3A_1459 : i32
        %get3A_1461 = arith.constant 14 : i32
        %get3A_1462 = arith.index_cast %get3A_1461 : i32 to index
        %get3A_1463 = arith.index_cast %mul3A_1460 : i32 to index
        %get3A_1464 = tpu.vector_load %arg4[%get3A_1462, %get3A_1463] {strides = array<i32>} : memref<32x2048xf32, #tpu.memory_space<vmem>>, vector<16xf32>,
        %masked_sort3A_1465 = arith.constant dense<true> : vector<16xi1>
        %masked_sort3A_1466, %masked_sort3A_1467, %masked_sort3A_1468 = tpu.sort %get3A_1464, %add3A_1360 masked %masked_sort3A_1465 : (vector<16xf32>, vector<16xi32>, vector<16xi1>) -> (vector<16xi1>, vector<16xf32>, vector<16xi32>)
        %min3A_1469 = arith.minimumf %masked_sort3A_1467, %scan3A_1353 : vector<16xf32>
        %le3A_1470 = arith.cmpf ole, %masked_sort3A_1467, %scan3A_1353 : vector<16xf32>
        %select_n3A_1471 = arith.select %le3A_1470, %masked_sort3A_1468, %scan3A_1354 : vector<16xi1>, vector<16xi32>
        %masked_sort3A_1472 = arith.constant dense<true> : vector<16xi1>
        %masked_sort3A_1473, %masked_sort3A_1474, %masked_sort3A_1475 = tpu.sort %min3A_1469, %select_n3A_1471 masked %masked_sort3A_1472 {descending = true} : (vector<16xf32>, vector<16xi32>, vector<16xi1>) -> (vector<16xi1>, vector<16xf32>, vector<16xi32>)
        %mul3A_1476 = arith.constant 16 : i32
        %mul3A_1477 = arith.muli %scan3A_1340, %mul3A_1476 : i32
        %get3A_1478 = arith.constant 15 : i32
        %get3A_1479 = arith.index_cast %get3A_1478 : i32 to index
        %get3A_1480 = arith.index_cast %mul3A_1477 : i32 to index
        %get3A_1481 = tpu.vector_load %arg4[%get3A_1479, %get3A_1480] {strides = array<i32>} : memref<32x2048xf32, #tpu.memory_space<vmem>>, vector<16xf32>,
        %masked_sort3A_1482 = arith.constant dense<true> : vector<16xi1>
        %masked_sort3A_1483, %masked_sort3A_1484, %masked_sort3A_1485 = tpu.sort %get3A_1481, %add3A_1360 masked %masked_sort3A_1482 : (vector<16xf32>, vector<16xi32>, vector<16xi1>) -> (vector<16xi1>, vector<16xf32>, vector<16xi32>)
        %min3A_1486 = arith.minimumf %masked_sort3A_1484, %scan3A_1355 : vector<16xf32>
        %le3A_1487 = arith.cmpf ole, %masked_sort3A_1484, %scan3A_1355 : vector<16xf32>
        %select_n3A_1488 = arith.select %le3A_1487, %masked_sort3A_1485, %scan3A_1356 : vector<16xi1>, vector<16xi32>
        %masked_sort3A_1489 = arith.constant dense<true> : vector<16xi1>
        %masked_sort3A_1490, %masked_sort3A_1491, %masked_sort3A_1492 = tpu.sort %min3A_1486, %select_n3A_1488 masked %masked_sort3A_1489 {descending = true} : (vector<16xf32>, vector<16xi32>, vector<16xi1>) -> (vector<16xi1>, vector<16xf32>, vector<16xi32>)
        scf.yield %masked_sort3A_1372, %masked_sort3A_1373, %masked_sort3A_1389, %masked_sort3A_1390, %masked_sort3A_1406, %masked_sort3A_1407, %masked_sort3A_1423, %masked_sort3A_1424, %masked_sort3A_1440, %masked_sort3A_1441, %masked_sort3A_1457, %masked_sort3A_1458, %masked_sort3A_1474, %masked_sort3A_1475, %masked_sort3A_1491, %masked_sort3A_1492 : vector<16xf32>, vector<16xi32>, vector<16xf32>, vector<16xi32>, vector<16xf32>, vector<16xi32>, vector<16xf32>, vector<16xi32>, vector<16xf32>, vector<16xi32>, vector<16xf32>, vector<16xi32>, vector<16xf32>, vector<16xi32>, vector<16xf32>, vector<16xi32>
      }
      %scan3A_343 = arith.constant 128 : i32
      %add3A_344 = arith.constant 8 : i32
      %add3A_345 = arith.addi %add3A_13, %add3A_344 : i32
      %add3A_346 = arith.constant 0 : i32
      %add3A_347 = arith.addi %add3A_345, %add3A_346 : i32
      %jit3A_348 = arith.constant 2048 : i32
      %div3A_349 = arith.divsi %add3A_347, %jit3A_348 : i32
      %sign3A_350 = arith.constant 0 : i32
      %sign3A_351 = arith.cmpi sgt, %add3A_347, %sign3A_350 : i32
      %sign3A_352 = arith.extui %sign3A_351 : i1 to i32
      %sign3A_353 = arith.constant 0 : i32
      %sign3A_354 = arith.cmpi slt, %add3A_347, %sign3A_353 : i32
      %sign3A_355 = arith.extui %sign3A_354 : i1 to i32
      %sign3A_356 = arith.subi %sign3A_352, %sign3A_355 : i32
      %sign3A_357 = arith.constant 0 : i32
      %sign3A_358 = arith.cmpi sgt, %jit3A_348, %sign3A_357 : i32
      %sign3A_359 = arith.extui %sign3A_358 : i1 to i32
      %sign3A_360 = arith.constant 0 : i32
      %sign3A_361 = arith.cmpi slt, %jit3A_348, %sign3A_360 : i32
      %sign3A_362 = arith.extui %sign3A_361 : i1 to i32
      %sign3A_363 = arith.subi %sign3A_359, %sign3A_362 : i32
      %ne3A_364 = arith.cmpi ne, %sign3A_356, %sign3A_363 : i32
      %rem3A_365 = arith.remsi %add3A_347, %jit3A_348 : i32
      %ne3A_366 = arith.constant 0 : i32
      %ne3A_367 = arith.cmpi ne, %rem3A_365, %ne3A_366 : i32
      %and3A_368 = arith.andi %ne3A_364, %ne3A_367 : i1
      %sub3A_369 = arith.constant 1 : i32
      %sub3A_370 = arith.subi %div3A_349, %sub3A_369 : i32
      %select_n3A_371 = arith.select %and3A_368, %sub3A_370, %div3A_349 : i32
      %mul3A_372 = arith.constant 2048 : i32
      %mul3A_373 = arith.muli %select_n3A_371, %mul3A_372 : i32
      %rev3A_374 = arith.constant 15 : i32
      %rev3A_375 = vector.broadcast %rev3A_374 : i32 to vector<16xi32>
      %rev3A_376 = tpu.iota {dimensions = array<i32: 0>} : vector<16xi32>
      %rev3A_377 = arith.subi %rev3A_375, %rev3A_376 : vector<16xi32>
      %rev3A_378 = tpu.dynamic_gather %scan3A_342#1[%rev3A_377] in [0] : vector<16xi32>, vector<16xi32> -> vector<16xi32>
      %add3A_379 = vector.broadcast %mul3A_373 : i32 to vector<16xi32>
      %add3A_380 = arith.addi %rev3A_378, %add3A_379 : vector<16xi32>
      %swap3A_381 = arith.constant 8 : i32
      %swap3A_382 = arith.index_cast %swap3A_381 : i32 to index
      %swap3A_383 = arith.constant 0 : index
      %swap3A_384 = tpu.vector_load %arg5[%swap3A_382, %swap3A_383] {strides = array<i32>} : memref<32x16xi32, #tpu.memory_space<vmem>>, vector<16xi32>,
      tpu.vector_store %arg5[%swap3A_382, %swap3A_383], %add3A_380 {strides = array<i32>} : memref<32x16xi32, #tpu.memory_space<vmem>>, vector<16xi32>,
      %add3A_385 = arith.constant 8 : i32
      %add3A_386 = arith.addi %add3A_13, %add3A_385 : i32
      %add3A_387 = arith.constant 1 : i32
      %add3A_388 = arith.addi %add3A_386, %add3A_387 : i32
      %jit3A_389 = arith.constant 2048 : i32
      %div3A_390 = arith.divsi %add3A_388, %jit3A_389 : i32
      %sign3A_391 = arith.constant 0 : i32
      %sign3A_392 = arith.cmpi sgt, %add3A_388, %sign3A_391 : i32
      %sign3A_393 = arith.extui %sign3A_392 : i1 to i32
      %sign3A_394 = arith.constant 0 : i32
      %sign3A_395 = arith.cmpi slt, %add3A_388, %sign3A_394 : i32
      %sign3A_396 = arith.extui %sign3A_395 : i1 to i32
      %sign3A_397 = arith.subi %sign3A_393, %sign3A_396 : i32
      %sign3A_398 = arith.constant 0 : i32
      %sign3A_399 = arith.cmpi sgt, %jit3A_389, %sign3A_398 : i32
      %sign3A_400 = arith.extui %sign3A_399 : i1 to i32
      %sign3A_401 = arith.constant 0 : i32
      %sign3A_402 = arith.cmpi slt, %jit3A_389, %sign3A_401 : i32
      %sign3A_403 = arith.extui %sign3A_402 : i1 to i32
      %sign3A_404 = arith.subi %sign3A_400, %sign3A_403 : i32
      %ne3A_405 = arith.cmpi ne, %sign3A_397, %sign3A_404 : i32
      %rem3A_406 = arith.remsi %add3A_388, %jit3A_389 : i32
      %ne3A_407 = arith.constant 0 : i32
      %ne3A_408 = arith.cmpi ne, %rem3A_406, %ne3A_407 : i32
      %and3A_409 = arith.andi %ne3A_405, %ne3A_408 : i1
      %sub3A_410 = arith.constant 1 : i32
      %sub3A_411 = arith.subi %div3A_390, %sub3A_410 : i32
      %select_n3A_412 = arith.select %and3A_409, %sub3A_411, %div3A_390 : i32
      %mul3A_413 = arith.constant 2048 : i32
      %mul3A_414 = arith.muli %select_n3A_412, %mul3A_413 : i32
      %rev3A_415 = arith.constant 15 : i32
      %rev3A_416 = vector.broadcast %rev3A_415 : i32 to vector<16xi32>
      %rev3A_417 = tpu.iota {dimensions = array<i32: 0>} : vector<16xi32>
      %rev3A_418 = arith.subi %rev3A_416, %rev3A_417 : vector<16xi32>
      %rev3A_419 = tpu.dynamic_gather %scan3A_342#3[%rev3A_418] in [0] : vector<16xi32>, vector<16xi32> -> vector<16xi32>
      %add3A_420 = vector.broadcast %mul3A_414 : i32 to vector<16xi32>
      %add3A_421 = arith.addi %rev3A_419, %add3A_420 : vector<16xi32>
      %swap3A_422 = arith.constant 9 : i32
      %swap3A_423 = arith.index_cast %swap3A_422 : i32 to index
      %swap3A_424 = arith.constant 0 : index
      %swap3A_425 = tpu.vector_load %arg5[%swap3A_423, %swap3A_424] {strides = array<i32>} : memref<32x16xi32, #tpu.memory_space<vmem>>, vector<16xi32>,
      tpu.vector_store %arg5[%swap3A_423, %swap3A_424], %add3A_421 {strides = array<i32>} : memref<32x16xi32, #tpu.memory_space<vmem>>, vector<16xi32>,
      %add3A_426 = arith.constant 8 : i32
      %add3A_427 = arith.addi %add3A_13, %add3A_426 : i32
      %add3A_428 = arith.constant 2 : i32
      %add3A_429 = arith.addi %add3A_427, %add3A_428 : i32
      %jit3A_430 = arith.constant 2048 : i32
      %div3A_431 = arith.divsi %add3A_429, %jit3A_430 : i32
      %sign3A_432 = arith.constant 0 : i32
      %sign3A_433 = arith.cmpi sgt, %add3A_429, %sign3A_432 : i32
      %sign3A_434 = arith.extui %sign3A_433 : i1 to i32
      %sign3A_435 = arith.constant 0 : i32
      %sign3A_436 = arith.cmpi slt, %add3A_429, %sign3A_435 : i32
      %sign3A_437 = arith.extui %sign3A_436 : i1 to i32
      %sign3A_438 = arith.subi %sign3A_434, %sign3A_437 : i32
      %sign3A_439 = arith.constant 0 : i32
      %sign3A_440 = arith.cmpi sgt, %jit3A_430, %sign3A_439 : i32
      %sign3A_441 = arith.extui %sign3A_440 : i1 to i32
      %sign3A_442 = arith.constant 0 : i32
      %sign3A_443 = arith.cmpi slt, %jit3A_430, %sign3A_442 : i32
      %sign3A_444 = arith.extui %sign3A_443 : i1 to i32
      %sign3A_445 = arith.subi %sign3A_441, %sign3A_444 : i32
      %ne3A_446 = arith.cmpi ne, %sign3A_438, %sign3A_445 : i32
      %rem3A_447 = arith.remsi %add3A_429, %jit3A_430 : i32
      %ne3A_448 = arith.constant 0 : i32
      %ne3A_449 = arith.cmpi ne, %rem3A_447, %ne3A_448 : i32
      %and3A_450 = arith.andi %ne3A_446, %ne3A_449 : i1
      %sub3A_451 = arith.constant 1 : i32
      %sub3A_452 = arith.subi %div3A_431, %sub3A_451 : i32
      %select_n3A_453 = arith.select %and3A_450, %sub3A_452, %div3A_431 : i32
      %mul3A_454 = arith.constant 2048 : i32
      %mul3A_455 = arith.muli %select_n3A_453, %mul3A_454 : i32
      %rev3A_456 = arith.constant 15 : i32
      %rev3A_457 = vector.broadcast %rev3A_456 : i32 to vector<16xi32>
      %rev3A_458 = tpu.iota {dimensions = array<i32: 0>} : vector<16xi32>
      %rev3A_459 = arith.subi %rev3A_457, %rev3A_458 : vector<16xi32>
      %rev3A_460 = tpu.dynamic_gather %scan3A_342#5[%rev3A_459] in [0] : vector<16xi32>, vector<16xi32> -> vector<16xi32>
      %add3A_461 = vector.broadcast %mul3A_455 : i32 to vector<16xi32>
      %add3A_462 = arith.addi %rev3A_460, %add3A_461 : vector<16xi32>
      %swap3A_463 = arith.constant 10 : i32
      %swap3A_464 = arith.index_cast %swap3A_463 : i32 to index
      %swap3A_465 = arith.constant 0 : index
      %swap3A_466 = tpu.vector_load %arg5[%swap3A_464, %swap3A_465] {strides = array<i32>} : memref<32x16xi32, #tpu.memory_space<vmem>>, vector<16xi32>,
      tpu.vector_store %arg5[%swap3A_464, %swap3A_465], %add3A_462 {strides = array<i32>} : memref<32x16xi32, #tpu.memory_space<vmem>>, vector<16xi32>,
      %add3A_467 = arith.constant 8 : i32
      %add3A_468 = arith.addi %add3A_13, %add3A_467 : i32
      %add3A_469 = arith.constant 3 : i32
      %add3A_470 = arith.addi %add3A_468, %add3A_469 : i32
      %jit3A_471 = arith.constant 2048 : i32
      %div3A_472 = arith.divsi %add3A_470, %jit3A_471 : i32
      %sign3A_473 = arith.constant 0 : i32
      %sign3A_474 = arith.cmpi sgt, %add3A_470, %sign3A_473 : i32
      %sign3A_475 = arith.extui %sign3A_474 : i1 to i32
      %sign3A_476 = arith.constant 0 : i32
      %sign3A_477 = arith.cmpi slt, %add3A_470, %sign3A_476 : i32
      %sign3A_478 = arith.extui %sign3A_477 : i1 to i32
      %sign3A_479 = arith.subi %sign3A_475, %sign3A_478 : i32
      %sign3A_480 = arith.constant 0 : i32
      %sign3A_481 = arith.cmpi sgt, %jit3A_471, %sign3A_480 : i32
      %sign3A_482 = arith.extui %sign3A_481 : i1 to i32
      %sign3A_483 = arith.constant 0 : i32
      %sign3A_484 = arith.cmpi slt, %jit3A_471, %sign3A_483 : i32
      %sign3A_485 = arith.extui %sign3A_484 : i1 to i32
      %sign3A_486 = arith.subi %sign3A_482, %sign3A_485 : i32
      %ne3A_487 = arith.cmpi ne, %sign3A_479, %sign3A_486 : i32
      %rem3A_488 = arith.remsi %add3A_470, %jit3A_471 : i32
      %ne3A_489 = arith.constant 0 : i32
      %ne3A_490 = arith.cmpi ne, %rem3A_488, %ne3A_489 : i32
      %and3A_491 = arith.andi %ne3A_487, %ne3A_490 : i1
      %sub3A_492 = arith.constant 1 : i32
      %sub3A_493 = arith.subi %div3A_472, %sub3A_492 : i32
      %select_n3A_494 = arith.select %and3A_491, %sub3A_493, %div3A_472 : i32
      %mul3A_495 = arith.constant 2048 : i32
      %mul3A_496 = arith.muli %select_n3A_494, %mul3A_495 : i32
      %rev3A_497 = arith.constant 15 : i32
      %rev3A_498 = vector.broadcast %rev3A_497 : i32 to vector<16xi32>
      %rev3A_499 = tpu.iota {dimensions = array<i32: 0>} : vector<16xi32>
      %rev3A_500 = arith.subi %rev3A_498, %rev3A_499 : vector<16xi32>
      %rev3A_501 = tpu.dynamic_gather %scan3A_342#7[%rev3A_500] in [0] : vector<16xi32>, vector<16xi32> -> vector<16xi32>
      %add3A_502 = vector.broadcast %mul3A_496 : i32 to vector<16xi32>
      %add3A_503 = arith.addi %rev3A_501, %add3A_502 : vector<16xi32>
      %swap3A_504 = arith.constant 11 : i32
      %swap3A_505 = arith.index_cast %swap3A_504 : i32 to index
      %swap3A_506 = arith.constant 0 : index
      %swap3A_507 = tpu.vector_load %arg5[%swap3A_505, %swap3A_506] {strides = array<i32>} : memref<32x16xi32, #tpu.memory_space<vmem>>, vector<16xi32>,
      tpu.vector_store %arg5[%swap3A_505, %swap3A_506], %add3A_503 {strides = array<i32>} : memref<32x16xi32, #tpu.memory_space<vmem>>, vector<16xi32>,
      %add3A_508 = arith.constant 8 : i32
      %add3A_509 = arith.addi %add3A_13, %add3A_508 : i32
      %add3A_510 = arith.constant 4 : i32
      %add3A_511 = arith.addi %add3A_509, %add3A_510 : i32
      %jit3A_512 = arith.constant 2048 : i32
      %div3A_513 = arith.divsi %add3A_511, %jit3A_512 : i32
      %sign3A_514 = arith.constant 0 : i32
      %sign3A_515 = arith.cmpi sgt, %add3A_511, %sign3A_514 : i32
      %sign3A_516 = arith.extui %sign3A_515 : i1 to i32
      %sign3A_517 = arith.constant 0 : i32
      %sign3A_518 = arith.cmpi slt, %add3A_511, %sign3A_517 : i32
      %sign3A_519 = arith.extui %sign3A_518 : i1 to i32
      %sign3A_520 = arith.subi %sign3A_516, %sign3A_519 : i32
      %sign3A_521 = arith.constant 0 : i32
      %sign3A_522 = arith.cmpi sgt, %jit3A_512, %sign3A_521 : i32
      %sign3A_523 = arith.extui %sign3A_522 : i1 to i32
      %sign3A_524 = arith.constant 0 : i32
      %sign3A_525 = arith.cmpi slt, %jit3A_512, %sign3A_524 : i32
      %sign3A_526 = arith.extui %sign3A_525 : i1 to i32
      %sign3A_527 = arith.subi %sign3A_523, %sign3A_526 : i32
      %ne3A_528 = arith.cmpi ne, %sign3A_520, %sign3A_527 : i32
      %rem3A_529 = arith.remsi %add3A_511, %jit3A_512 : i32
      %ne3A_530 = arith.constant 0 : i32
      %ne3A_531 = arith.cmpi ne, %rem3A_529, %ne3A_530 : i32
      %and3A_532 = arith.andi %ne3A_528, %ne3A_531 : i1
      %sub3A_533 = arith.constant 1 : i32
      %sub3A_534 = arith.subi %div3A_513, %sub3A_533 : i32
      %select_n3A_535 = arith.select %and3A_532, %sub3A_534, %div3A_513 : i32
      %mul3A_536 = arith.constant 2048 : i32
      %mul3A_537 = arith.muli %select_n3A_535, %mul3A_536 : i32
      %rev3A_538 = arith.constant 15 : i32
      %rev3A_539 = vector.broadcast %rev3A_538 : i32 to vector<16xi32>
      %rev3A_540 = tpu.iota {dimensions = array<i32: 0>} : vector<16xi32>
      %rev3A_541 = arith.subi %rev3A_539, %rev3A_540 : vector<16xi32>
      %rev3A_542 = tpu.dynamic_gather %scan3A_342#9[%rev3A_541] in [0] : vector<16xi32>, vector<16xi32> -> vector<16xi32>
      %add3A_543 = vector.broadcast %mul3A_537 : i32 to vector<16xi32>
      %add3A_544 = arith.addi %rev3A_542, %add3A_543 : vector<16xi32>
      %swap3A_545 = arith.constant 12 : i32
      %swap3A_546 = arith.index_cast %swap3A_545 : i32 to index
      %swap3A_547 = arith.constant 0 : index
      %swap3A_548 = tpu.vector_load %arg5[%swap3A_546, %swap3A_547] {strides = array<i32>} : memref<32x16xi32, #tpu.memory_space<vmem>>, vector<16xi32>,
      tpu.vector_store %arg5[%swap3A_546, %swap3A_547], %add3A_544 {strides = array<i32>} : memref<32x16xi32, #tpu.memory_space<vmem>>, vector<16xi32>,
      %add3A_549 = arith.constant 8 : i32
      %add3A_550 = arith.addi %add3A_13, %add3A_549 : i32
      %add3A_551 = arith.constant 5 : i32
      %add3A_552 = arith.addi %add3A_550, %add3A_551 : i32
      %jit3A_553 = arith.constant 2048 : i32
      %div3A_554 = arith.divsi %add3A_552, %jit3A_553 : i32
      %sign3A_555 = arith.constant 0 : i32
      %sign3A_556 = arith.cmpi sgt, %add3A_552, %sign3A_555 : i32
      %sign3A_557 = arith.extui %sign3A_556 : i1 to i32
      %sign3A_558 = arith.constant 0 : i32
      %sign3A_559 = arith.cmpi slt, %add3A_552, %sign3A_558 : i32
      %sign3A_560 = arith.extui %sign3A_559 : i1 to i32
      %sign3A_561 = arith.subi %sign3A_557, %sign3A_560 : i32
      %sign3A_562 = arith.constant 0 : i32
      %sign3A_563 = arith.cmpi sgt, %jit3A_553, %sign3A_562 : i32
      %sign3A_564 = arith.extui %sign3A_563 : i1 to i32
      %sign3A_565 = arith.constant 0 : i32
      %sign3A_566 = arith.cmpi slt, %jit3A_553, %sign3A_565 : i32
      %sign3A_567 = arith.extui %sign3A_566 : i1 to i32
      %sign3A_568 = arith.subi %sign3A_564, %sign3A_567 : i32
      %ne3A_569 = arith.cmpi ne, %sign3A_561, %sign3A_568 : i32
      %rem3A_570 = arith.remsi %add3A_552, %jit3A_553 : i32
      %ne3A_571 = arith.constant 0 : i32
      %ne3A_572 = arith.cmpi ne, %rem3A_570, %ne3A_571 : i32
      %and3A_573 = arith.andi %ne3A_569, %ne3A_572 : i1
      %sub3A_574 = arith.constant 1 : i32
      %sub3A_575 = arith.subi %div3A_554, %sub3A_574 : i32
      %select_n3A_576 = arith.select %and3A_573, %sub3A_575, %div3A_554 : i32
      %mul3A_577 = arith.constant 2048 : i32
      %mul3A_578 = arith.muli %select_n3A_576, %mul3A_577 : i32
      %rev3A_579 = arith.constant 15 : i32
      %rev3A_580 = vector.broadcast %rev3A_579 : i32 to vector<16xi32>
      %rev3A_581 = tpu.iota {dimensions = array<i32: 0>} : vector<16xi32>
      %rev3A_582 = arith.subi %rev3A_580, %rev3A_581 : vector<16xi32>
      %rev3A_583 = tpu.dynamic_gather %scan3A_342#11[%rev3A_582] in [0] : vector<16xi32>, vector<16xi32> -> vector<16xi32>
      %add3A_584 = vector.broadcast %mul3A_578 : i32 to vector<16xi32>
      %add3A_585 = arith.addi %rev3A_583, %add3A_584 : vector<16xi32>
      %swap3A_586 = arith.constant 13 : i32
      %swap3A_587 = arith.index_cast %swap3A_586 : i32 to index
      %swap3A_588 = arith.constant 0 : index
      %swap3A_589 = tpu.vector_load %arg5[%swap3A_587, %swap3A_588] {strides = array<i32>} : memref<32x16xi32, #tpu.memory_space<vmem>>, vector<16xi32>,
      tpu.vector_store %arg5[%swap3A_587, %swap3A_588], %add3A_585 {strides = array<i32>} : memref<32x16xi32, #tpu.memory_space<vmem>>, vector<16xi32>,
      %add3A_590 = arith.constant 8 : i32
      %add3A_591 = arith.addi %add3A_13, %add3A_590 : i32
      %add3A_592 = arith.constant 6 : i32
      %add3A_593 = arith.addi %add3A_591, %add3A_592 : i32
      %jit3A_594 = arith.constant 2048 : i32
      %div3A_595 = arith.divsi %add3A_593, %jit3A_594 : i32
      %sign3A_596 = arith.constant 0 : i32
      %sign3A_597 = arith.cmpi sgt, %add3A_593, %sign3A_596 : i32
      %sign3A_598 = arith.extui %sign3A_597 : i1 to i32
      %sign3A_599 = arith.constant 0 : i32
      %sign3A_600 = arith.cmpi slt, %add3A_593, %sign3A_599 : i32
      %sign3A_601 = arith.extui %sign3A_600 : i1 to i32
      %sign3A_602 = arith.subi %sign3A_598, %sign3A_601 : i32
      %sign3A_603 = arith.constant 0 : i32
      %sign3A_604 = arith.cmpi sgt, %jit3A_594, %sign3A_603 : i32
      %sign3A_605 = arith.extui %sign3A_604 : i1 to i32
      %sign3A_606 = arith.constant 0 : i32
      %sign3A_607 = arith.cmpi slt, %jit3A_594, %sign3A_606 : i32
      %sign3A_608 = arith.extui %sign3A_607 : i1 to i32
      %sign3A_609 = arith.subi %sign3A_605, %sign3A_608 : i32
      %ne3A_610 = arith.cmpi ne, %sign3A_602, %sign3A_609 : i32
      %rem3A_611 = arith.remsi %add3A_593, %jit3A_594 : i32
      %ne3A_612 = arith.constant 0 : i32
      %ne3A_613 = arith.cmpi ne, %rem3A_611, %ne3A_612 : i32
      %and3A_614 = arith.andi %ne3A_610, %ne3A_613 : i1
      %sub3A_615 = arith.constant 1 : i32
      %sub3A_616 = arith.subi %div3A_595, %sub3A_615 : i32
      %select_n3A_617 = arith.select %and3A_614, %sub3A_616, %div3A_595 : i32
      %mul3A_618 = arith.constant 2048 : i32
      %mul3A_619 = arith.muli %select_n3A_617, %mul3A_618 : i32
      %rev3A_620 = arith.constant 15 : i32
      %rev3A_621 = vector.broadcast %rev3A_620 : i32 to vector<16xi32>
      %rev3A_622 = tpu.iota {dimensions = array<i32: 0>} : vector<16xi32>
      %rev3A_623 = arith.subi %rev3A_621, %rev3A_622 : vector<16xi32>
      %rev3A_624 = tpu.dynamic_gather %scan3A_342#13[%rev3A_623] in [0] : vector<16xi32>, vector<16xi32> -> vector<16xi32>
      %add3A_625 = vector.broadcast %mul3A_619 : i32 to vector<16xi32>
      %add3A_626 = arith.addi %rev3A_624, %add3A_625 : vector<16xi32>
      %swap3A_627 = arith.constant 14 : i32
      %swap3A_628 = arith.index_cast %swap3A_627 : i32 to index
      %swap3A_629 = arith.constant 0 : index
      %swap3A_630 = tpu.vector_load %arg5[%swap3A_628, %swap3A_629] {strides = array<i32>} : memref<32x16xi32, #tpu.memory_space<vmem>>, vector<16xi32>,
      tpu.vector_store %arg5[%swap3A_628, %swap3A_629], %add3A_626 {strides = array<i32>} : memref<32x16xi32, #tpu.memory_space<vmem>>, vector<16xi32>,
      %add3A_631 = arith.constant 8 : i32
      %add3A_632 = arith.addi %add3A_13, %add3A_631 : i32
      %add3A_633 = arith.constant 7 : i32
      %add3A_634 = arith.addi %add3A_632, %add3A_633 : i32
      %jit3A_635 = arith.constant 2048 : i32
      %div3A_636 = arith.divsi %add3A_634, %jit3A_635 : i32
      %sign3A_637 = arith.constant 0 : i32
      %sign3A_638 = arith.cmpi sgt, %add3A_634, %sign3A_637 : i32
      %sign3A_639 = arith.extui %sign3A_638 : i1 to i32
      %sign3A_640 = arith.constant 0 : i32
      %sign3A_641 = arith.cmpi slt, %add3A_634, %sign3A_640 : i32
      %sign3A_642 = arith.extui %sign3A_641 : i1 to i32
      %sign3A_643 = arith.subi %sign3A_639, %sign3A_642 : i32
      %sign3A_644 = arith.constant 0 : i32
      %sign3A_645 = arith.cmpi sgt, %jit3A_635, %sign3A_644 : i32
      %sign3A_646 = arith.extui %sign3A_645 : i1 to i32
      %sign3A_647 = arith.constant 0 : i32
      %sign3A_648 = arith.cmpi slt, %jit3A_635, %sign3A_647 : i32
      %sign3A_649 = arith.extui %sign3A_648 : i1 to i32
      %sign3A_650 = arith.subi %sign3A_646, %sign3A_649 : i32
      %ne3A_651 = arith.cmpi ne, %sign3A_643, %sign3A_650 : i32
      %rem3A_652 = arith.remsi %add3A_634, %jit3A_635 : i32
      %ne3A_653 = arith.constant 0 : i32
      %ne3A_654 = arith.cmpi ne, %rem3A_652, %ne3A_653 : i32
      %and3A_655 = arith.andi %ne3A_651, %ne3A_654 : i1
      %sub3A_656 = arith.constant 1 : i32
      %sub3A_657 = arith.subi %div3A_636, %sub3A_656 : i32
      %select_n3A_658 = arith.select %and3A_655, %sub3A_657, %div3A_636 : i32
      %mul3A_659 = arith.constant 2048 : i32
      %mul3A_660 = arith.muli %select_n3A_658, %mul3A_659 : i32
      %rev3A_661 = arith.constant 15 : i32
      %rev3A_662 = vector.broadcast %rev3A_661 : i32 to vector<16xi32>
      %rev3A_663 = tpu.iota {dimensions = array<i32: 0>} : vector<16xi32>
      %rev3A_664 = arith.subi %rev3A_662, %rev3A_663 : vector<16xi32>
      %rev3A_665 = tpu.dynamic_gather %scan3A_342#15[%rev3A_664] in [0] : vector<16xi32>, vector<16xi32> -> vector<16xi32>
      %add3A_666 = vector.broadcast %mul3A_660 : i32 to vector<16xi32>
      %add3A_667 = arith.addi %rev3A_665, %add3A_666 : vector<16xi32>
      %swap3A_668 = arith.constant 15 : i32
      %swap3A_669 = arith.index_cast %swap3A_668 : i32 to index
      %swap3A_670 = arith.constant 0 : index
      %swap3A_671 = tpu.vector_load %arg5[%swap3A_669, %swap3A_670] {strides = array<i32>} : memref<32x16xi32, #tpu.memory_space<vmem>>, vector<16xi32>,
      tpu.vector_store %arg5[%swap3A_669, %swap3A_670], %add3A_667 {strides = array<i32>} : memref<32x16xi32, #tpu.memory_space<vmem>>, vector<16xi32>,
      %scan3A_672 = arith.constant 0 : i32
      %scan3A_673 = arith.constant 128 : i32
      %scan3A_674 = arith.addi %scan3A_672, %scan3A_673 : i32
      %scan3A_675 = arith.constant 1 : i32
      %scan3A_676:16 = scf.for %scan3A_1340 = %scan3A_672 to %scan3A_674 step %scan3A_675 iter_args(%scan3A_1341 = %broadcast_in_dim3A_1, %scan3A_1342 = %broadcast_in_dim3A_3, %scan3A_1343 = %broadcast_in_dim3A_1, %scan3A_1344 = %broadcast_in_dim3A_3, %scan3A_1345 = %broadcast_in_dim3A_1, %scan3A_1346 = %broadcast_in_dim3A_3, %scan3A_1347 = %broadcast_in_dim3A_1, %scan3A_1348 = %broadcast_in_dim3A_3, %scan3A_1349 = %broadcast_in_dim3A_1, %scan3A_1350 = %broadcast_in_dim3A_3, %scan3A_1351 = %broadcast_in_dim3A_1, %scan3A_1352 = %broadcast_in_dim3A_3, %scan3A_1353 = %broadcast_in_dim3A_1, %scan3A_1354 = %broadcast_in_dim3A_3, %scan3A_1355 = %broadcast_in_dim3A_1, %scan3A_1356 = %broadcast_in_dim3A_3) -> (vector<16xf32>, vector<16xi32>, vector<16xf32>, vector<16xi32>, vector<16xf32>, vector<16xi32>, vector<16xf32>, vector<16xi32>, vector<16xf32>, vector<16xi32>, vector<16xf32>, vector<16xi32>, vector<16xf32>, vector<16xi32>, vector<16xf32>, vector<16xi32>)  : i32 {
        %mul3A_1357 = arith.constant 16 : i32
        %mul3A_1358 = arith.muli %scan3A_1340, %mul3A_1357 : i32
        %add3A_1359 = vector.broadcast %mul3A_1358 : i32 to vector<16xi32>
        %add3A_1360 = arith.addi %iota3A, %add3A_1359 : vector<16xi32>
        %mul3A_1361 = arith.constant 16 : i32
        %mul3A_1362 = arith.muli %scan3A_1340, %mul3A_1361 : i32
        %get3A = arith.constant 16 : i32
        %get3A_1363 = arith.index_cast %get3A : i32 to index
        %get3A_1364 = arith.index_cast %mul3A_1362 : i32 to index
        %get3A_1365 = tpu.vector_load %arg4[%get3A_1363, %get3A_1364] {strides = array<i32>} : memref<32x2048xf32, #tpu.memory_space<vmem>>, vector<16xf32>,
        %masked_sort3A = arith.constant dense<true> : vector<16xi1>
        %masked_sort3A_1366, %masked_sort3A_1367, %masked_sort3A_1368 = tpu.sort %get3A_1365, %add3A_1360 masked %masked_sort3A : (vector<16xf32>, vector<16xi32>, vector<16xi1>) -> (vector<16xi1>, vector<16xf32>, vector<16xi32>)
        %min3A = arith.minimumf %masked_sort3A_1367, %scan3A_1341 : vector<16xf32>
        %le3A = arith.cmpf ole, %masked_sort3A_1367, %scan3A_1341 : vector<16xf32>
        %select_n3A_1369 = arith.select %le3A, %masked_sort3A_1368, %scan3A_1342 : vector<16xi1>, vector<16xi32>
        %masked_sort3A_1370 = arith.constant dense<true> : vector<16xi1>
        %masked_sort3A_1371, %masked_sort3A_1372, %masked_sort3A_1373 = tpu.sort %min3A, %select_n3A_1369 masked %masked_sort3A_1370 {descending = true} : (vector<16xf32>, vector<16xi32>, vector<16xi1>) -> (vector<16xi1>, vector<16xf32>, vector<16xi32>)
        %mul3A_1374 = arith.constant 16 : i32
        %mul3A_1375 = arith.muli %scan3A_1340, %mul3A_1374 : i32
        %get3A_1376 = arith.constant 17 : i32
        %get3A_1377 = arith.index_cast %get3A_1376 : i32 to index
        %get3A_1378 = arith.index_cast %mul3A_1375 : i32 to index
        %get3A_1379 = tpu.vector_load %arg4[%get3A_1377, %get3A_1378] {strides = array<i32>} : memref<32x2048xf32, #tpu.memory_space<vmem>>, vector<16xf32>,
        %masked_sort3A_1380 = arith.constant dense<true> : vector<16xi1>
        %masked_sort3A_1381, %masked_sort3A_1382, %masked_sort3A_1383 = tpu.sort %get3A_1379, %add3A_1360 masked %masked_sort3A_1380 : (vector<16xf32>, vector<16xi32>, vector<16xi1>) -> (vector<16xi1>, vector<16xf32>, vector<16xi32>)
        %min3A_1384 = arith.minimumf %masked_sort3A_1382, %scan3A_1343 : vector<16xf32>
        %le3A_1385 = arith.cmpf ole, %masked_sort3A_1382, %scan3A_1343 : vector<16xf32>
        %select_n3A_1386 = arith.select %le3A_1385, %masked_sort3A_1383, %scan3A_1344 : vector<16xi1>, vector<16xi32>
        %masked_sort3A_1387 = arith.constant dense<true> : vector<16xi1>
        %masked_sort3A_1388, %masked_sort3A_1389, %masked_sort3A_1390 = tpu.sort %min3A_1384, %select_n3A_1386 masked %masked_sort3A_1387 {descending = true} : (vector<16xf32>, vector<16xi32>, vector<16xi1>) -> (vector<16xi1>, vector<16xf32>, vector<16xi32>)
        %mul3A_1391 = arith.constant 16 : i32
        %mul3A_1392 = arith.muli %scan3A_1340, %mul3A_1391 : i32
        %get3A_1393 = arith.constant 18 : i32
        %get3A_1394 = arith.index_cast %get3A_1393 : i32 to index
        %get3A_1395 = arith.index_cast %mul3A_1392 : i32 to index
        %get3A_1396 = tpu.vector_load %arg4[%get3A_1394, %get3A_1395] {strides = array<i32>} : memref<32x2048xf32, #tpu.memory_space<vmem>>, vector<16xf32>,
        %masked_sort3A_1397 = arith.constant dense<true> : vector<16xi1>
        %masked_sort3A_1398, %masked_sort3A_1399, %masked_sort3A_1400 = tpu.sort %get3A_1396, %add3A_1360 masked %masked_sort3A_1397 : (vector<16xf32>, vector<16xi32>, vector<16xi1>) -> (vector<16xi1>, vector<16xf32>, vector<16xi32>)
        %min3A_1401 = arith.minimumf %masked_sort3A_1399, %scan3A_1345 : vector<16xf32>
        %le3A_1402 = arith.cmpf ole, %masked_sort3A_1399, %scan3A_1345 : vector<16xf32>
        %select_n3A_1403 = arith.select %le3A_1402, %masked_sort3A_1400, %scan3A_1346 : vector<16xi1>, vector<16xi32>
        %masked_sort3A_1404 = arith.constant dense<true> : vector<16xi1>
        %masked_sort3A_1405, %masked_sort3A_1406, %masked_sort3A_1407 = tpu.sort %min3A_1401, %select_n3A_1403 masked %masked_sort3A_1404 {descending = true} : (vector<16xf32>, vector<16xi32>, vector<16xi1>) -> (vector<16xi1>, vector<16xf32>, vector<16xi32>)
        %mul3A_1408 = arith.constant 16 : i32
        %mul3A_1409 = arith.muli %scan3A_1340, %mul3A_1408 : i32
        %get3A_1410 = arith.constant 19 : i32
        %get3A_1411 = arith.index_cast %get3A_1410 : i32 to index
        %get3A_1412 = arith.index_cast %mul3A_1409 : i32 to index
        %get3A_1413 = tpu.vector_load %arg4[%get3A_1411, %get3A_1412] {strides = array<i32>} : memref<32x2048xf32, #tpu.memory_space<vmem>>, vector<16xf32>,
        %masked_sort3A_1414 = arith.constant dense<true> : vector<16xi1>
        %masked_sort3A_1415, %masked_sort3A_1416, %masked_sort3A_1417 = tpu.sort %get3A_1413, %add3A_1360 masked %masked_sort3A_1414 : (vector<16xf32>, vector<16xi32>, vector<16xi1>) -> (vector<16xi1>, vector<16xf32>, vector<16xi32>)
        %min3A_1418 = arith.minimumf %masked_sort3A_1416, %scan3A_1347 : vector<16xf32>
        %le3A_1419 = arith.cmpf ole, %masked_sort3A_1416, %scan3A_1347 : vector<16xf32>
        %select_n3A_1420 = arith.select %le3A_1419, %masked_sort3A_1417, %scan3A_1348 : vector<16xi1>, vector<16xi32>
        %masked_sort3A_1421 = arith.constant dense<true> : vector<16xi1>
        %masked_sort3A_1422, %masked_sort3A_1423, %masked_sort3A_1424 = tpu.sort %min3A_1418, %select_n3A_1420 masked %masked_sort3A_1421 {descending = true} : (vector<16xf32>, vector<16xi32>, vector<16xi1>) -> (vector<16xi1>, vector<16xf32>, vector<16xi32>)
        %mul3A_1425 = arith.constant 16 : i32
        %mul3A_1426 = arith.muli %scan3A_1340, %mul3A_1425 : i32
        %get3A_1427 = arith.constant 20 : i32
        %get3A_1428 = arith.index_cast %get3A_1427 : i32 to index
        %get3A_1429 = arith.index_cast %mul3A_1426 : i32 to index
        %get3A_1430 = tpu.vector_load %arg4[%get3A_1428, %get3A_1429] {strides = array<i32>} : memref<32x2048xf32, #tpu.memory_space<vmem>>, vector<16xf32>,
        %masked_sort3A_1431 = arith.constant dense<true> : vector<16xi1>
        %masked_sort3A_1432, %masked_sort3A_1433, %masked_sort3A_1434 = tpu.sort %get3A_1430, %add3A_1360 masked %masked_sort3A_1431 : (vector<16xf32>, vector<16xi32>, vector<16xi1>) -> (vector<16xi1>, vector<16xf32>, vector<16xi32>)
        %min3A_1435 = arith.minimumf %masked_sort3A_1433, %scan3A_1349 : vector<16xf32>
        %le3A_1436 = arith.cmpf ole, %masked_sort3A_1433, %scan3A_1349 : vector<16xf32>
        %select_n3A_1437 = arith.select %le3A_1436, %masked_sort3A_1434, %scan3A_1350 : vector<16xi1>, vector<16xi32>
        %masked_sort3A_1438 = arith.constant dense<true> : vector<16xi1>
        %masked_sort3A_1439, %masked_sort3A_1440, %masked_sort3A_1441 = tpu.sort %min3A_1435, %select_n3A_1437 masked %masked_sort3A_1438 {descending = true} : (vector<16xf32>, vector<16xi32>, vector<16xi1>) -> (vector<16xi1>, vector<16xf32>, vector<16xi32>)
        %mul3A_1442 = arith.constant 16 : i32
        %mul3A_1443 = arith.muli %scan3A_1340, %mul3A_1442 : i32
        %get3A_1444 = arith.constant 21 : i32
        %get3A_1445 = arith.index_cast %get3A_1444 : i32 to index
        %get3A_1446 = arith.index_cast %mul3A_1443 : i32 to index
        %get3A_1447 = tpu.vector_load %arg4[%get3A_1445, %get3A_1446] {strides = array<i32>} : memref<32x2048xf32, #tpu.memory_space<vmem>>, vector<16xf32>,
        %masked_sort3A_1448 = arith.constant dense<true> : vector<16xi1>
        %masked_sort3A_1449, %masked_sort3A_1450, %masked_sort3A_1451 = tpu.sort %get3A_1447, %add3A_1360 masked %masked_sort3A_1448 : (vector<16xf32>, vector<16xi32>, vector<16xi1>) -> (vector<16xi1>, vector<16xf32>, vector<16xi32>)
        %min3A_1452 = arith.minimumf %masked_sort3A_1450, %scan3A_1351 : vector<16xf32>
        %le3A_1453 = arith.cmpf ole, %masked_sort3A_1450, %scan3A_1351 : vector<16xf32>
        %select_n3A_1454 = arith.select %le3A_1453, %masked_sort3A_1451, %scan3A_1352 : vector<16xi1>, vector<16xi32>
        %masked_sort3A_1455 = arith.constant dense<true> : vector<16xi1>
        %masked_sort3A_1456, %masked_sort3A_1457, %masked_sort3A_1458 = tpu.sort %min3A_1452, %select_n3A_1454 masked %masked_sort3A_1455 {descending = true} : (vector<16xf32>, vector<16xi32>, vector<16xi1>) -> (vector<16xi1>, vector<16xf32>, vector<16xi32>)
        %mul3A_1459 = arith.constant 16 : i32
        %mul3A_1460 = arith.muli %scan3A_1340, %mul3A_1459 : i32
        %get3A_1461 = arith.constant 22 : i32
        %get3A_1462 = arith.index_cast %get3A_1461 : i32 to index
        %get3A_1463 = arith.index_cast %mul3A_1460 : i32 to index
        %get3A_1464 = tpu.vector_load %arg4[%get3A_1462, %get3A_1463] {strides = array<i32>} : memref<32x2048xf32, #tpu.memory_space<vmem>>, vector<16xf32>,
        %masked_sort3A_1465 = arith.constant dense<true> : vector<16xi1>
        %masked_sort3A_1466, %masked_sort3A_1467, %masked_sort3A_1468 = tpu.sort %get3A_1464, %add3A_1360 masked %masked_sort3A_1465 : (vector<16xf32>, vector<16xi32>, vector<16xi1>) -> (vector<16xi1>, vector<16xf32>, vector<16xi32>)
        %min3A_1469 = arith.minimumf %masked_sort3A_1467, %scan3A_1353 : vector<16xf32>
        %le3A_1470 = arith.cmpf ole, %masked_sort3A_1467, %scan3A_1353 : vector<16xf32>
        %select_n3A_1471 = arith.select %le3A_1470, %masked_sort3A_1468, %scan3A_1354 : vector<16xi1>, vector<16xi32>
        %masked_sort3A_1472 = arith.constant dense<true> : vector<16xi1>
        %masked_sort3A_1473, %masked_sort3A_1474, %masked_sort3A_1475 = tpu.sort %min3A_1469, %select_n3A_1471 masked %masked_sort3A_1472 {descending = true} : (vector<16xf32>, vector<16xi32>, vector<16xi1>) -> (vector<16xi1>, vector<16xf32>, vector<16xi32>)
        %mul3A_1476 = arith.constant 16 : i32
        %mul3A_1477 = arith.muli %scan3A_1340, %mul3A_1476 : i32
        %get3A_1478 = arith.constant 23 : i32
        %get3A_1479 = arith.index_cast %get3A_1478 : i32 to index
        %get3A_1480 = arith.index_cast %mul3A_1477 : i32 to index
        %get3A_1481 = tpu.vector_load %arg4[%get3A_1479, %get3A_1480] {strides = array<i32>} : memref<32x2048xf32, #tpu.memory_space<vmem>>, vector<16xf32>,
        %masked_sort3A_1482 = arith.constant dense<true> : vector<16xi1>
        %masked_sort3A_1483, %masked_sort3A_1484, %masked_sort3A_1485 = tpu.sort %get3A_1481, %add3A_1360 masked %masked_sort3A_1482 : (vector<16xf32>, vector<16xi32>, vector<16xi1>) -> (vector<16xi1>, vector<16xf32>, vector<16xi32>)
        %min3A_1486 = arith.minimumf %masked_sort3A_1484, %scan3A_1355 : vector<16xf32>
        %le3A_1487 = arith.cmpf ole, %masked_sort3A_1484, %scan3A_1355 : vector<16xf32>
        %select_n3A_1488 = arith.select %le3A_1487, %masked_sort3A_1485, %scan3A_1356 : vector<16xi1>, vector<16xi32>
        %masked_sort3A_1489 = arith.constant dense<true> : vector<16xi1>
        %masked_sort3A_1490, %masked_sort3A_1491, %masked_sort3A_1492 = tpu.sort %min3A_1486, %select_n3A_1488 masked %masked_sort3A_1489 {descending = true} : (vector<16xf32>, vector<16xi32>, vector<16xi1>) -> (vector<16xi1>, vector<16xf32>, vector<16xi32>)
        scf.yield %masked_sort3A_1372, %masked_sort3A_1373, %masked_sort3A_1389, %masked_sort3A_1390, %masked_sort3A_1406, %masked_sort3A_1407, %masked_sort3A_1423, %masked_sort3A_1424, %masked_sort3A_1440, %masked_sort3A_1441, %masked_sort3A_1457, %masked_sort3A_1458, %masked_sort3A_1474, %masked_sort3A_1475, %masked_sort3A_1491, %masked_sort3A_1492 : vector<16xf32>, vector<16xi32>, vector<16xf32>, vector<16xi32>, vector<16xf32>, vector<16xi32>, vector<16xf32>, vector<16xi32>, vector<16xf32>, vector<16xi32>, vector<16xf32>, vector<16xi32>, vector<16xf32>, vector<16xi32>, vector<16xf32>, vector<16xi32>
      }
      %scan3A_677 = arith.constant 128 : i32
      %add3A_678 = arith.constant 16 : i32
      %add3A_679 = arith.addi %add3A_13, %add3A_678 : i32
      %add3A_680 = arith.constant 0 : i32
      %add3A_681 = arith.addi %add3A_679, %add3A_680 : i32
      %jit3A_682 = arith.constant 2048 : i32
      %div3A_683 = arith.divsi %add3A_681, %jit3A_682 : i32
      %sign3A_684 = arith.constant 0 : i32
      %sign3A_685 = arith.cmpi sgt, %add3A_681, %sign3A_684 : i32
      %sign3A_686 = arith.extui %sign3A_685 : i1 to i32
      %sign3A_687 = arith.constant 0 : i32
      %sign3A_688 = arith.cmpi slt, %add3A_681, %sign3A_687 : i32
      %sign3A_689 = arith.extui %sign3A_688 : i1 to i32
      %sign3A_690 = arith.subi %sign3A_686, %sign3A_689 : i32
      %sign3A_691 = arith.constant 0 : i32
      %sign3A_692 = arith.cmpi sgt, %jit3A_682, %sign3A_691 : i32
      %sign3A_693 = arith.extui %sign3A_692 : i1 to i32
      %sign3A_694 = arith.constant 0 : i32
      %sign3A_695 = arith.cmpi slt, %jit3A_682, %sign3A_694 : i32
      %sign3A_696 = arith.extui %sign3A_695 : i1 to i32
      %sign3A_697 = arith.subi %sign3A_693, %sign3A_696 : i32
      %ne3A_698 = arith.cmpi ne, %sign3A_690, %sign3A_697 : i32
      %rem3A_699 = arith.remsi %add3A_681, %jit3A_682 : i32
      %ne3A_700 = arith.constant 0 : i32
      %ne3A_701 = arith.cmpi ne, %rem3A_699, %ne3A_700 : i32
      %and3A_702 = arith.andi %ne3A_698, %ne3A_701 : i1
      %sub3A_703 = arith.constant 1 : i32
      %sub3A_704 = arith.subi %div3A_683, %sub3A_703 : i32
      %select_n3A_705 = arith.select %and3A_702, %sub3A_704, %div3A_683 : i32
      %mul3A_706 = arith.constant 2048 : i32
      %mul3A_707 = arith.muli %select_n3A_705, %mul3A_706 : i32
      %rev3A_708 = arith.constant 15 : i32
      %rev3A_709 = vector.broadcast %rev3A_708 : i32 to vector<16xi32>
      %rev3A_710 = tpu.iota {dimensions = array<i32: 0>} : vector<16xi32>
      %rev3A_711 = arith.subi %rev3A_709, %rev3A_710 : vector<16xi32>
      %rev3A_712 = tpu.dynamic_gather %scan3A_676#1[%rev3A_711] in [0] : vector<16xi32>, vector<16xi32> -> vector<16xi32>
      %add3A_713 = vector.broadcast %mul3A_707 : i32 to vector<16xi32>
      %add3A_714 = arith.addi %rev3A_712, %add3A_713 : vector<16xi32>
      %swap3A_715 = arith.constant 16 : i32
      %swap3A_716 = arith.index_cast %swap3A_715 : i32 to index
      %swap3A_717 = arith.constant 0 : index
      %swap3A_718 = tpu.vector_load %arg5[%swap3A_716, %swap3A_717] {strides = array<i32>} : memref<32x16xi32, #tpu.memory_space<vmem>>, vector<16xi32>,
      tpu.vector_store %arg5[%swap3A_716, %swap3A_717], %add3A_714 {strides = array<i32>} : memref<32x16xi32, #tpu.memory_space<vmem>>, vector<16xi32>,
      %add3A_719 = arith.constant 16 : i32
      %add3A_720 = arith.addi %add3A_13, %add3A_719 : i32
      %add3A_721 = arith.constant 1 : i32
      %add3A_722 = arith.addi %add3A_720, %add3A_721 : i32
      %jit3A_723 = arith.constant 2048 : i32
      %div3A_724 = arith.divsi %add3A_722, %jit3A_723 : i32
      %sign3A_725 = arith.constant 0 : i32
      %sign3A_726 = arith.cmpi sgt, %add3A_722, %sign3A_725 : i32
      %sign3A_727 = arith.extui %sign3A_726 : i1 to i32
      %sign3A_728 = arith.constant 0 : i32
      %sign3A_729 = arith.cmpi slt, %add3A_722, %sign3A_728 : i32
      %sign3A_730 = arith.extui %sign3A_729 : i1 to i32
      %sign3A_731 = arith.subi %sign3A_727, %sign3A_730 : i32
      %sign3A_732 = arith.constant 0 : i32
      %sign3A_733 = arith.cmpi sgt, %jit3A_723, %sign3A_732 : i32
      %sign3A_734 = arith.extui %sign3A_733 : i1 to i32
      %sign3A_735 = arith.constant 0 : i32
      %sign3A_736 = arith.cmpi slt, %jit3A_723, %sign3A_735 : i32
      %sign3A_737 = arith.extui %sign3A_736 : i1 to i32
      %sign3A_738 = arith.subi %sign3A_734, %sign3A_737 : i32
      %ne3A_739 = arith.cmpi ne, %sign3A_731, %sign3A_738 : i32
      %rem3A_740 = arith.remsi %add3A_722, %jit3A_723 : i32
      %ne3A_741 = arith.constant 0 : i32
      %ne3A_742 = arith.cmpi ne, %rem3A_740, %ne3A_741 : i32
      %and3A_743 = arith.andi %ne3A_739, %ne3A_742 : i1
      %sub3A_744 = arith.constant 1 : i32
      %sub3A_745 = arith.subi %div3A_724, %sub3A_744 : i32
      %select_n3A_746 = arith.select %and3A_743, %sub3A_745, %div3A_724 : i32
      %mul3A_747 = arith.constant 2048 : i32
      %mul3A_748 = arith.muli %select_n3A_746, %mul3A_747 : i32
      %rev3A_749 = arith.constant 15 : i32
      %rev3A_750 = vector.broadcast %rev3A_749 : i32 to vector<16xi32>
      %rev3A_751 = tpu.iota {dimensions = array<i32: 0>} : vector<16xi32>
      %rev3A_752 = arith.subi %rev3A_750, %rev3A_751 : vector<16xi32>
      %rev3A_753 = tpu.dynamic_gather %scan3A_676#3[%rev3A_752] in [0] : vector<16xi32>, vector<16xi32> -> vector<16xi32>
      %add3A_754 = vector.broadcast %mul3A_748 : i32 to vector<16xi32>
      %add3A_755 = arith.addi %rev3A_753, %add3A_754 : vector<16xi32>
      %swap3A_756 = arith.constant 17 : i32
      %swap3A_757 = arith.index_cast %swap3A_756 : i32 to index
      %swap3A_758 = arith.constant 0 : index
      %swap3A_759 = tpu.vector_load %arg5[%swap3A_757, %swap3A_758] {strides = array<i32>} : memref<32x16xi32, #tpu.memory_space<vmem>>, vector<16xi32>,
      tpu.vector_store %arg5[%swap3A_757, %swap3A_758], %add3A_755 {strides = array<i32>} : memref<32x16xi32, #tpu.memory_space<vmem>>, vector<16xi32>,
      %add3A_760 = arith.constant 16 : i32
      %add3A_761 = arith.addi %add3A_13, %add3A_760 : i32
      %add3A_762 = arith.constant 2 : i32
      %add3A_763 = arith.addi %add3A_761, %add3A_762 : i32
      %jit3A_764 = arith.constant 2048 : i32
      %div3A_765 = arith.divsi %add3A_763, %jit3A_764 : i32
      %sign3A_766 = arith.constant 0 : i32
      %sign3A_767 = arith.cmpi sgt, %add3A_763, %sign3A_766 : i32
      %sign3A_768 = arith.extui %sign3A_767 : i1 to i32
      %sign3A_769 = arith.constant 0 : i32
      %sign3A_770 = arith.cmpi slt, %add3A_763, %sign3A_769 : i32
      %sign3A_771 = arith.extui %sign3A_770 : i1 to i32
      %sign3A_772 = arith.subi %sign3A_768, %sign3A_771 : i32
      %sign3A_773 = arith.constant 0 : i32
      %sign3A_774 = arith.cmpi sgt, %jit3A_764, %sign3A_773 : i32
      %sign3A_775 = arith.extui %sign3A_774 : i1 to i32
      %sign3A_776 = arith.constant 0 : i32
      %sign3A_777 = arith.cmpi slt, %jit3A_764, %sign3A_776 : i32
      %sign3A_778 = arith.extui %sign3A_777 : i1 to i32
      %sign3A_779 = arith.subi %sign3A_775, %sign3A_778 : i32
      %ne3A_780 = arith.cmpi ne, %sign3A_772, %sign3A_779 : i32
      %rem3A_781 = arith.remsi %add3A_763, %jit3A_764 : i32
      %ne3A_782 = arith.constant 0 : i32
      %ne3A_783 = arith.cmpi ne, %rem3A_781, %ne3A_782 : i32
      %and3A_784 = arith.andi %ne3A_780, %ne3A_783 : i1
      %sub3A_785 = arith.constant 1 : i32
      %sub3A_786 = arith.subi %div3A_765, %sub3A_785 : i32
      %select_n3A_787 = arith.select %and3A_784, %sub3A_786, %div3A_765 : i32
      %mul3A_788 = arith.constant 2048 : i32
      %mul3A_789 = arith.muli %select_n3A_787, %mul3A_788 : i32
      %rev3A_790 = arith.constant 15 : i32
      %rev3A_791 = vector.broadcast %rev3A_790 : i32 to vector<16xi32>
      %rev3A_792 = tpu.iota {dimensions = array<i32: 0>} : vector<16xi32>
      %rev3A_793 = arith.subi %rev3A_791, %rev3A_792 : vector<16xi32>
      %rev3A_794 = tpu.dynamic_gather %scan3A_676#5[%rev3A_793] in [0] : vector<16xi32>, vector<16xi32> -> vector<16xi32>
      %add3A_795 = vector.broadcast %mul3A_789 : i32 to vector<16xi32>
      %add3A_796 = arith.addi %rev3A_794, %add3A_795 : vector<16xi32>
      %swap3A_797 = arith.constant 18 : i32
      %swap3A_798 = arith.index_cast %swap3A_797 : i32 to index
      %swap3A_799 = arith.constant 0 : index
      %swap3A_800 = tpu.vector_load %arg5[%swap3A_798, %swap3A_799] {strides = array<i32>} : memref<32x16xi32, #tpu.memory_space<vmem>>, vector<16xi32>,
      tpu.vector_store %arg5[%swap3A_798, %swap3A_799], %add3A_796 {strides = array<i32>} : memref<32x16xi32, #tpu.memory_space<vmem>>, vector<16xi32>,
      %add3A_801 = arith.constant 16 : i32
      %add3A_802 = arith.addi %add3A_13, %add3A_801 : i32
      %add3A_803 = arith.constant 3 : i32
      %add3A_804 = arith.addi %add3A_802, %add3A_803 : i32
      %jit3A_805 = arith.constant 2048 : i32
      %div3A_806 = arith.divsi %add3A_804, %jit3A_805 : i32
      %sign3A_807 = arith.constant 0 : i32
      %sign3A_808 = arith.cmpi sgt, %add3A_804, %sign3A_807 : i32
      %sign3A_809 = arith.extui %sign3A_808 : i1 to i32
      %sign3A_810 = arith.constant 0 : i32
      %sign3A_811 = arith.cmpi slt, %add3A_804, %sign3A_810 : i32
      %sign3A_812 = arith.extui %sign3A_811 : i1 to i32
      %sign3A_813 = arith.subi %sign3A_809, %sign3A_812 : i32
      %sign3A_814 = arith.constant 0 : i32
      %sign3A_815 = arith.cmpi sgt, %jit3A_805, %sign3A_814 : i32
      %sign3A_816 = arith.extui %sign3A_815 : i1 to i32
      %sign3A_817 = arith.constant 0 : i32
      %sign3A_818 = arith.cmpi slt, %jit3A_805, %sign3A_817 : i32
      %sign3A_819 = arith.extui %sign3A_818 : i1 to i32
      %sign3A_820 = arith.subi %sign3A_816, %sign3A_819 : i32
      %ne3A_821 = arith.cmpi ne, %sign3A_813, %sign3A_820 : i32
      %rem3A_822 = arith.remsi %add3A_804, %jit3A_805 : i32
      %ne3A_823 = arith.constant 0 : i32
      %ne3A_824 = arith.cmpi ne, %rem3A_822, %ne3A_823 : i32
      %and3A_825 = arith.andi %ne3A_821, %ne3A_824 : i1
      %sub3A_826 = arith.constant 1 : i32
      %sub3A_827 = arith.subi %div3A_806, %sub3A_826 : i32
      %select_n3A_828 = arith.select %and3A_825, %sub3A_827, %div3A_806 : i32
      %mul3A_829 = arith.constant 2048 : i32
      %mul3A_830 = arith.muli %select_n3A_828, %mul3A_829 : i32
      %rev3A_831 = arith.constant 15 : i32
      %rev3A_832 = vector.broadcast %rev3A_831 : i32 to vector<16xi32>
      %rev3A_833 = tpu.iota {dimensions = array<i32: 0>} : vector<16xi32>
      %rev3A_834 = arith.subi %rev3A_832, %rev3A_833 : vector<16xi32>
      %rev3A_835 = tpu.dynamic_gather %scan3A_676#7[%rev3A_834] in [0] : vector<16xi32>, vector<16xi32> -> vector<16xi32>
      %add3A_836 = vector.broadcast %mul3A_830 : i32 to vector<16xi32>
      %add3A_837 = arith.addi %rev3A_835, %add3A_836 : vector<16xi32>
      %swap3A_838 = arith.constant 19 : i32
      %swap3A_839 = arith.index_cast %swap3A_838 : i32 to index
      %swap3A_840 = arith.constant 0 : index
      %swap3A_841 = tpu.vector_load %arg5[%swap3A_839, %swap3A_840] {strides = array<i32>} : memref<32x16xi32, #tpu.memory_space<vmem>>, vector<16xi32>,
      tpu.vector_store %arg5[%swap3A_839, %swap3A_840], %add3A_837 {strides = array<i32>} : memref<32x16xi32, #tpu.memory_space<vmem>>, vector<16xi32>,
      %add3A_842 = arith.constant 16 : i32
      %add3A_843 = arith.addi %add3A_13, %add3A_842 : i32
      %add3A_844 = arith.constant 4 : i32
      %add3A_845 = arith.addi %add3A_843, %add3A_844 : i32
      %jit3A_846 = arith.constant 2048 : i32
      %div3A_847 = arith.divsi %add3A_845, %jit3A_846 : i32
      %sign3A_848 = arith.constant 0 : i32
      %sign3A_849 = arith.cmpi sgt, %add3A_845, %sign3A_848 : i32
      %sign3A_850 = arith.extui %sign3A_849 : i1 to i32
      %sign3A_851 = arith.constant 0 : i32
      %sign3A_852 = arith.cmpi slt, %add3A_845, %sign3A_851 : i32
      %sign3A_853 = arith.extui %sign3A_852 : i1 to i32
      %sign3A_854 = arith.subi %sign3A_850, %sign3A_853 : i32
      %sign3A_855 = arith.constant 0 : i32
      %sign3A_856 = arith.cmpi sgt, %jit3A_846, %sign3A_855 : i32
      %sign3A_857 = arith.extui %sign3A_856 : i1 to i32
      %sign3A_858 = arith.constant 0 : i32
      %sign3A_859 = arith.cmpi slt, %jit3A_846, %sign3A_858 : i32
      %sign3A_860 = arith.extui %sign3A_859 : i1 to i32
      %sign3A_861 = arith.subi %sign3A_857, %sign3A_860 : i32
      %ne3A_862 = arith.cmpi ne, %sign3A_854, %sign3A_861 : i32
      %rem3A_863 = arith.remsi %add3A_845, %jit3A_846 : i32
      %ne3A_864 = arith.constant 0 : i32
      %ne3A_865 = arith.cmpi ne, %rem3A_863, %ne3A_864 : i32
      %and3A_866 = arith.andi %ne3A_862, %ne3A_865 : i1
      %sub3A_867 = arith.constant 1 : i32
      %sub3A_868 = arith.subi %div3A_847, %sub3A_867 : i32
      %select_n3A_869 = arith.select %and3A_866, %sub3A_868, %div3A_847 : i32
      %mul3A_870 = arith.constant 2048 : i32
      %mul3A_871 = arith.muli %select_n3A_869, %mul3A_870 : i32
      %rev3A_872 = arith.constant 15 : i32
      %rev3A_873 = vector.broadcast %rev3A_872 : i32 to vector<16xi32>
      %rev3A_874 = tpu.iota {dimensions = array<i32: 0>} : vector<16xi32>
      %rev3A_875 = arith.subi %rev3A_873, %rev3A_874 : vector<16xi32>
      %rev3A_876 = tpu.dynamic_gather %scan3A_676#9[%rev3A_875] in [0] : vector<16xi32>, vector<16xi32> -> vector<16xi32>
      %add3A_877 = vector.broadcast %mul3A_871 : i32 to vector<16xi32>
      %add3A_878 = arith.addi %rev3A_876, %add3A_877 : vector<16xi32>
      %swap3A_879 = arith.constant 20 : i32
      %swap3A_880 = arith.index_cast %swap3A_879 : i32 to index
      %swap3A_881 = arith.constant 0 : index
      %swap3A_882 = tpu.vector_load %arg5[%swap3A_880, %swap3A_881] {strides = array<i32>} : memref<32x16xi32, #tpu.memory_space<vmem>>, vector<16xi32>,
      tpu.vector_store %arg5[%swap3A_880, %swap3A_881], %add3A_878 {strides = array<i32>} : memref<32x16xi32, #tpu.memory_space<vmem>>, vector<16xi32>,
      %add3A_883 = arith.constant 16 : i32
      %add3A_884 = arith.addi %add3A_13, %add3A_883 : i32
      %add3A_885 = arith.constant 5 : i32
      %add3A_886 = arith.addi %add3A_884, %add3A_885 : i32
      %jit3A_887 = arith.constant 2048 : i32
      %div3A_888 = arith.divsi %add3A_886, %jit3A_887 : i32
      %sign3A_889 = arith.constant 0 : i32
      %sign3A_890 = arith.cmpi sgt, %add3A_886, %sign3A_889 : i32
      %sign3A_891 = arith.extui %sign3A_890 : i1 to i32
      %sign3A_892 = arith.constant 0 : i32
      %sign3A_893 = arith.cmpi slt, %add3A_886, %sign3A_892 : i32
      %sign3A_894 = arith.extui %sign3A_893 : i1 to i32
      %sign3A_895 = arith.subi %sign3A_891, %sign3A_894 : i32
      %sign3A_896 = arith.constant 0 : i32
      %sign3A_897 = arith.cmpi sgt, %jit3A_887, %sign3A_896 : i32
      %sign3A_898 = arith.extui %sign3A_897 : i1 to i32
      %sign3A_899 = arith.constant 0 : i32
      %sign3A_900 = arith.cmpi slt, %jit3A_887, %sign3A_899 : i32
      %sign3A_901 = arith.extui %sign3A_900 : i1 to i32
      %sign3A_902 = arith.subi %sign3A_898, %sign3A_901 : i32
      %ne3A_903 = arith.cmpi ne, %sign3A_895, %sign3A_902 : i32
      %rem3A_904 = arith.remsi %add3A_886, %jit3A_887 : i32
      %ne3A_905 = arith.constant 0 : i32
      %ne3A_906 = arith.cmpi ne, %rem3A_904, %ne3A_905 : i32
      %and3A_907 = arith.andi %ne3A_903, %ne3A_906 : i1
      %sub3A_908 = arith.constant 1 : i32
      %sub3A_909 = arith.subi %div3A_888, %sub3A_908 : i32
      %select_n3A_910 = arith.select %and3A_907, %sub3A_909, %div3A_888 : i32
      %mul3A_911 = arith.constant 2048 : i32
      %mul3A_912 = arith.muli %select_n3A_910, %mul3A_911 : i32
      %rev3A_913 = arith.constant 15 : i32
      %rev3A_914 = vector.broadcast %rev3A_913 : i32 to vector<16xi32>
      %rev3A_915 = tpu.iota {dimensions = array<i32: 0>} : vector<16xi32>
      %rev3A_916 = arith.subi %rev3A_914, %rev3A_915 : vector<16xi32>
      %rev3A_917 = tpu.dynamic_gather %scan3A_676#11[%rev3A_916] in [0] : vector<16xi32>, vector<16xi32> -> vector<16xi32>
      %add3A_918 = vector.broadcast %mul3A_912 : i32 to vector<16xi32>
      %add3A_919 = arith.addi %rev3A_917, %add3A_918 : vector<16xi32>
      %swap3A_920 = arith.constant 21 : i32
      %swap3A_921 = arith.index_cast %swap3A_920 : i32 to index
      %swap3A_922 = arith.constant 0 : index
      %swap3A_923 = tpu.vector_load %arg5[%swap3A_921, %swap3A_922] {strides = array<i32>} : memref<32x16xi32, #tpu.memory_space<vmem>>, vector<16xi32>,
      tpu.vector_store %arg5[%swap3A_921, %swap3A_922], %add3A_919 {strides = array<i32>} : memref<32x16xi32, #tpu.memory_space<vmem>>, vector<16xi32>,
      %add3A_924 = arith.constant 16 : i32
      %add3A_925 = arith.addi %add3A_13, %add3A_924 : i32
      %add3A_926 = arith.constant 6 : i32
      %add3A_927 = arith.addi %add3A_925, %add3A_926 : i32
      %jit3A_928 = arith.constant 2048 : i32
      %div3A_929 = arith.divsi %add3A_927, %jit3A_928 : i32
      %sign3A_930 = arith.constant 0 : i32
      %sign3A_931 = arith.cmpi sgt, %add3A_927, %sign3A_930 : i32
      %sign3A_932 = arith.extui %sign3A_931 : i1 to i32
      %sign3A_933 = arith.constant 0 : i32
      %sign3A_934 = arith.cmpi slt, %add3A_927, %sign3A_933 : i32
      %sign3A_935 = arith.extui %sign3A_934 : i1 to i32
      %sign3A_936 = arith.subi %sign3A_932, %sign3A_935 : i32
      %sign3A_937 = arith.constant 0 : i32
      %sign3A_938 = arith.cmpi sgt, %jit3A_928, %sign3A_937 : i32
      %sign3A_939 = arith.extui %sign3A_938 : i1 to i32
      %sign3A_940 = arith.constant 0 : i32
      %sign3A_941 = arith.cmpi slt, %jit3A_928, %sign3A_940 : i32
      %sign3A_942 = arith.extui %sign3A_941 : i1 to i32
      %sign3A_943 = arith.subi %sign3A_939, %sign3A_942 : i32
      %ne3A_944 = arith.cmpi ne, %sign3A_936, %sign3A_943 : i32
      %rem3A_945 = arith.remsi %add3A_927, %jit3A_928 : i32
      %ne3A_946 = arith.constant 0 : i32
      %ne3A_947 = arith.cmpi ne, %rem3A_945, %ne3A_946 : i32
      %and3A_948 = arith.andi %ne3A_944, %ne3A_947 : i1
      %sub3A_949 = arith.constant 1 : i32
      %sub3A_950 = arith.subi %div3A_929, %sub3A_949 : i32
      %select_n3A_951 = arith.select %and3A_948, %sub3A_950, %div3A_929 : i32
      %mul3A_952 = arith.constant 2048 : i32
      %mul3A_953 = arith.muli %select_n3A_951, %mul3A_952 : i32
      %rev3A_954 = arith.constant 15 : i32
      %rev3A_955 = vector.broadcast %rev3A_954 : i32 to vector<16xi32>
      %rev3A_956 = tpu.iota {dimensions = array<i32: 0>} : vector<16xi32>
      %rev3A_957 = arith.subi %rev3A_955, %rev3A_956 : vector<16xi32>
      %rev3A_958 = tpu.dynamic_gather %scan3A_676#13[%rev3A_957] in [0] : vector<16xi32>, vector<16xi32> -> vector<16xi32>
      %add3A_959 = vector.broadcast %mul3A_953 : i32 to vector<16xi32>
      %add3A_960 = arith.addi %rev3A_958, %add3A_959 : vector<16xi32>
      %swap3A_961 = arith.constant 22 : i32
      %swap3A_962 = arith.index_cast %swap3A_961 : i32 to index
      %swap3A_963 = arith.constant 0 : index
      %swap3A_964 = tpu.vector_load %arg5[%swap3A_962, %swap3A_963] {strides = array<i32>} : memref<32x16xi32, #tpu.memory_space<vmem>>, vector<16xi32>,
      tpu.vector_store %arg5[%swap3A_962, %swap3A_963], %add3A_960 {strides = array<i32>} : memref<32x16xi32, #tpu.memory_space<vmem>>, vector<16xi32>,
      %add3A_965 = arith.constant 16 : i32
      %add3A_966 = arith.addi %add3A_13, %add3A_965 : i32
      %add3A_967 = arith.constant 7 : i32
      %add3A_968 = arith.addi %add3A_966, %add3A_967 : i32
      %jit3A_969 = arith.constant 2048 : i32
      %div3A_970 = arith.divsi %add3A_968, %jit3A_969 : i32
      %sign3A_971 = arith.constant 0 : i32
      %sign3A_972 = arith.cmpi sgt, %add3A_968, %sign3A_971 : i32
      %sign3A_973 = arith.extui %sign3A_972 : i1 to i32
      %sign3A_974 = arith.constant 0 : i32
      %sign3A_975 = arith.cmpi slt, %add3A_968, %sign3A_974 : i32
      %sign3A_976 = arith.extui %sign3A_975 : i1 to i32
      %sign3A_977 = arith.subi %sign3A_973, %sign3A_976 : i32
      %sign3A_978 = arith.constant 0 : i32
      %sign3A_979 = arith.cmpi sgt, %jit3A_969, %sign3A_978 : i32
      %sign3A_980 = arith.extui %sign3A_979 : i1 to i32
      %sign3A_981 = arith.constant 0 : i32
      %sign3A_982 = arith.cmpi slt, %jit3A_969, %sign3A_981 : i32
      %sign3A_983 = arith.extui %sign3A_982 : i1 to i32
      %sign3A_984 = arith.subi %sign3A_980, %sign3A_983 : i32
      %ne3A_985 = arith.cmpi ne, %sign3A_977, %sign3A_984 : i32
      %rem3A_986 = arith.remsi %add3A_968, %jit3A_969 : i32
      %ne3A_987 = arith.constant 0 : i32
      %ne3A_988 = arith.cmpi ne, %rem3A_986, %ne3A_987 : i32
      %and3A_989 = arith.andi %ne3A_985, %ne3A_988 : i1
      %sub3A_990 = arith.constant 1 : i32
      %sub3A_991 = arith.subi %div3A_970, %sub3A_990 : i32
      %select_n3A_992 = arith.select %and3A_989, %sub3A_991, %div3A_970 : i32
      %mul3A_993 = arith.constant 2048 : i32
      %mul3A_994 = arith.muli %select_n3A_992, %mul3A_993 : i32
      %rev3A_995 = arith.constant 15 : i32
      %rev3A_996 = vector.broadcast %rev3A_995 : i32 to vector<16xi32>
      %rev3A_997 = tpu.iota {dimensions = array<i32: 0>} : vector<16xi32>
      %rev3A_998 = arith.subi %rev3A_996, %rev3A_997 : vector<16xi32>
      %rev3A_999 = tpu.dynamic_gather %scan3A_676#15[%rev3A_998] in [0] : vector<16xi32>, vector<16xi32> -> vector<16xi32>
      %add3A_1000 = vector.broadcast %mul3A_994 : i32 to vector<16xi32>
      %add3A_1001 = arith.addi %rev3A_999, %add3A_1000 : vector<16xi32>
      %swap3A_1002 = arith.constant 23 : i32
      %swap3A_1003 = arith.index_cast %swap3A_1002 : i32 to index
      %swap3A_1004 = arith.constant 0 : index
      %swap3A_1005 = tpu.vector_load %arg5[%swap3A_1003, %swap3A_1004] {strides = array<i32>} : memref<32x16xi32, #tpu.memory_space<vmem>>, vector<16xi32>,
      tpu.vector_store %arg5[%swap3A_1003, %swap3A_1004], %add3A_1001 {strides = array<i32>} : memref<32x16xi32, #tpu.memory_space<vmem>>, vector<16xi32>,
      %scan3A_1006 = arith.constant 0 : i32
      %scan3A_1007 = arith.constant 128 : i32
      %scan3A_1008 = arith.addi %scan3A_1006, %scan3A_1007 : i32
      %scan3A_1009 = arith.constant 1 : i32
      %scan3A_1010:16 = scf.for %scan3A_1340 = %scan3A_1006 to %scan3A_1008 step %scan3A_1009 iter_args(%scan3A_1341 = %broadcast_in_dim3A_1, %scan3A_1342 = %broadcast_in_dim3A_3, %scan3A_1343 = %broadcast_in_dim3A_1, %scan3A_1344 = %broadcast_in_dim3A_3, %scan3A_1345 = %broadcast_in_dim3A_1, %scan3A_1346 = %broadcast_in_dim3A_3, %scan3A_1347 = %broadcast_in_dim3A_1, %scan3A_1348 = %broadcast_in_dim3A_3, %scan3A_1349 = %broadcast_in_dim3A_1, %scan3A_1350 = %broadcast_in_dim3A_3, %scan3A_1351 = %broadcast_in_dim3A_1, %scan3A_1352 = %broadcast_in_dim3A_3, %scan3A_1353 = %broadcast_in_dim3A_1, %scan3A_1354 = %broadcast_in_dim3A_3, %scan3A_1355 = %broadcast_in_dim3A_1, %scan3A_1356 = %broadcast_in_dim3A_3) -> (vector<16xf32>, vector<16xi32>, vector<16xf32>, vector<16xi32>, vector<16xf32>, vector<16xi32>, vector<16xf32>, vector<16xi32>, vector<16xf32>, vector<16xi32>, vector<16xf32>, vector<16xi32>, vector<16xf32>, vector<16xi32>, vector<16xf32>, vector<16xi32>)  : i32 {
        %mul3A_1357 = arith.constant 16 : i32
        %mul3A_1358 = arith.muli %scan3A_1340, %mul3A_1357 : i32
        %add3A_1359 = vector.broadcast %mul3A_1358 : i32 to vector<16xi32>
        %add3A_1360 = arith.addi %iota3A, %add3A_1359 : vector<16xi32>
        %mul3A_1361 = arith.constant 16 : i32
        %mul3A_1362 = arith.muli %scan3A_1340, %mul3A_1361 : i32
        %get3A = arith.constant 24 : i32
        %get3A_1363 = arith.index_cast %get3A : i32 to index
        %get3A_1364 = arith.index_cast %mul3A_1362 : i32 to index
        %get3A_1365 = tpu.vector_load %arg4[%get3A_1363, %get3A_1364] {strides = array<i32>} : memref<32x2048xf32, #tpu.memory_space<vmem>>, vector<16xf32>,
        %masked_sort3A = arith.constant dense<true> : vector<16xi1>
        %masked_sort3A_1366, %masked_sort3A_1367, %masked_sort3A_1368 = tpu.sort %get3A_1365, %add3A_1360 masked %masked_sort3A : (vector<16xf32>, vector<16xi32>, vector<16xi1>) -> (vector<16xi1>, vector<16xf32>, vector<16xi32>)
        %min3A = arith.minimumf %masked_sort3A_1367, %scan3A_1341 : vector<16xf32>
        %le3A = arith.cmpf ole, %masked_sort3A_1367, %scan3A_1341 : vector<16xf32>
        %select_n3A_1369 = arith.select %le3A, %masked_sort3A_1368, %scan3A_1342 : vector<16xi1>, vector<16xi32>
        %masked_sort3A_1370 = arith.constant dense<true> : vector<16xi1>
        %masked_sort3A_1371, %masked_sort3A_1372, %masked_sort3A_1373 = tpu.sort %min3A, %select_n3A_1369 masked %masked_sort3A_1370 {descending = true} : (vector<16xf32>, vector<16xi32>, vector<16xi1>) -> (vector<16xi1>, vector<16xf32>, vector<16xi32>)
        %mul3A_1374 = arith.constant 16 : i32
        %mul3A_1375 = arith.muli %scan3A_1340, %mul3A_1374 : i32
        %get3A_1376 = arith.constant 25 : i32
        %get3A_1377 = arith.index_cast %get3A_1376 : i32 to index
        %get3A_1378 = arith.index_cast %mul3A_1375 : i32 to index
        %get3A_1379 = tpu.vector_load %arg4[%get3A_1377, %get3A_1378] {strides = array<i32>} : memref<32x2048xf32, #tpu.memory_space<vmem>>, vector<16xf32>,
        %masked_sort3A_1380 = arith.constant dense<true> : vector<16xi1>
        %masked_sort3A_1381, %masked_sort3A_1382, %masked_sort3A_1383 = tpu.sort %get3A_1379, %add3A_1360 masked %masked_sort3A_1380 : (vector<16xf32>, vector<16xi32>, vector<16xi1>) -> (vector<16xi1>, vector<16xf32>, vector<16xi32>)
        %min3A_1384 = arith.minimumf %masked_sort3A_1382, %scan3A_1343 : vector<16xf32>
        %le3A_1385 = arith.cmpf ole, %masked_sort3A_1382, %scan3A_1343 : vector<16xf32>
        %select_n3A_1386 = arith.select %le3A_1385, %masked_sort3A_1383, %scan3A_1344 : vector<16xi1>, vector<16xi32>
        %masked_sort3A_1387 = arith.constant dense<true> : vector<16xi1>
        %masked_sort3A_1388, %masked_sort3A_1389, %masked_sort3A_1390 = tpu.sort %min3A_1384, %select_n3A_1386 masked %masked_sort3A_1387 {descending = true} : (vector<16xf32>, vector<16xi32>, vector<16xi1>) -> (vector<16xi1>, vector<16xf32>, vector<16xi32>)
        %mul3A_1391 = arith.constant 16 : i32
        %mul3A_1392 = arith.muli %scan3A_1340, %mul3A_1391 : i32
        %get3A_1393 = arith.constant 26 : i32
        %get3A_1394 = arith.index_cast %get3A_1393 : i32 to index
        %get3A_1395 = arith.index_cast %mul3A_1392 : i32 to index
        %get3A_1396 = tpu.vector_load %arg4[%get3A_1394, %get3A_1395] {strides = array<i32>} : memref<32x2048xf32, #tpu.memory_space<vmem>>, vector<16xf32>,
        %masked_sort3A_1397 = arith.constant dense<true> : vector<16xi1>
        %masked_sort3A_1398, %masked_sort3A_1399, %masked_sort3A_1400 = tpu.sort %get3A_1396, %add3A_1360 masked %masked_sort3A_1397 : (vector<16xf32>, vector<16xi32>, vector<16xi1>) -> (vector<16xi1>, vector<16xf32>, vector<16xi32>)
        %min3A_1401 = arith.minimumf %masked_sort3A_1399, %scan3A_1345 : vector<16xf32>
        %le3A_1402 = arith.cmpf ole, %masked_sort3A_1399, %scan3A_1345 : vector<16xf32>
        %select_n3A_1403 = arith.select %le3A_1402, %masked_sort3A_1400, %scan3A_1346 : vector<16xi1>, vector<16xi32>
        %masked_sort3A_1404 = arith.constant dense<true> : vector<16xi1>
        %masked_sort3A_1405, %masked_sort3A_1406, %masked_sort3A_1407 = tpu.sort %min3A_1401, %select_n3A_1403 masked %masked_sort3A_1404 {descending = true} : (vector<16xf32>, vector<16xi32>, vector<16xi1>) -> (vector<16xi1>, vector<16xf32>, vector<16xi32>)
        %mul3A_1408 = arith.constant 16 : i32
        %mul3A_1409 = arith.muli %scan3A_1340, %mul3A_1408 : i32
        %get3A_1410 = arith.constant 27 : i32
        %get3A_1411 = arith.index_cast %get3A_1410 : i32 to index
        %get3A_1412 = arith.index_cast %mul3A_1409 : i32 to index
        %get3A_1413 = tpu.vector_load %arg4[%get3A_1411, %get3A_1412] {strides = array<i32>} : memref<32x2048xf32, #tpu.memory_space<vmem>>, vector<16xf32>,
        %masked_sort3A_1414 = arith.constant dense<true> : vector<16xi1>
        %masked_sort3A_1415, %masked_sort3A_1416, %masked_sort3A_1417 = tpu.sort %get3A_1413, %add3A_1360 masked %masked_sort3A_1414 : (vector<16xf32>, vector<16xi32>, vector<16xi1>) -> (vector<16xi1>, vector<16xf32>, vector<16xi32>)
        %min3A_1418 = arith.minimumf %masked_sort3A_1416, %scan3A_1347 : vector<16xf32>
        %le3A_1419 = arith.cmpf ole, %masked_sort3A_1416, %scan3A_1347 : vector<16xf32>
        %select_n3A_1420 = arith.select %le3A_1419, %masked_sort3A_1417, %scan3A_1348 : vector<16xi1>, vector<16xi32>
        %masked_sort3A_1421 = arith.constant dense<true> : vector<16xi1>
        %masked_sort3A_1422, %masked_sort3A_1423, %masked_sort3A_1424 = tpu.sort %min3A_1418, %select_n3A_1420 masked %masked_sort3A_1421 {descending = true} : (vector<16xf32>, vector<16xi32>, vector<16xi1>) -> (vector<16xi1>, vector<16xf32>, vector<16xi32>)
        %mul3A_1425 = arith.constant 16 : i32
        %mul3A_1426 = arith.muli %scan3A_1340, %mul3A_1425 : i32
        %get3A_1427 = arith.constant 28 : i32
        %get3A_1428 = arith.index_cast %get3A_1427 : i32 to index
        %get3A_1429 = arith.index_cast %mul3A_1426 : i32 to index
        %get3A_1430 = tpu.vector_load %arg4[%get3A_1428, %get3A_1429] {strides = array<i32>} : memref<32x2048xf32, #tpu.memory_space<vmem>>, vector<16xf32>,
        %masked_sort3A_1431 = arith.constant dense<true> : vector<16xi1>
        %masked_sort3A_1432, %masked_sort3A_1433, %masked_sort3A_1434 = tpu.sort %get3A_1430, %add3A_1360 masked %masked_sort3A_1431 : (vector<16xf32>, vector<16xi32>, vector<16xi1>) -> (vector<16xi1>, vector<16xf32>, vector<16xi32>)
        %min3A_1435 = arith.minimumf %masked_sort3A_1433, %scan3A_1349 : vector<16xf32>
        %le3A_1436 = arith.cmpf ole, %masked_sort3A_1433, %scan3A_1349 : vector<16xf32>
        %select_n3A_1437 = arith.select %le3A_1436, %masked_sort3A_1434, %scan3A_1350 : vector<16xi1>, vector<16xi32>
        %masked_sort3A_1438 = arith.constant dense<true> : vector<16xi1>
        %masked_sort3A_1439, %masked_sort3A_1440, %masked_sort3A_1441 = tpu.sort %min3A_1435, %select_n3A_1437 masked %masked_sort3A_1438 {descending = true} : (vector<16xf32>, vector<16xi32>, vector<16xi1>) -> (vector<16xi1>, vector<16xf32>, vector<16xi32>)
        %mul3A_1442 = arith.constant 16 : i32
        %mul3A_1443 = arith.muli %scan3A_1340, %mul3A_1442 : i32
        %get3A_1444 = arith.constant 29 : i32
        %get3A_1445 = arith.index_cast %get3A_1444 : i32 to index
        %get3A_1446 = arith.index_cast %mul3A_1443 : i32 to index
        %get3A_1447 = tpu.vector_load %arg4[%get3A_1445, %get3A_1446] {strides = array<i32>} : memref<32x2048xf32, #tpu.memory_space<vmem>>, vector<16xf32>,
        %masked_sort3A_1448 = arith.constant dense<true> : vector<16xi1>
        %masked_sort3A_1449, %masked_sort3A_1450, %masked_sort3A_1451 = tpu.sort %get3A_1447, %add3A_1360 masked %masked_sort3A_1448 : (vector<16xf32>, vector<16xi32>, vector<16xi1>) -> (vector<16xi1>, vector<16xf32>, vector<16xi32>)
        %min3A_1452 = arith.minimumf %masked_sort3A_1450, %scan3A_1351 : vector<16xf32>
        %le3A_1453 = arith.cmpf ole, %masked_sort3A_1450, %scan3A_1351 : vector<16xf32>
        %select_n3A_1454 = arith.select %le3A_1453, %masked_sort3A_1451, %scan3A_1352 : vector<16xi1>, vector<16xi32>
        %masked_sort3A_1455 = arith.constant dense<true> : vector<16xi1>
        %masked_sort3A_1456, %masked_sort3A_1457, %masked_sort3A_1458 = tpu.sort %min3A_1452, %select_n3A_1454 masked %masked_sort3A_1455 {descending = true} : (vector<16xf32>, vector<16xi32>, vector<16xi1>) -> (vector<16xi1>, vector<16xf32>, vector<16xi32>)
        %mul3A_1459 = arith.constant 16 : i32
        %mul3A_1460 = arith.muli %scan3A_1340, %mul3A_1459 : i32
        %get3A_1461 = arith.constant 30 : i32
        %get3A_1462 = arith.index_cast %get3A_1461 : i32 to index
        %get3A_1463 = arith.index_cast %mul3A_1460 : i32 to index
        %get3A_1464 = tpu.vector_load %arg4[%get3A_1462, %get3A_1463] {strides = array<i32>} : memref<32x2048xf32, #tpu.memory_space<vmem>>, vector<16xf32>,
        %masked_sort3A_1465 = arith.constant dense<true> : vector<16xi1>
        %masked_sort3A_1466, %masked_sort3A_1467, %masked_sort3A_1468 = tpu.sort %get3A_1464, %add3A_1360 masked %masked_sort3A_1465 : (vector<16xf32>, vector<16xi32>, vector<16xi1>) -> (vector<16xi1>, vector<16xf32>, vector<16xi32>)
        %min3A_1469 = arith.minimumf %masked_sort3A_1467, %scan3A_1353 : vector<16xf32>
        %le3A_1470 = arith.cmpf ole, %masked_sort3A_1467, %scan3A_1353 : vector<16xf32>
        %select_n3A_1471 = arith.select %le3A_1470, %masked_sort3A_1468, %scan3A_1354 : vector<16xi1>, vector<16xi32>
        %masked_sort3A_1472 = arith.constant dense<true> : vector<16xi1>
        %masked_sort3A_1473, %masked_sort3A_1474, %masked_sort3A_1475 = tpu.sort %min3A_1469, %select_n3A_1471 masked %masked_sort3A_1472 {descending = true} : (vector<16xf32>, vector<16xi32>, vector<16xi1>) -> (vector<16xi1>, vector<16xf32>, vector<16xi32>)
        %mul3A_1476 = arith.constant 16 : i32
        %mul3A_1477 = arith.muli %scan3A_1340, %mul3A_1476 : i32
        %get3A_1478 = arith.constant 31 : i32
        %get3A_1479 = arith.index_cast %get3A_1478 : i32 to index
        %get3A_1480 = arith.index_cast %mul3A_1477 : i32 to index
        %get3A_1481 = tpu.vector_load %arg4[%get3A_1479, %get3A_1480] {strides = array<i32>} : memref<32x2048xf32, #tpu.memory_space<vmem>>, vector<16xf32>,
        %masked_sort3A_1482 = arith.constant dense<true> : vector<16xi1>
        %masked_sort3A_1483, %masked_sort3A_1484, %masked_sort3A_1485 = tpu.sort %get3A_1481, %add3A_1360 masked %masked_sort3A_1482 : (vector<16xf32>, vector<16xi32>, vector<16xi1>) -> (vector<16xi1>, vector<16xf32>, vector<16xi32>)
        %min3A_1486 = arith.minimumf %masked_sort3A_1484, %scan3A_1355 : vector<16xf32>
        %le3A_1487 = arith.cmpf ole, %masked_sort3A_1484, %scan3A_1355 : vector<16xf32>
        %select_n3A_1488 = arith.select %le3A_1487, %masked_sort3A_1485, %scan3A_1356 : vector<16xi1>, vector<16xi32>
        %masked_sort3A_1489 = arith.constant dense<true> : vector<16xi1>
        %masked_sort3A_1490, %masked_sort3A_1491, %masked_sort3A_1492 = tpu.sort %min3A_1486, %select_n3A_1488 masked %masked_sort3A_1489 {descending = true} : (vector<16xf32>, vector<16xi32>, vector<16xi1>) -> (vector<16xi1>, vector<16xf32>, vector<16xi32>)
        scf.yield %masked_sort3A_1372, %masked_sort3A_1373, %masked_sort3A_1389, %masked_sort3A_1390, %masked_sort3A_1406, %masked_sort3A_1407, %masked_sort3A_1423, %masked_sort3A_1424, %masked_sort3A_1440, %masked_sort3A_1441, %masked_sort3A_1457, %masked_sort3A_1458, %masked_sort3A_1474, %masked_sort3A_1475, %masked_sort3A_1491, %masked_sort3A_1492 : vector<16xf32>, vector<16xi32>, vector<16xf32>, vector<16xi32>, vector<16xf32>, vector<16xi32>, vector<16xf32>, vector<16xi32>, vector<16xf32>, vector<16xi32>, vector<16xf32>, vector<16xi32>, vector<16xf32>, vector<16xi32>, vector<16xf32>, vector<16xi32>
      }
      %scan3A_1011 = arith.constant 128 : i32
      %add3A_1012 = arith.constant 24 : i32
      %add3A_1013 = arith.addi %add3A_13, %add3A_1012 : i32
      %add3A_1014 = arith.constant 0 : i32
      %add3A_1015 = arith.addi %add3A_1013, %add3A_1014 : i32
      %jit3A_1016 = arith.constant 2048 : i32
      %div3A_1017 = arith.divsi %add3A_1015, %jit3A_1016 : i32
      %sign3A_1018 = arith.constant 0 : i32
      %sign3A_1019 = arith.cmpi sgt, %add3A_1015, %sign3A_1018 : i32
      %sign3A_1020 = arith.extui %sign3A_1019 : i1 to i32
      %sign3A_1021 = arith.constant 0 : i32
      %sign3A_1022 = arith.cmpi slt, %add3A_1015, %sign3A_1021 : i32
      %sign3A_1023 = arith.extui %sign3A_1022 : i1 to i32
      %sign3A_1024 = arith.subi %sign3A_1020, %sign3A_1023 : i32
      %sign3A_1025 = arith.constant 0 : i32
      %sign3A_1026 = arith.cmpi sgt, %jit3A_1016, %sign3A_1025 : i32
      %sign3A_1027 = arith.extui %sign3A_1026 : i1 to i32
      %sign3A_1028 = arith.constant 0 : i32
      %sign3A_1029 = arith.cmpi slt, %jit3A_1016, %sign3A_1028 : i32
      %sign3A_1030 = arith.extui %sign3A_1029 : i1 to i32
      %sign3A_1031 = arith.subi %sign3A_1027, %sign3A_1030 : i32
      %ne3A_1032 = arith.cmpi ne, %sign3A_1024, %sign3A_1031 : i32
      %rem3A_1033 = arith.remsi %add3A_1015, %jit3A_1016 : i32
      %ne3A_1034 = arith.constant 0 : i32
      %ne3A_1035 = arith.cmpi ne, %rem3A_1033, %ne3A_1034 : i32
      %and3A_1036 = arith.andi %ne3A_1032, %ne3A_1035 : i1
      %sub3A_1037 = arith.constant 1 : i32
      %sub3A_1038 = arith.subi %div3A_1017, %sub3A_1037 : i32
      %select_n3A_1039 = arith.select %and3A_1036, %sub3A_1038, %div3A_1017 : i32
      %mul3A_1040 = arith.constant 2048 : i32
      %mul3A_1041 = arith.muli %select_n3A_1039, %mul3A_1040 : i32
      %rev3A_1042 = arith.constant 15 : i32
      %rev3A_1043 = vector.broadcast %rev3A_1042 : i32 to vector<16xi32>
      %rev3A_1044 = tpu.iota {dimensions = array<i32: 0>} : vector<16xi32>
      %rev3A_1045 = arith.subi %rev3A_1043, %rev3A_1044 : vector<16xi32>
      %rev3A_1046 = tpu.dynamic_gather %scan3A_1010#1[%rev3A_1045] in [0] : vector<16xi32>, vector<16xi32> -> vector<16xi32>
      %add3A_1047 = vector.broadcast %mul3A_1041 : i32 to vector<16xi32>
      %add3A_1048 = arith.addi %rev3A_1046, %add3A_1047 : vector<16xi32>
      %swap3A_1049 = arith.constant 24 : i32
      %swap3A_1050 = arith.index_cast %swap3A_1049 : i32 to index
      %swap3A_1051 = arith.constant 0 : index
      %swap3A_1052 = tpu.vector_load %arg5[%swap3A_1050, %swap3A_1051] {strides = array<i32>} : memref<32x16xi32, #tpu.memory_space<vmem>>, vector<16xi32>,
      tpu.vector_store %arg5[%swap3A_1050, %swap3A_1051], %add3A_1048 {strides = array<i32>} : memref<32x16xi32, #tpu.memory_space<vmem>>, vector<16xi32>,
      %add3A_1053 = arith.constant 24 : i32
      %add3A_1054 = arith.addi %add3A_13, %add3A_1053 : i32
      %add3A_1055 = arith.constant 1 : i32
      %add3A_1056 = arith.addi %add3A_1054, %add3A_1055 : i32
      %jit3A_1057 = arith.constant 2048 : i32
      %div3A_1058 = arith.divsi %add3A_1056, %jit3A_1057 : i32
      %sign3A_1059 = arith.constant 0 : i32
      %sign3A_1060 = arith.cmpi sgt, %add3A_1056, %sign3A_1059 : i32
      %sign3A_1061 = arith.extui %sign3A_1060 : i1 to i32
      %sign3A_1062 = arith.constant 0 : i32
      %sign3A_1063 = arith.cmpi slt, %add3A_1056, %sign3A_1062 : i32
      %sign3A_1064 = arith.extui %sign3A_1063 : i1 to i32
      %sign3A_1065 = arith.subi %sign3A_1061, %sign3A_1064 : i32
      %sign3A_1066 = arith.constant 0 : i32
      %sign3A_1067 = arith.cmpi sgt, %jit3A_1057, %sign3A_1066 : i32
      %sign3A_1068 = arith.extui %sign3A_1067 : i1 to i32
      %sign3A_1069 = arith.constant 0 : i32
      %sign3A_1070 = arith.cmpi slt, %jit3A_1057, %sign3A_1069 : i32
      %sign3A_1071 = arith.extui %sign3A_1070 : i1 to i32
      %sign3A_1072 = arith.subi %sign3A_1068, %sign3A_1071 : i32
      %ne3A_1073 = arith.cmpi ne, %sign3A_1065, %sign3A_1072 : i32
      %rem3A_1074 = arith.remsi %add3A_1056, %jit3A_1057 : i32
      %ne3A_1075 = arith.constant 0 : i32
      %ne3A_1076 = arith.cmpi ne, %rem3A_1074, %ne3A_1075 : i32
      %and3A_1077 = arith.andi %ne3A_1073, %ne3A_1076 : i1
      %sub3A_1078 = arith.constant 1 : i32
      %sub3A_1079 = arith.subi %div3A_1058, %sub3A_1078 : i32
      %select_n3A_1080 = arith.select %and3A_1077, %sub3A_1079, %div3A_1058 : i32
      %mul3A_1081 = arith.constant 2048 : i32
      %mul3A_1082 = arith.muli %select_n3A_1080, %mul3A_1081 : i32
      %rev3A_1083 = arith.constant 15 : i32
      %rev3A_1084 = vector.broadcast %rev3A_1083 : i32 to vector<16xi32>
      %rev3A_1085 = tpu.iota {dimensions = array<i32: 0>} : vector<16xi32>
      %rev3A_1086 = arith.subi %rev3A_1084, %rev3A_1085 : vector<16xi32>
      %rev3A_1087 = tpu.dynamic_gather %scan3A_1010#3[%rev3A_1086] in [0] : vector<16xi32>, vector<16xi32> -> vector<16xi32>
      %add3A_1088 = vector.broadcast %mul3A_1082 : i32 to vector<16xi32>
      %add3A_1089 = arith.addi %rev3A_1087, %add3A_1088 : vector<16xi32>
      %swap3A_1090 = arith.constant 25 : i32
      %swap3A_1091 = arith.index_cast %swap3A_1090 : i32 to index
      %swap3A_1092 = arith.constant 0 : index
      %swap3A_1093 = tpu.vector_load %arg5[%swap3A_1091, %swap3A_1092] {strides = array<i32>} : memref<32x16xi32, #tpu.memory_space<vmem>>, vector<16xi32>,
      tpu.vector_store %arg5[%swap3A_1091, %swap3A_1092], %add3A_1089 {strides = array<i32>} : memref<32x16xi32, #tpu.memory_space<vmem>>, vector<16xi32>,
      %add3A_1094 = arith.constant 24 : i32
      %add3A_1095 = arith.addi %add3A_13, %add3A_1094 : i32
      %add3A_1096 = arith.constant 2 : i32
      %add3A_1097 = arith.addi %add3A_1095, %add3A_1096 : i32
      %jit3A_1098 = arith.constant 2048 : i32
      %div3A_1099 = arith.divsi %add3A_1097, %jit3A_1098 : i32
      %sign3A_1100 = arith.constant 0 : i32
      %sign3A_1101 = arith.cmpi sgt, %add3A_1097, %sign3A_1100 : i32
      %sign3A_1102 = arith.extui %sign3A_1101 : i1 to i32
      %sign3A_1103 = arith.constant 0 : i32
      %sign3A_1104 = arith.cmpi slt, %add3A_1097, %sign3A_1103 : i32
      %sign3A_1105 = arith.extui %sign3A_1104 : i1 to i32
      %sign3A_1106 = arith.subi %sign3A_1102, %sign3A_1105 : i32
      %sign3A_1107 = arith.constant 0 : i32
      %sign3A_1108 = arith.cmpi sgt, %jit3A_1098, %sign3A_1107 : i32
      %sign3A_1109 = arith.extui %sign3A_1108 : i1 to i32
      %sign3A_1110 = arith.constant 0 : i32
      %sign3A_1111 = arith.cmpi slt, %jit3A_1098, %sign3A_1110 : i32
      %sign3A_1112 = arith.extui %sign3A_1111 : i1 to i32
      %sign3A_1113 = arith.subi %sign3A_1109, %sign3A_1112 : i32
      %ne3A_1114 = arith.cmpi ne, %sign3A_1106, %sign3A_1113 : i32
      %rem3A_1115 = arith.remsi %add3A_1097, %jit3A_1098 : i32
      %ne3A_1116 = arith.constant 0 : i32
      %ne3A_1117 = arith.cmpi ne, %rem3A_1115, %ne3A_1116 : i32
      %and3A_1118 = arith.andi %ne3A_1114, %ne3A_1117 : i1
      %sub3A_1119 = arith.constant 1 : i32
      %sub3A_1120 = arith.subi %div3A_1099, %sub3A_1119 : i32
      %select_n3A_1121 = arith.select %and3A_1118, %sub3A_1120, %div3A_1099 : i32
      %mul3A_1122 = arith.constant 2048 : i32
      %mul3A_1123 = arith.muli %select_n3A_1121, %mul3A_1122 : i32
      %rev3A_1124 = arith.constant 15 : i32
      %rev3A_1125 = vector.broadcast %rev3A_1124 : i32 to vector<16xi32>
      %rev3A_1126 = tpu.iota {dimensions = array<i32: 0>} : vector<16xi32>
      %rev3A_1127 = arith.subi %rev3A_1125, %rev3A_1126 : vector<16xi32>
      %rev3A_1128 = tpu.dynamic_gather %scan3A_1010#5[%rev3A_1127] in [0] : vector<16xi32>, vector<16xi32> -> vector<16xi32>
      %add3A_1129 = vector.broadcast %mul3A_1123 : i32 to vector<16xi32>
      %add3A_1130 = arith.addi %rev3A_1128, %add3A_1129 : vector<16xi32>
      %swap3A_1131 = arith.constant 26 : i32
      %swap3A_1132 = arith.index_cast %swap3A_1131 : i32 to index
      %swap3A_1133 = arith.constant 0 : index
      %swap3A_1134 = tpu.vector_load %arg5[%swap3A_1132, %swap3A_1133] {strides = array<i32>} : memref<32x16xi32, #tpu.memory_space<vmem>>, vector<16xi32>,
      tpu.vector_store %arg5[%swap3A_1132, %swap3A_1133], %add3A_1130 {strides = array<i32>} : memref<32x16xi32, #tpu.memory_space<vmem>>, vector<16xi32>,
      %add3A_1135 = arith.constant 24 : i32
      %add3A_1136 = arith.addi %add3A_13, %add3A_1135 : i32
      %add3A_1137 = arith.constant 3 : i32
      %add3A_1138 = arith.addi %add3A_1136, %add3A_1137 : i32
      %jit3A_1139 = arith.constant 2048 : i32
      %div3A_1140 = arith.divsi %add3A_1138, %jit3A_1139 : i32
      %sign3A_1141 = arith.constant 0 : i32
      %sign3A_1142 = arith.cmpi sgt, %add3A_1138, %sign3A_1141 : i32
      %sign3A_1143 = arith.extui %sign3A_1142 : i1 to i32
      %sign3A_1144 = arith.constant 0 : i32
      %sign3A_1145 = arith.cmpi slt, %add3A_1138, %sign3A_1144 : i32
      %sign3A_1146 = arith.extui %sign3A_1145 : i1 to i32
      %sign3A_1147 = arith.subi %sign3A_1143, %sign3A_1146 : i32
      %sign3A_1148 = arith.constant 0 : i32
      %sign3A_1149 = arith.cmpi sgt, %jit3A_1139, %sign3A_1148 : i32
      %sign3A_1150 = arith.extui %sign3A_1149 : i1 to i32
      %sign3A_1151 = arith.constant 0 : i32
      %sign3A_1152 = arith.cmpi slt, %jit3A_1139, %sign3A_1151 : i32
      %sign3A_1153 = arith.extui %sign3A_1152 : i1 to i32
      %sign3A_1154 = arith.subi %sign3A_1150, %sign3A_1153 : i32
      %ne3A_1155 = arith.cmpi ne, %sign3A_1147, %sign3A_1154 : i32
      %rem3A_1156 = arith.remsi %add3A_1138, %jit3A_1139 : i32
      %ne3A_1157 = arith.constant 0 : i32
      %ne3A_1158 = arith.cmpi ne, %rem3A_1156, %ne3A_1157 : i32
      %and3A_1159 = arith.andi %ne3A_1155, %ne3A_1158 : i1
      %sub3A_1160 = arith.constant 1 : i32
      %sub3A_1161 = arith.subi %div3A_1140, %sub3A_1160 : i32
      %select_n3A_1162 = arith.select %and3A_1159, %sub3A_1161, %div3A_1140 : i32
      %mul3A_1163 = arith.constant 2048 : i32
      %mul3A_1164 = arith.muli %select_n3A_1162, %mul3A_1163 : i32
      %rev3A_1165 = arith.constant 15 : i32
      %rev3A_1166 = vector.broadcast %rev3A_1165 : i32 to vector<16xi32>
      %rev3A_1167 = tpu.iota {dimensions = array<i32: 0>} : vector<16xi32>
      %rev3A_1168 = arith.subi %rev3A_1166, %rev3A_1167 : vector<16xi32>
      %rev3A_1169 = tpu.dynamic_gather %scan3A_1010#7[%rev3A_1168] in [0] : vector<16xi32>, vector<16xi32> -> vector<16xi32>
      %add3A_1170 = vector.broadcast %mul3A_1164 : i32 to vector<16xi32>
      %add3A_1171 = arith.addi %rev3A_1169, %add3A_1170 : vector<16xi32>
      %swap3A_1172 = arith.constant 27 : i32
      %swap3A_1173 = arith.index_cast %swap3A_1172 : i32 to index
      %swap3A_1174 = arith.constant 0 : index
      %swap3A_1175 = tpu.vector_load %arg5[%swap3A_1173, %swap3A_1174] {strides = array<i32>} : memref<32x16xi32, #tpu.memory_space<vmem>>, vector<16xi32>,
      tpu.vector_store %arg5[%swap3A_1173, %swap3A_1174], %add3A_1171 {strides = array<i32>} : memref<32x16xi32, #tpu.memory_space<vmem>>, vector<16xi32>,
      %add3A_1176 = arith.constant 24 : i32
      %add3A_1177 = arith.addi %add3A_13, %add3A_1176 : i32
      %add3A_1178 = arith.constant 4 : i32
      %add3A_1179 = arith.addi %add3A_1177, %add3A_1178 : i32
      %jit3A_1180 = arith.constant 2048 : i32
      %div3A_1181 = arith.divsi %add3A_1179, %jit3A_1180 : i32
      %sign3A_1182 = arith.constant 0 : i32
      %sign3A_1183 = arith.cmpi sgt, %add3A_1179, %sign3A_1182 : i32
      %sign3A_1184 = arith.extui %sign3A_1183 : i1 to i32
      %sign3A_1185 = arith.constant 0 : i32
      %sign3A_1186 = arith.cmpi slt, %add3A_1179, %sign3A_1185 : i32
      %sign3A_1187 = arith.extui %sign3A_1186 : i1 to i32
      %sign3A_1188 = arith.subi %sign3A_1184, %sign3A_1187 : i32
      %sign3A_1189 = arith.constant 0 : i32
      %sign3A_1190 = arith.cmpi sgt, %jit3A_1180, %sign3A_1189 : i32
      %sign3A_1191 = arith.extui %sign3A_1190 : i1 to i32
      %sign3A_1192 = arith.constant 0 : i32
      %sign3A_1193 = arith.cmpi slt, %jit3A_1180, %sign3A_1192 : i32
      %sign3A_1194 = arith.extui %sign3A_1193 : i1 to i32
      %sign3A_1195 = arith.subi %sign3A_1191, %sign3A_1194 : i32
      %ne3A_1196 = arith.cmpi ne, %sign3A_1188, %sign3A_1195 : i32
      %rem3A_1197 = arith.remsi %add3A_1179, %jit3A_1180 : i32
      %ne3A_1198 = arith.constant 0 : i32
      %ne3A_1199 = arith.cmpi ne, %rem3A_1197, %ne3A_1198 : i32
      %and3A_1200 = arith.andi %ne3A_1196, %ne3A_1199 : i1
      %sub3A_1201 = arith.constant 1 : i32
      %sub3A_1202 = arith.subi %div3A_1181, %sub3A_1201 : i32
      %select_n3A_1203 = arith.select %and3A_1200, %sub3A_1202, %div3A_1181 : i32
      %mul3A_1204 = arith.constant 2048 : i32
      %mul3A_1205 = arith.muli %select_n3A_1203, %mul3A_1204 : i32
      %rev3A_1206 = arith.constant 15 : i32
      %rev3A_1207 = vector.broadcast %rev3A_1206 : i32 to vector<16xi32>
      %rev3A_1208 = tpu.iota {dimensions = array<i32: 0>} : vector<16xi32>
      %rev3A_1209 = arith.subi %rev3A_1207, %rev3A_1208 : vector<16xi32>
      %rev3A_1210 = tpu.dynamic_gather %scan3A_1010#9[%rev3A_1209] in [0] : vector<16xi32>, vector<16xi32> -> vector<16xi32>
      %add3A_1211 = vector.broadcast %mul3A_1205 : i32 to vector<16xi32>
      %add3A_1212 = arith.addi %rev3A_1210, %add3A_1211 : vector<16xi32>
      %swap3A_1213 = arith.constant 28 : i32
      %swap3A_1214 = arith.index_cast %swap3A_1213 : i32 to index
      %swap3A_1215 = arith.constant 0 : index
      %swap3A_1216 = tpu.vector_load %arg5[%swap3A_1214, %swap3A_1215] {strides = array<i32>} : memref<32x16xi32, #tpu.memory_space<vmem>>, vector<16xi32>,
      tpu.vector_store %arg5[%swap3A_1214, %swap3A_1215], %add3A_1212 {strides = array<i32>} : memref<32x16xi32, #tpu.memory_space<vmem>>, vector<16xi32>,
      %add3A_1217 = arith.constant 24 : i32
      %add3A_1218 = arith.addi %add3A_13, %add3A_1217 : i32
      %add3A_1219 = arith.constant 5 : i32
      %add3A_1220 = arith.addi %add3A_1218, %add3A_1219 : i32
      %jit3A_1221 = arith.constant 2048 : i32
      %div3A_1222 = arith.divsi %add3A_1220, %jit3A_1221 : i32
      %sign3A_1223 = arith.constant 0 : i32
      %sign3A_1224 = arith.cmpi sgt, %add3A_1220, %sign3A_1223 : i32
      %sign3A_1225 = arith.extui %sign3A_1224 : i1 to i32
      %sign3A_1226 = arith.constant 0 : i32
      %sign3A_1227 = arith.cmpi slt, %add3A_1220, %sign3A_1226 : i32
      %sign3A_1228 = arith.extui %sign3A_1227 : i1 to i32
      %sign3A_1229 = arith.subi %sign3A_1225, %sign3A_1228 : i32
      %sign3A_1230 = arith.constant 0 : i32
      %sign3A_1231 = arith.cmpi sgt, %jit3A_1221, %sign3A_1230 : i32
      %sign3A_1232 = arith.extui %sign3A_1231 : i1 to i32
      %sign3A_1233 = arith.constant 0 : i32
      %sign3A_1234 = arith.cmpi slt, %jit3A_1221, %sign3A_1233 : i32
      %sign3A_1235 = arith.extui %sign3A_1234 : i1 to i32
      %sign3A_1236 = arith.subi %sign3A_1232, %sign3A_1235 : i32
      %ne3A_1237 = arith.cmpi ne, %sign3A_1229, %sign3A_1236 : i32
      %rem3A_1238 = arith.remsi %add3A_1220, %jit3A_1221 : i32
      %ne3A_1239 = arith.constant 0 : i32
      %ne3A_1240 = arith.cmpi ne, %rem3A_1238, %ne3A_1239 : i32
      %and3A_1241 = arith.andi %ne3A_1237, %ne3A_1240 : i1
      %sub3A_1242 = arith.constant 1 : i32
      %sub3A_1243 = arith.subi %div3A_1222, %sub3A_1242 : i32
      %select_n3A_1244 = arith.select %and3A_1241, %sub3A_1243, %div3A_1222 : i32
      %mul3A_1245 = arith.constant 2048 : i32
      %mul3A_1246 = arith.muli %select_n3A_1244, %mul3A_1245 : i32
      %rev3A_1247 = arith.constant 15 : i32
      %rev3A_1248 = vector.broadcast %rev3A_1247 : i32 to vector<16xi32>
      %rev3A_1249 = tpu.iota {dimensions = array<i32: 0>} : vector<16xi32>
      %rev3A_1250 = arith.subi %rev3A_1248, %rev3A_1249 : vector<16xi32>
      %rev3A_1251 = tpu.dynamic_gather %scan3A_1010#11[%rev3A_1250] in [0] : vector<16xi32>, vector<16xi32> -> vector<16xi32>
      %add3A_1252 = vector.broadcast %mul3A_1246 : i32 to vector<16xi32>
      %add3A_1253 = arith.addi %rev3A_1251, %add3A_1252 : vector<16xi32>
      %swap3A_1254 = arith.constant 29 : i32
      %swap3A_1255 = arith.index_cast %swap3A_1254 : i32 to index
      %swap3A_1256 = arith.constant 0 : index
      %swap3A_1257 = tpu.vector_load %arg5[%swap3A_1255, %swap3A_1256] {strides = array<i32>} : memref<32x16xi32, #tpu.memory_space<vmem>>, vector<16xi32>,
      tpu.vector_store %arg5[%swap3A_1255, %swap3A_1256], %add3A_1253 {strides = array<i32>} : memref<32x16xi32, #tpu.memory_space<vmem>>, vector<16xi32>,
      %add3A_1258 = arith.constant 24 : i32
      %add3A_1259 = arith.addi %add3A_13, %add3A_1258 : i32
      %add3A_1260 = arith.constant 6 : i32
      %add3A_1261 = arith.addi %add3A_1259, %add3A_1260 : i32
      %jit3A_1262 = arith.constant 2048 : i32
      %div3A_1263 = arith.divsi %add3A_1261, %jit3A_1262 : i32
      %sign3A_1264 = arith.constant 0 : i32
      %sign3A_1265 = arith.cmpi sgt, %add3A_1261, %sign3A_1264 : i32
      %sign3A_1266 = arith.extui %sign3A_1265 : i1 to i32
      %sign3A_1267 = arith.constant 0 : i32
      %sign3A_1268 = arith.cmpi slt, %add3A_1261, %sign3A_1267 : i32
      %sign3A_1269 = arith.extui %sign3A_1268 : i1 to i32
      %sign3A_1270 = arith.subi %sign3A_1266, %sign3A_1269 : i32
      %sign3A_1271 = arith.constant 0 : i32
      %sign3A_1272 = arith.cmpi sgt, %jit3A_1262, %sign3A_1271 : i32
      %sign3A_1273 = arith.extui %sign3A_1272 : i1 to i32
      %sign3A_1274 = arith.constant 0 : i32
      %sign3A_1275 = arith.cmpi slt, %jit3A_1262, %sign3A_1274 : i32
      %sign3A_1276 = arith.extui %sign3A_1275 : i1 to i32
      %sign3A_1277 = arith.subi %sign3A_1273, %sign3A_1276 : i32
      %ne3A_1278 = arith.cmpi ne, %sign3A_1270, %sign3A_1277 : i32
      %rem3A_1279 = arith.remsi %add3A_1261, %jit3A_1262 : i32
      %ne3A_1280 = arith.constant 0 : i32
      %ne3A_1281 = arith.cmpi ne, %rem3A_1279, %ne3A_1280 : i32
      %and3A_1282 = arith.andi %ne3A_1278, %ne3A_1281 : i1
      %sub3A_1283 = arith.constant 1 : i32
      %sub3A_1284 = arith.subi %div3A_1263, %sub3A_1283 : i32
      %select_n3A_1285 = arith.select %and3A_1282, %sub3A_1284, %div3A_1263 : i32
      %mul3A_1286 = arith.constant 2048 : i32
      %mul3A_1287 = arith.muli %select_n3A_1285, %mul3A_1286 : i32
      %rev3A_1288 = arith.constant 15 : i32
      %rev3A_1289 = vector.broadcast %rev3A_1288 : i32 to vector<16xi32>
      %rev3A_1290 = tpu.iota {dimensions = array<i32: 0>} : vector<16xi32>
      %rev3A_1291 = arith.subi %rev3A_1289, %rev3A_1290 : vector<16xi32>
      %rev3A_1292 = tpu.dynamic_gather %scan3A_1010#13[%rev3A_1291] in [0] : vector<16xi32>, vector<16xi32> -> vector<16xi32>
      %add3A_1293 = vector.broadcast %mul3A_1287 : i32 to vector<16xi32>
      %add3A_1294 = arith.addi %rev3A_1292, %add3A_1293 : vector<16xi32>
      %swap3A_1295 = arith.constant 30 : i32
      %swap3A_1296 = arith.index_cast %swap3A_1295 : i32 to index
      %swap3A_1297 = arith.constant 0 : index
      %swap3A_1298 = tpu.vector_load %arg5[%swap3A_1296, %swap3A_1297] {strides = array<i32>} : memref<32x16xi32, #tpu.memory_space<vmem>>, vector<16xi32>,
      tpu.vector_store %arg5[%swap3A_1296, %swap3A_1297], %add3A_1294 {strides = array<i32>} : memref<32x16xi32, #tpu.memory_space<vmem>>, vector<16xi32>,
      %add3A_1299 = arith.constant 24 : i32
      %add3A_1300 = arith.addi %add3A_13, %add3A_1299 : i32
      %add3A_1301 = arith.constant 7 : i32
      %add3A_1302 = arith.addi %add3A_1300, %add3A_1301 : i32
      %jit3A_1303 = arith.constant 2048 : i32
      %div3A_1304 = arith.divsi %add3A_1302, %jit3A_1303 : i32
      %sign3A_1305 = arith.constant 0 : i32
      %sign3A_1306 = arith.cmpi sgt, %add3A_1302, %sign3A_1305 : i32
      %sign3A_1307 = arith.extui %sign3A_1306 : i1 to i32
      %sign3A_1308 = arith.constant 0 : i32
      %sign3A_1309 = arith.cmpi slt, %add3A_1302, %sign3A_1308 : i32
      %sign3A_1310 = arith.extui %sign3A_1309 : i1 to i32
      %sign3A_1311 = arith.subi %sign3A_1307, %sign3A_1310 : i32
      %sign3A_1312 = arith.constant 0 : i32
      %sign3A_1313 = arith.cmpi sgt, %jit3A_1303, %sign3A_1312 : i32
      %sign3A_1314 = arith.extui %sign3A_1313 : i1 to i32
      %sign3A_1315 = arith.constant 0 : i32
      %sign3A_1316 = arith.cmpi slt, %jit3A_1303, %sign3A_1315 : i32
      %sign3A_1317 = arith.extui %sign3A_1316 : i1 to i32
      %sign3A_1318 = arith.subi %sign3A_1314, %sign3A_1317 : i32
      %ne3A_1319 = arith.cmpi ne, %sign3A_1311, %sign3A_1318 : i32
      %rem3A_1320 = arith.remsi %add3A_1302, %jit3A_1303 : i32
      %ne3A_1321 = arith.constant 0 : i32
      %ne3A_1322 = arith.cmpi ne, %rem3A_1320, %ne3A_1321 : i32
      %and3A_1323 = arith.andi %ne3A_1319, %ne3A_1322 : i1
      %sub3A_1324 = arith.constant 1 : i32
      %sub3A_1325 = arith.subi %div3A_1304, %sub3A_1324 : i32
      %select_n3A_1326 = arith.select %and3A_1323, %sub3A_1325, %div3A_1304 : i32
      %mul3A_1327 = arith.constant 2048 : i32
      %mul3A_1328 = arith.muli %select_n3A_1326, %mul3A_1327 : i32
      %rev3A_1329 = arith.constant 15 : i32
      %rev3A_1330 = vector.broadcast %rev3A_1329 : i32 to vector<16xi32>
      %rev3A_1331 = tpu.iota {dimensions = array<i32: 0>} : vector<16xi32>
      %rev3A_1332 = arith.subi %rev3A_1330, %rev3A_1331 : vector<16xi32>
      %rev3A_1333 = tpu.dynamic_gather %scan3A_1010#15[%rev3A_1332] in [0] : vector<16xi32>, vector<16xi32> -> vector<16xi32>
      %add3A_1334 = vector.broadcast %mul3A_1328 : i32 to vector<16xi32>
      %add3A_1335 = arith.addi %rev3A_1333, %add3A_1334 : vector<16xi32>
      %swap3A_1336 = arith.constant 31 : i32
      %swap3A_1337 = arith.index_cast %swap3A_1336 : i32 to index
      %swap3A_1338 = arith.constant 0 : index
      %swap3A_1339 = tpu.vector_load %arg5[%swap3A_1337, %swap3A_1338] {strides = array<i32>} : memref<32x16xi32, #tpu.memory_space<vmem>>, vector<16xi32>,
      tpu.vector_store %arg5[%swap3A_1337, %swap3A_1338], %add3A_1335 {strides = array<i32>} : memref<32x16xi32, #tpu.memory_space<vmem>>, vector<16xi32>,
      "tpu.region"() ({
        %run_scoped3A = tpu.sem_alloc : memref<!tpu.dma_semaphore, #tpu.memory_space<semaphore_mem>>
        %dma_start3A = arith.constant 0 : i32
        %dma_start3A_1340 = tpu.memref_slice %arg3[%add3A_13, %dma_start3A] : memref<16384x16xi32, #tpu.memory_space<hbm>> -> memref<32x16xi32, #tpu.memory_space<hbm>>
        %dma_start3A_1341 = arith.constant 0 : i32
        %dma_start3A_1342 = tpu.memref_slice %arg3[%add3A_13, %dma_start3A_1341] : memref<16384x16xi32, #tpu.memory_space<hbm>> -> memref<32x16xi32, #tpu.memory_space<hbm>>
        tpu.enqueue_dma source(%arg5 : memref<32x16xi32, #tpu.memory_space<vmem>>) target(%dma_start3A_1342 : memref<32x16xi32, #tpu.memory_space<hbm>>) target_semaphore(%run_scoped3A : memref<!tpu.dma_semaphore, #tpu.memory_space<semaphore_mem>>)
        %dma_wait3A = arith.constant 0 : i32
        %dma_wait3A_1343 = tpu.memref_slice %arg3[%add3A_13, %dma_wait3A] : memref<16384x16xi32, #tpu.memory_space<hbm>> -> memref<32x16xi32, #tpu.memory_space<hbm>>
        %dma_wait3A_1344 = arith.constant 0 : i32
        %dma_wait3A_1345 = tpu.memref_slice %arg3[%add3A_13, %dma_wait3A_1344] : memref<16384x16xi32, #tpu.memory_space<hbm>> -> memref<32x16xi32, #tpu.memory_space<hbm>>
        tpu.wait_dma2 semaphore(%run_scoped3A : memref<!tpu.dma_semaphore, #tpu.memory_space<semaphore_mem>>) src(%arg5 : memref<32x16xi32, #tpu.memory_space<vmem>>) dst(%dma_wait3A_1345 : memref<32x16xi32, #tpu.memory_space<hbm>>)
        tpu.yield
      }) : () -> ()
    }
    %scan3A_7 = arith.constant 16 : i32
    return
  }
}

module attributes {stable_mosaic.version = 14 : i64} {
  func.func @_dist_body(%arg0: i32, %arg1: i32, %arg2: memref<1x256x64xf32, #tpu.memory_space<vmem>>, %arg3: memref<1x64x2048xf32, #tpu.memory_space<vmem>>, %arg4: memref<1x256x2048xf32, #tpu.memory_space<vmem>>, %arg5: memref<1x256x16xi32, #tpu.memory_space<vmem>>) attributes {dimension_semantics = [#tpu.dimension_semantics<arbitrary>, #tpu.dimension_semantics<arbitrary>], iteration_bounds = array<i64: 8, 8>, scalar_prefetch = 0 : i64, scratch_operands = 0 : i64, tpu.core_type = #tpu.core_type<tc>, window_params = [{transform_indices = @transform_0, window_bounds = array<i64: 1, 256, 64>}, {transform_indices = @transform_1, window_bounds = array<i64: 1, 64, 2048>}, {transform_indices = @transform_2, window_bounds = array<i64: 1, 256, 2048>}, {transform_indices = @transform_3, window_bounds = array<i64: 1, 256, 16>}]} {
    %get3A = arith.constant 0 : index
    %get3A_0 = arith.constant 0 : index
    %get3A_1 = arith.constant 0 : index
    %get3A_2 = vector.load %arg2[%get3A, %get3A_0, %get3A_1] : memref<1x256x64xf32, #tpu.memory_space<vmem>>, vector<1x256x64xf32>
    %get3A_3 = vector.shape_cast %get3A_2 : vector<1x256x64xf32> to vector<256x64xf32>
    %get3A_4 = arith.constant 0 : index
    %get3A_5 = arith.constant 0 : index
    %get3A_6 = arith.constant 0 : index
    %get3A_7 = vector.load %arg3[%get3A_4, %get3A_5, %get3A_6] : memref<1x64x2048xf32, #tpu.memory_space<vmem>>, vector<1x64x2048xf32>
    %get3A_8 = vector.shape_cast %get3A_7 : vector<1x64x2048xf32> to vector<64x2048xf32>
    %mul3A = arith.mulf %get3A_8, %get3A_8 : vector<64x2048xf32>
    %reduce_sum3A = arith.constant dense<0.000000e+00> : vector<2048xf32>
    %reduce_sum3A_9 = vector.multi_reduction <add>, %mul3A, %reduce_sum3A [0] : vector<64x2048xf32> to vector<2048xf32>
    %broadcast_in_dim3A = vector.shape_cast %reduce_sum3A_9 : vector<2048xf32> to vector<1x2048xf32>
    %dot_general3A = arith.constant dense<0.000000e+00> : vector<256x2048xf32>
    %dot_general3A_10 = tpu.matmul %get3A_3, %get3A_8, %dot_general3A {dimension_numbers = #tpu.dot_dimension_numbers<[1], [0], [0], [1], [0, 0, 1, 1], [], []>, transpose_lhs_hint = false} : vector<256x64xf32>, vector<64x2048xf32>, vector<256x2048xf32> -> vector<256x2048xf32>
    %mul3A_11 = arith.mulf %get3A_3, %get3A_3 : vector<256x64xf32>
    %reduce_sum3A_12 = arith.constant dense<0.000000e+00> : vector<256xf32>
    %reduce_sum3A_13 = vector.multi_reduction <add>, %mul3A_11, %reduce_sum3A_12 [1] : vector<256x64xf32> to vector<256xf32>
    %broadcast_in_dim3A_14 = vector.shape_cast %reduce_sum3A_13 : vector<256xf32> to vector<256x1xf32>
    %add3A = vector.broadcast %broadcast_in_dim3A_14 : vector<256x1xf32> to vector<256x2048xf32>
    %add3A_15 = vector.broadcast %broadcast_in_dim3A : vector<1x2048xf32> to vector<256x2048xf32>
    %add3A_16 = arith.addf %add3A, %add3A_15 : vector<256x2048xf32>
    %mul3A_17 = arith.constant 2.000000e+00 : f32
    %mul3A_18 = vector.broadcast %mul3A_17 : f32 to vector<256x2048xf32>
    %mul3A_19 = arith.mulf %mul3A_18, %dot_general3A_10 : vector<256x2048xf32>
    %sub3A = arith.subf %add3A_16, %mul3A_19 : vector<256x2048xf32>
    %swap3A = arith.constant 0 : index
    %swap3A_20 = arith.constant 0 : index
    %swap3A_21 = arith.constant 0 : index
    %swap3A_22 = vector.load %arg4[%swap3A, %swap3A_20, %swap3A_21] : memref<1x256x2048xf32, #tpu.memory_space<vmem>>, vector<1x256x2048xf32>
    %swap3A_23 = vector.shape_cast %swap3A_22 : vector<1x256x2048xf32> to vector<256x2048xf32>
    %swap3A_24 = vector.shape_cast %sub3A : vector<256x2048xf32> to vector<1x256x2048xf32>
    tpu.vector_store %arg4[%swap3A, %swap3A_20, %swap3A_21], %swap3A_24 {strides = array<i32>} : memref<1x256x2048xf32, #tpu.memory_space<vmem>>, vector<1x256x2048xf32>,
    %mul3A_25 = arith.constant 256 : i32
    %mul3A_26 = arith.muli %arg1, %mul3A_25 : i32
    %mul3A_27 = arith.constant 2048 : i32
    %mul3A_28 = arith.muli %arg0, %mul3A_27 : i32
    %add3A_29 = arith.addi %mul3A_26, %mul3A_28 : i32
    %iota3A = tpu.iota {dimensions = array<i32: 0>} : vector<256x16xi32>
    %add3A_30 = vector.broadcast %add3A_29 : i32 to vector<256x16xi32>
    %add3A_31 = arith.addi %iota3A, %add3A_30 : vector<256x16xi32>
    %swap3A_32 = arith.constant 0 : index
    %swap3A_33 = arith.constant 0 : index
    %swap3A_34 = arith.constant 0 : index
    %swap3A_35 = vector.load %arg5[%swap3A_32, %swap3A_33, %swap3A_34] : memref<1x256x16xi32, #tpu.memory_space<vmem>>, vector<1x256x16xi32>
    %swap3A_36 = vector.shape_cast %swap3A_35 : vector<1x256x16xi32> to vector<256x16xi32>
    %swap3A_37 = vector.shape_cast %add3A_31 : vector<256x16xi32> to vector<1x256x16xi32>
    tpu.vector_store %arg5[%swap3A_32, %swap3A_33, %swap3A_34], %swap3A_37 {strides = array<i32>} : memref<1x256x16xi32, #tpu.memory_space<vmem>>, vector<1x256x16xi32>,
    return
  }
  func.func @transform_0(%arg0: i32, %arg1: i32) -> (i32, i32, i32) {
    %c0_i32 = arith.constant 0 : i32
    %c0_i32_0 = arith.constant 0 : i32
    return %arg0, %arg1, %c0_i32 : i32, i32, i32
  }
  func.func @transform_1(%arg0: i32, %arg1: i32) -> (i32, i32, i32) {
    %c0_i32 = arith.constant 0 : i32
    %c0_i32_0 = arith.constant 0 : i32
    %c0_i32_1 = arith.constant 0 : i32
    return %arg0, %c0_i32, %c0_i32_0 : i32, i32, i32
  }
  func.func @transform_2(%arg0: i32, %arg1: i32) -> (i32, i32, i32) {
    %c0_i32 = arith.constant 0 : i32
    %c0_i32_0 = arith.constant 0 : i32
    return %arg0, %arg1, %c0_i32 : i32, i32, i32
  }
  func.func @transform_3(%arg0: i32, %arg1: i32) -> (i32, i32, i32) {
    %c0_i32 = arith.constant 0 : i32
    %c0_i32_0 = arith.constant 0 : i32
    return %arg0, %arg1, %c0_i32 : i32, i32, i32
  }
}

</mosaic_0001>

<sc_bundles>
// kernel: kernel.4.cloned.1.call-start
scs
__scs_entry_jumppad:
0x0: {  	(pc) =	sbr.rel $0x88, $3  }
0x1: {  	(tag) =	ssettag $0x0;
	lr =	simm.s32 $0x1  }
0x2: {  	[smem:$0x3FA0] =	sst lr;
	_ =	strace $0xD0000000  }
0x3: {  	_ = 	snop  }
0x4: {  	_ = 	snop  }
0x5: {  	_ = 	snop  }
0x6: {  	_ = 	snop  }
0x7: {  	_ = 	snop  }
__scs_overlays_trampoline_lowered:
0x8: {  	[smem:$0x3FAF] =	sst s0  }
0x9: {  	[smem:$0x3FB0] =	sst s1  }
0xa: {  	[smem:$0x3FB1] =	sst s2  }
0xb: {  	[smem:$0x3FB2] =	sst s3  }
0xc: {  	[smem:$0x3FB3] =	sst s4  }
0xd: {  	[smem:$0x3FB4] =	sst s5  }
0xe: {  	[smem:$0x3FB5] =	sst s6  }
0xf: {  	[smem:$0x3FB6] =	sst s7  }
0x10: {  	[smem:$0x3FB7] =	sst s8  }
0x11: {  	[smem:$0x3FB8] =	sst s9;
	s0 =	simm.s32 @!p0 $0x0  }
0x12: {  	s1 =	sld [smem:$0x3F9E];
	s0 =	simm.s32 @p0 $0x1  }
0x13: {  	[smem:$0x3FB9] =	sst s0;
	s0 =	simm.s32 @!p1 $0x0  }
0x14: {  	s2 =	sld [smem:$0x3F9D];
	s0 =	simm.s32 @p1 $0x1  }
0x15: {  	[smem:$0x3FBA] =	sst s0;
	s0 =	simm.s32 @!p2 $0x0  }
0x16: {  	s3 =	sld [smem:$0x3FDB];
	s0 =	simm.s32 @p2 $0x1  }
0x17: {  	s4 =	simm.s32 $0x1BF5;
	[smem:$0x3FBC] =	sst s0  }
0x18: {  	s0 =	sld [smem:$0x3F9F];
	_ =	swait.ge [sflag:s4], $0x0  }
0x19: {  	s7 =	sld [smem:$0x3FA0]  }
0x1a: {  	s8 =	sadd.s32 $0xFFFFE003, lr  }
0x1b: {  	s9 =	sadd.s32 $0xFFFFFEF7, lr;
	s5 =	simm.s32 $0xFFFFFFFF;
	p2 =	slt.u32 s8, $0xFFFFF086  }
0x1c: {  	p1 =	slt.u32 s9, $0xF7A;
	s5 =	simm.s32 @!p2 $0x0  }
0x1d: {  	s5 =	simm.s32 @p1 $0x1;
	p0 =	seq.s32 s7, s2  }
0x1e: {  	s7 =	smul.u32 @!p0 $0xF7A, s2;
	p2 =	seq.s32 @!p0 s5, $0x0  }
0x1f: {  	s9 =	smul.u32 $0xF7A, s1;
	s8 =	simm.s32 @!p0 $0x1BF5;
	p2 =	por !p2, p0  }
0x20: {  	[sflag:s8] =	ssyncset.s32 @!p0 $0xFFFFF086;
	s6 =	sadd.s32 @!p0 s3, s7;
	s7 =	simm.s32 @!p0 $0x108  }
0x21: {  	s3 =	sadd.s32 s3, s9;
	s6 =	sadd.s32 @!p0 $0x88, s6;
	s7 =	simm.s32 @p2 $0x1082  }
0x22: {  	[simem:s7], [sflag:s8] =	dma.local @!p0 [hbm:s6], $0xF7A  }
0x23: {  	s9 =	sor.u32 $0xD0000000, s2;
	s6 =	simm.s32 $0x108;
	_ =	swait.ge @!p0 [sflag:s8], $0x0  }
0x24: {  	s3 =	sadd.s32 $0x88, s3;
	s6 =	simm.s32 @!p1 $0x1082;
	[sflag:s4] =	ssyncset.s32 $0xFFFFF086  }
0x25: {  	[simem:s6], [sflag:s4] =	dma.local [hbm:s3], $0xF7A  }
0x26: {  	[smem:$0x3FA0] =	sst s1;
	(tag) =	ssettag s2;
	_ =	strace s9  }
0x27: {  	s1 =	sld [smem:$0x3FB0]  }
0x28: {  	s2 =	sld [smem:$0x3FB1]  }
0x29: {  	s4 =	sld [smem:$0x3FB3]  }
0x2a: {  	p0 =	seq.s32 s5, $0x0;
	s5 =	sld [smem:$0x3FB4]  }
0x2b: {  	s6 =	sld [smem:$0x3FB5]  }
0x2c: {  	s7 =	sld [smem:$0x3FB6]  }
0x2d: {  	s3 =	simm.s32 $0x108;
	s8 =	sld [smem:$0x3FB7]  }
0x2e: {  	s3 =	simm.s32 @!p0 $0x1082;
	s9 =	sld [smem:$0x3FB8]  }
0x2f: {  	lr =	sadd.s32 s0, s3;
	s0 =	sld [smem:$0x3FAF]  }
0x30: {  	s3 =	sld [smem:$0x3FB2]  }
0x31: {  	[smem:$0x3FBB] =	sst s10  }
0x32: {  	s10 =	sld [smem:$0x3FB9];
	_ =	sdelay $0x3  }
0x33: {  	p0 =	seq.s32 s10, $0x1;
	s10 =	sld [smem:$0x3FBB];
	_ =	sdelay $0x3  }
0x34: {  	[smem:$0x3FBB] =	sst s10  }
0x35: {  	s10 =	sld [smem:$0x3FBA];
	_ =	sdelay $0x3  }
0x36: {  	p1 =	seq.s32 s10, $0x1;
	s10 =	sld [smem:$0x3FBB];
	_ =	sdelay $0x3  }
0x37: {  	[smem:$0x3FBB] =	sst s10  }
0x38: {  	s10 =	sld [smem:$0x3FBC]  }
0x39: {  	_ = 	snop;
	(pc) =	sbr.ind lr, $3  }
0x3a: {  	_ = 	snop  }
0x3b: {  	_ = 	snop  }
0x3c: {  	p2 =	seq.s32 s10, $0x1;
	s10 =	sld [smem:$0x3FBB]  }
0x3d: {  	_ =	shalt  }
0x3e: {  	_ =	shalt  }
0x3f: {  	_ =	shalt  }
0x40: {  	_ =	shalt  }
0x41: {  	_ =	shalt  }
0x42: {  	_ =	shalt  }
0x43: {  	_ =	shalt  }
0x44: {  	_ =	shalt  }
0x45: {  	_ =	shalt  }
0x46: {  	_ =	shalt  }
0x47: {  	_ =	shalt  }
0x48: {  	_ =	shalt  }
0x49: {  	_ =	shalt  }
0x4a: {  	_ =	shalt  }
0x4b: {  	_ =	shalt  }
0x4c: {  	_ =	shalt  }
0x4d: {  	_ =	shalt  }
0x4e: {  	_ =	shalt  }
0x4f: {  	_ =	shalt  }
0x50: {  	_ =	shalt  }
0x51: {  	_ =	shalt  }
0x52: {  	_ =	shalt  }
0x53: {  	_ =	shalt  }
0x54: {  	_ =	shalt  }
0x55: {  	_ =	shalt  }
0x56: {  	_ =	shalt  }
0x57: {  	_ =	shalt  }
0x58: {  	_ =	shalt  }
0x59: {  	_ =	shalt  }
0x5a: {  	_ =	shalt  }
0x5b: {  	_ =	shalt  }
0x5c: {  	_ =	shalt  }
0x5d: {  	_ =	shalt  }
0x5e: {  	_ =	shalt  }
0x5f: {  	_ =	shalt  }
0x60: {  	_ =	shalt  }
0x61: {  	_ =	shalt  }
0x62: {  	_ =	shalt  }
0x63: {  	_ =	shalt  }
0x64: {  	_ =	shalt  }
0x65: {  	_ =	shalt  }
0x66: {  	_ =	shalt  }
0x67: {  	_ =	shalt  }
0x68: {  	_ =	shalt  }
0x69: {  	_ =	shalt  }
0x6a: {  	_ =	shalt  }
0x6b: {  	_ =	shalt  }
0x6c: {  	_ =	shalt  }
0x6d: {  	_ =	shalt  }
0x6e: {  	_ =	shalt  }
0x6f: {  	_ =	shalt  }
0x70: {  	_ =	shalt  }
0x71: {  	_ =	shalt  }
0x72: {  	_ =	shalt  }
0x73: {  	_ =	shalt  }
0x74: {  	_ =	shalt  }
0x75: {  	_ =	shalt  }
0x76: {  	_ =	shalt  }
0x77: {  	_ =	shalt  }
0x78: {  	_ =	shalt  }
0x79: {  	_ =	shalt  }
0x7a: {  	_ =	shalt  }
0x7b: {  	_ =	shalt  }
0x7c: {  	_ =	shalt  }
0x7d: {  	_ =	shalt  }
0x7e: {  	_ =	shalt  }
0x7f: {  	_ =	shalt  }
0x80: {  	_ =	shalt  }
0x81: {  	_ =	shalt  }
0x82: {  	_ =	shalt  }
0x83: {  	_ =	shalt  }
0x84: {  	_ =	shalt  }
0x85: {  	_ =	shalt  }
0x86: {  	_ =	shalt  }
0x87: {  	_ =	shalt  }
.Lfunc_end0:
.L_simem_size_0:
called_computation_lowered:
.L_overlay_start_0:
0x88: {  	s2 =	sld [smem:$0x3FD9]  }
0x89: {  	s3 =	sld [smem:$0x3FFE];
	_ =	sdelay $0x1  }
0x8a: {  	s1 =	srdreg.scid  }
0x8b: {  	s0 =	sand.u32 $0x1, s1  }
0x8c: {  	s16 =	sshll.u32 s0, $0xA;
	s2 =	sadd.s32 s3, s2  }
0x8d: {  	s2 =	sadd.s32 s2, s16  }
0x8e: {  	[smem:$0x3FC7] =	sst s2  }
0x8f: {  	_ = 	snop  }
0x90: {  	(tm) =	ssettm $0x1  }
0x91: {  	s17 =	sld [smem:$0x3FFB];
	_ =	sdelay $0x3  }
0x92: {  	_ =	strace s17  }
0x93: {  	s2 =	sld [smem:$0x3FFC];
	_ =	sdelay $0x3  }
0x94: {  	_ =	strace s2  }
0x95: {  	s2 =	sld [smem:$0x3FFD];
	_ =	sdelay $0x3  }
0x96: {  	_ =	strace s2  }
0x97: {  	_ =	strace $0x8FFFFFFF  }
0x98: {  	s18 =	sld [smem:$0x3FDB];
	_ =	sdelay $0x1  }
0x99: {  	s19 =	simm.s32 $_scs_section_size  }
0x9a: {  	s4 =	simm.s32 $_size__tile_overlayer_lowered;
	s5 =	simm.s32 $_tile_overlayer_lowered  }
0x9b: {  	s22 =	simm.s32 $0x1BFF;
	s21 =	sshll.u32 s5, $0x1;
	s2 =	sadd.s32 s19, s18  }
0x9c: {  	s6 =	simm.s32 $0x0;
	s20 =	sshll.u32 s4, $0x1;
	s4 =	sadd.s32 s21, s2  }
0x9d: {  	[timem:s6], [sflag:s22] =	dma.local [hbm:s4], s20  }
0x9e: {  	_ =	swait.ge [sflag:s22], s20  }
0x9f: {  	s3 =	ssub.s32 $0x0, s20;
	[sflag:s22] =	ssyncset.done $0x0  }
0xa0: {  	[sflag:s22] =	ssyncadd.s32 s3;
	_ =	sdelay $0x1  }
0xa1: {  	s23 =	simm.s32 $0x1B8B  }
0xa2: {  	_ =	swait.ge [sflag:s23], $0x1  }
0xa3: {  	[sflag:s23] =	ssyncset.done $0x0  }
0xa4: {  	s25 =	simm.s32 $0x1B8E;
	s24 =	sld [smem:$0x3FFE];
	[sflag:s23] =	ssyncadd.s32 $0xFFFFFFFF  }
0xa5: {  	s26 =	simm.s32 $execute0_lowered;
	[smem:$0x3FD2] =	sst s25  }
0xa6: {  	s4 =	sshll.u32 s26, $0x1;
	_ =	strace $0x80000046;
	[dreg:$0x1] =	wrdreg $0xFFFFFFFF  }
0xa7: {  	s28 =	simm.s32 $_size_execute0_lowered;
	s2 =	sadd.s32 s2, s4;
	[dreg:$0x0] =	wrdreg $0x0  }
0xa8: {  	s4 =	sshll.u32 s28, $0x1;
	[dreg:$0x2] =	wrdreg s2  }
0xa9: {  	[dreg:$0x3] =	wrdreg s4  }
0xaa: {  	[dreg:$0x4] =	wrdreg $0xC0  }
0xab: {  	_ =	task [dreg:s6], $0x5FFFF  }
0xac: {  	[dreg:$0x1] =	wrdreg $0xFFFFFFFF  }
0xad: {  	[dreg:$0x0] =	wrdreg $0x60  }
0xae: {  	[dreg:$0x2] =	wrdreg s24  }
0xaf: {  	[dreg:$0x3] =	wrdreg $0x9  }
0xb0: {  	_ =	task.clear_ibuf [dreg:s6], $0x4FFFF;
	_ =	strace $0x90000046  }
0xb1: {  	s29 =	simm.s32 $0x9;
	_ =	strace $0x80000048  }
0xb2: {  	_ =	swait.ge [sflag:s29], $0x1  }
0xb3: {  	[sflag:s29] =	ssyncadd.s32 $0xFFFFFFFF  }
0xb4: {  	_ =	strace $0x90000048  }
0xb5: {  	_ =	sfence  }
0xb6: {  	s30 =	sld [smem:$0x0];
	_ =	sdelay $0x2  }
0xb7: {  	s31 =	sshll.u32 s1, $0xD;
	s1 =	sshrl.u32 s1, $0x2  }
0xb8: {  	s3 =	sand.u32 $0x4000, s31;
	s1 =	sadd.s32 s1, s30  }
0xb9: {  	s0 =	sor.u32 s3, s0;
	s1 =	sshll.u32 s1, $0x11  }
0xba: {  	s0 =	sor.u32 s1, s0  }
0xbb: {  	s0 =	sadd.s32 $0x8F2B, s0  }
0xbc: {  	[sflag:s0] =	ssyncadd.remote.s32 $0x1  }
0xbd: {  	_ =	sfence.sel $0xFFFF  }
0xbe: {  	[dreg:$0x0] =	wrdreg $0xFFFFFFFF;
	(pc) =	sbr.abs _section_cstart, $3  }
0xbf: {  	[dreg:$0x1] =	wrdreg $0xFFFFFFFF  }
0xc0: {  	_ =	task.clear_ibuf [dreg:s6], $0x2FFFF;
	_ =	strace $0x9FFFFFFF  }
0xc1: {  	(tm) =	ssettm $0x7FFFFFFF  }
tec
execute0_lowered:
.L_overlay_start_1:
0x0: {  	(tag) =	ssettag $0x1  }
0x1: {  	s2 =	rddreg [dreg:$0x0]  }
0x2: {  	s0 =	rddreg [dreg:$0x1];
	s1 =	simm.s32 $0x0  }
0x3: {  	s3 =	srdreg.scid;
	s8 =	simm.s32 $0x10000;
	s9 =	simm.s32 $0x0  }
0x4: {  	[smem:$0x7FF] =	sst s1;
	s5 =	sand.u32 $0x1, s3;
	s3 =	sadd.s32 $0x800, s2  }
0x5: {  	v0 =	vlaneseq.u32;
	s4 =	sadd.s32 $0x400800, s2;
	s2 =	stileid.u32;
	s6 =	ssub.s32 $0x2, s5  }
0x6: {  	v2 =	vmul.u32 $0xFFFFFFFF, v0;
	_ =	strace $0x80000047;
	s31 =	sshll.u32 s2, $0xA;
	s7 =	sshrl.u32 s6, $0x1  }
0x7: {  	s5 =	sshll.u32 s5, $0x9;
	s6 =	ssub.s32 s6, s7;
	s7 =	sand.u32 $0x3800, s31  }
0x8: {  	s5 =	sor.u32 s31, s5;
	v2 =	vadd.s32 $0xF, v2;
	s6 =	smax.u32 s6, $0x1;
	v1 =	vmov s7;
	s7 =	simm.s32 $0x1  }
.LBB2_1:
0x9: {  	s10 =	simm.s32 $0x0  }
.LBB2_2:
0xa: {  	s11 =	sshll.u32 s10, $0x5  }
0xb: {  	s11 =	sadd.s32 s5, s11  }
0xc: {  	s12 =	sshll.u32 s11, $0x8  }
0xd: {  	s13 =	simm.s32 $0x0;
	s12 =	sadd.s32 s3, s12  }
0xe: {  	[tilespmem:s13], [sflag:$0x1] =	stream.linear.gather [hbm4b:s12+s13], $0x10000, $0x38;
	[tilespmem:$0x11000] =	vst v63  }
0xf: {  	s22 =	sand.u32 $0x7, s13;
	s14 =	sand.u32 $0x70, s13;
	_ =	swait.ge [sflag:s7], $0x10000  }
0x10: {  	s15 =	sand.u32 $0x3C00, s13;
	s12 =	sshll.u32 s22, $0x4;
	[sflag:s7] =	ssyncset.done $0x0  }
0x11: {  	s14 =	sor.u32 s14, s15;
	s12 =	sadd.s32 $0x0, s12;
	[sflag:s7] =	ssyncadd.s32 $0xFFFF0000  }
0x12: {  	s12 =	sor.u32 $0x380, s12;
	v3 =	vld [tilespmem:s14+$0x80]  }
0x13: {  	v4 =	vld [tilespmem:s12+$0x0];
	_ =	sdelay $0x2  }
0x14: {  	v5 =	vor.u32 s13, v0  }
0x15: {  	(xrf1) =	vsort.ascd.msk.f32 $0xffff, v3, v5  }
0x16: {  	v3 =	vld [tilespmem:s14+$0x180];
	(xrf1) =	vsort.ascd.msk.f32 $0xffff, v4, v5  }
0x17: {  	v4 =	vld [tilespmem:s14+$0x280]  }
0x18: {  	v6 =	vld [tilespmem:s14+$0x300]  }
0x19: {  	v7 =	vld [tilespmem:s14+$0x100];
	_ =	sdelay $0x1  }
0x1a: {  	s23 =	simm.s32 $0x1;
	v8 =	vld [tilespmem:s14+$0x0];
	(xrf1) =	vsort.ascd.msk.f32 $0xffff, v3, v5  }
0x1b: {  	s24 =	simm.s32 $0x10;
	s25 =	simm.s32 $0x80;
	s12 =	sand.u32 $0x7, s23;
	v3 =	vld [tilespmem:s14+$0x200];
	(xrf1) =	vsort.ascd.msk.f32 $0xffff, v4, v5  }
0x1c: {  	s26 =	sand.u32 $0x70, s24;
	s15 =	sand.u32 $0x3C00, s25;
	s12 =	sshll.u32 s12, $0x4;
	(xrf1) =	vsort.ascd.msk.f32 $0xffff, v6, v5  }
0x1d: {  	s12 =	sadd.s32 $0x80, s12;
	s14 =	sor.u32 s26, s15;
	(xrf1) =	vsort.ascd.msk.f32 $0xffff, v7, v5  }
0x1e: {  	s12 =	sor.u32 $0x380, s12;
	v4 =	vld [tilespmem:s14+$0x80]  }
0x1f: {  	v6 =	vld [tilespmem:s12+$0x0];
	(xrf1) =	vsort.ascd.msk.f32 $0xffff, v8, v5  }
0x20: {  	v7 =	vld [tilespmem:s14+$0x180];
	(xrf1) =	vsort.ascd.msk.f32 $0xffff, v3, v5;
	_ =	sdelay $0x1  }
0x21: {  	v5 =	vor.u32 s24, v0;
	v8, v9, _ =	vpop (xrf1)  }
0x22: {  	v22 =	vimm.f32 $+Inf;
	v3 =	vld [tilespmem:s14+$0x280];
	(xrf1) =	vsort.ascd.msk.f32 $0xffff, v4, v5;
	v10, v12, _ =	vpop (xrf1)  }
0x23: {  	v11 =	vimm.s32 $0x0;
	v4 =	vld [tilespmem:s14+$0x300];
	(xrf1) =	vsort.ascd.msk.f32 $0xffff, v6, v5;
	vm0 =	vle.f32 v10, v22  }
0x24: {  	v6 =	vld [tilespmem:s14+$0x100];
	(xrf1) =	vsort.ascd.msk.f32 $0xffff, v7, v5;
	v7 =	vmin.f32 v10, v22;
	v10 =	vsel vm0, v12, v11  }
0x25: {  	v12 =	vld [tilespmem:s14+$0x0];
	(xrf1) =	vsort.dscd.msk.f32 $0xffff, v7, v10;
	_ =	sdelay $0x1  }
0x26: {  	vm0 =	vle.f32 v8, v22;
	(xrf1) =	vsort.ascd.msk.f32 $0xffff, v3, v5;
	v23, v3, _ =	vpop (xrf1)  }
0x27: {  	v7 =	vld [tilespmem:s14+$0x200];
	v9 =	vsel vm0, v9, v11;
	(xrf1) =	vsort.ascd.msk.f32 $0xffff, v4, v5;
	v4, v10, _ =	vpop (xrf1)  }
0x28: {  	(xrf1) =	vsort.ascd.msk.f32 $0xffff, v6, v5;
	v6 =	vmin.f32 v8, v22;
	v8, v13, _ =	vpop (xrf1)  }
0x29: {  	s28 =	simm.s32 $0x2;
	(xrf1) =	vsort.ascd.msk.f32 $0xffff, v12, v5;
	vm0 =	vle.f32 v4, v22;
	v4 =	vmin.f32 v4, v22;
	v12, v14, _ =	vpop (xrf1)  }
0x2a: {  	s29 =	simm.s32 $0x20;
	s30 =	simm.s32 $0x100;
	s12 =	sand.u32 $0x7, s28;
	v10 =	vsel vm0, v10, v11;
	(xrf1) =	vsort.dscd.msk.f32 $0xffff, v6, v9;
	vm0 =	vle.f32 v12, v22  }
0x2b: {  	s31 =	sand.u32 $0x70, s29;
	s12 =	sshll.u32 s12, $0x4;
	s14 =	sand.u32 $0x3C00, s30;
	v6, v9, _ =	vpop (xrf1);
	(xrf1) =	vsort.dscd.msk.f32 $0xffff, v4, v10;
	v10 =	vsel vm0, v14, v11  }
0x2c: {  	s12 =	sadd.s32 $0x100, s12;
	s14 =	sor.u32 s31, s14;
	v15 =	vmin.f32 v12, v22;
	(xrf1) =	vsort.ascd.msk.f32 $0xffff, v7, v5;
	vm1 =	vle.f32 v6, v22;
	v4, v5, _ =	vpop (xrf1)  }
0x2d: {  	s12 =	sor.u32 $0x380, s12;
	v7 =	vld [tilespmem:s14+$0x80];
	v6 =	vmin.f32 v6, v22;
	v9 =	vsel vm1, v9, v11;
	vm0 =	vle.f32 v4, v22  }
0x2e: {  	v14 =	vld [tilespmem:s12+$0x0];
	(xrf1) =	vsort.dscd.msk.f32 $0xffff, v15, v10;
	v15 =	vmin.f32 v4, v22;
	v4 =	vsel vm0, v5, v11  }
0x2f: {  	v16 =	vld [tilespmem:s14+$0x180];
	(xrf1) =	vsort.dscd.msk.f32 $0xffff, v6, v9;
	vm0 =	vle.f32 v8, v22;
	v6 =	vmin.f32 v8, v22;
	v12, v10, _ =	vpop (xrf1)  }
0x30: {  	v13 =	vsel vm0, v13, v11;
	(xrf1) =	vsort.dscd.msk.f32 $0xffff, v15, v4;
	v8, v17, _ =	vpop (xrf1)  }
0x31: {  	v5 =	vor.u32 s29, v0;
	v4, v9, _ =	vpop (xrf1);
	(xrf1) =	vsort.dscd.msk.f32 $0xffff, v6, v13  }
0x32: {  	v18 =	vld [tilespmem:s14+$0x280];
	(xrf1) =	vsort.ascd.msk.f32 $0xffff, v7, v5;
	v6, v7, _ =	vpop (xrf1)  }
0x33: {  	v21 =	vld [tilespmem:s14+$0x300];
	(xrf1) =	vsort.ascd.msk.f32 $0xffff, v14, v5;
	vm0 =	vle.f32 v8, v6;
	v13 =	vmin.f32 v8, v6  }
0x34: {  	(xrf1) =	vsort.ascd.msk.f32 $0xffff, v16, v5;
	v16 =	vsel vm0, v17, v7  }
0x35: {  	v19 =	vld [tilespmem:s14+$0x100];
	v15, v14, _ =	vpop (xrf1)  }
0x36: {  	v7, v6, _ =	vpop (xrf1);
	(xrf1) =	vsort.dscd.msk.f32 $0xffff, v13, v16  }
0x37: {  	v20 =	vld [tilespmem:s14+$0x0];
	(xrf1) =	vsort.ascd.msk.f32 $0xffff, v18, v5;
	v17, v13, _ =	vpop (xrf1)  }
0x38: {  	s16 =	simm.s32 $0x30;
	s13 =	simm.s32 $0x3;
	s12 =	simm.s32 $0x180;
	v8 =	vld [tilespmem:s14+$0x200];
	vm0 =	vle.f32 v23, v22;
	(xrf1) =	vsort.ascd.msk.f32 $0xffff, v21, v5;
	v21 =	vmin.f32 v23, v22;
	v18, v16, _ =	vpop (xrf1)  }
.LBB2_3:
0x39: {  	s14 =	sand.u32 $0x7, s13  }
0x3a: {  	s15 =	sand.u32 $0x70, s16;
	s17 =	sand.u32 $0x3C00, s12;
	(xrf1) =	vsort.ascd.msk.f32 $0xffff, v19, v5;
	v23 =	vsel vm0, v3, v11;
	v19, v22, _ =	vpop (xrf1);
	v3 =	vmov v9;
	s18 =	smov.u32 s16  }
0x3b: {  	s19 =	sshll.u32 s14, $0x4;
	s15 =	sor.u32 s15, s17;
	s14 =	sadd.s32 $0x10, s16;
	v25 =	vmin.f32 v12, v19;
	vm0 =	vle.f32 v12, v19;
	(xrf1) =	vsort.dscd.msk.f32 $0xffff, v21, v23;
	v11, v12, _ =	vpop (xrf1)  }
0x3c: {  	p0 =	sne.s32 s16, $0x7F0;
	s17 =	sadd.s32 s19, s12;
	v21 =	vld [tilespmem:s15+$0x200];
	(xrf1) =	vsort.ascd.msk.f32 $0xffff, v20, v5;
	v19 =	vsel vm0, v10, v22;
	vm0 =	vle.f32 v15, v11;
	v20, v22, _ =	vpop (xrf1)  }
0x3d: {  	v24 =	vmin.f32 v15, v11;
	v23 =	vld [tilespmem:s15+$0x80];
	s16 =	sor.u32 $0x380, s17;
	v12 =	vsel vm0, v14, v12;
	(xrf1) =	vsort.dscd.msk.f32 $0xffff, v25, v19;
	v9, v10, _ =	vpop (xrf1)  }
0x3e: {  	v15 =	vmin.f32 v17, v9;
	vm0 =	vle.f32 v17, v9;
	v9, v11, _ =	vpop (xrf1)  }
0x3f: {  	v14 =	vld [tilespmem:s16+$0x0];
	(xrf1) =	vsort.dscd.msk.f32 $0xffff, v24, v12;
	vm1 =	vle.f32 v18, v9;
	v9 =	vmin.f32 v18, v9  }
0x40: {  	(xrf1) =	vsort.ascd.msk.f32 $0xffff, v8, v5;
	v12 =	vsel vm0, v13, v10  }
0x41: {  	v5 =	vor.u32 s18, v0;
	v19 =	vld [tilespmem:s15+$0x100];
	v17 =	vsel vm1, v16, v11;
	(xrf1) =	vsort.dscd.msk.f32 $0xffff, v15, v12;
	v8, v11, _ =	vpop (xrf1)  }
0x42: {  	vm0 =	vle.f32 v20, v8;
	(xrf1) =	vsort.dscd.msk.f32 $0xffff, v9, v17;
	v9, v16, _ =	vpop (xrf1)  }
0x43: {  	v13 =	vld [tilespmem:s15+$0x180];
	v15 =	vmin.f32 v20, v8;
	v8 =	vmovc v21;
	v11 =	vsel vm0, v22, v11;
	vm0 =	vle.f32 v7, v9  }
0x44: {  	v12, v10, _ =	vpop (xrf1);
	v17 =	vmin.f32 v7, v9;
	v6 =	vsel vm0, v6, v16  }
0x45: {  	v18 =	vld [tilespmem:s15+$0x280];
	v7, v20, _ =	vpop (xrf1);
	(xrf1) =	vsort.dscd.msk.f32 $0xffff, v15, v11  }
0x46: {  	v22, v9, _ =	vpop (xrf1);
	(xrf1) =	vsort.dscd.msk.f32 $0xffff, v17, v6  }
0x47: {  	v16 =	vld [tilespmem:s15+$0x300];
	(xrf1) =	vsort.ascd.msk.f32 $0xffff, v23, v5;
	v6, v11, _ =	vpop (xrf1)  }
.Ltmp0:
0x48: {  	(xrf1) =	vsort.ascd.msk.f32 $0xffff, v14, v5;
	vm0 =	vle.f32 v7, v6;
	v15, v14, _ =	vpop (xrf1);
	(pc) =	sbr.rel @p0 .LBB2_3-.Ltmp0, $4  }
0x49: {  	v21 =	vmin.f32 v7, v6;
	(xrf1) =	vsort.ascd.msk.f32 $0xffff, v13, v5;
	v24 =	vsel vm0, v20, v11;
	v7, v6, _ =	vpop (xrf1)  }
0x4a: {  	v20 =	vld [tilespmem:s15+$0x0];
	v17, v13, _ =	vpop (xrf1);
	(xrf1) =	vsort.dscd.msk.f32 $0xffff, v21, v24  }
0x4b: {  	(xrf1) =	vsort.ascd.msk.f32 $0xffff, v18, v5;
	v23, v11, _ =	vpop (xrf1)  }
0x4c: {  	s13 =	sadd.s32 $0x1, s13;
	s12 =	sadd.s32 $0x80, s12;
	s16 =	smov.u32 s14;
	(xrf1) =	vsort.ascd.msk.f32 $0xffff, v16, v5;
	v18, v16, _ =	vpop (xrf1);
	v21 =	vmin.f32 v4, v23;
	vm0 =	vle.f32 v4, v23;
	v4 =	vmov v22  }
0x4d: {  	v3 =	vsel vm0, v3, v11  }
0x4e: {  	(xrf1) =	vsort.ascd.msk.f32 $0xffff, v19, v5  }
0x4f: {  	v11, v19, _ =	vpop (xrf1);
	(xrf1) =	vsort.dscd.msk.f32 $0xffff, v21, v3  }
0x50: {  	v3, v21, _ =	vpop (xrf1)  }
0x51: {  	vm0 =	vle.f32 v12, v11;
	v22, v23, _ =	vpop (xrf1)  }
0x52: {  	v10 =	vsel vm0, v10, v19;
	vm0 =	vle.f32 v15, v3;
	v24, v25, _ =	vpop (xrf1)  }
0x53: {  	v14 =	vsel vm0, v14, v21;
	v26, v27, _ =	vpop (xrf1)  }
0x54: {  	v28 =	vmin.f32 v12, v11;
	(xrf1) =	vsort.ascd.msk.f32 $0xffff, v20, v5;
	v3 =	vmin.f32 v15, v3;
	v11, v12, _ =	vpop (xrf1)  }
0x55: {  	(xrf1) =	vsort.dscd.msk.f32 $0xffff, v28, v10;
	v21 =	vmin.f32 v17, v24;
	vm0 =	vle.f32 v17, v24;
	v19, v20, _ =	vpop (xrf1)  }
0x56: {  	vm1 =	vle.f32 v18, v26;
	v13 =	vsel vm0, v13, v25;
	(xrf1) =	vsort.dscd.msk.f32 $0xffff, v3, v14;
	v10, v15, _ =	vpop (xrf1)  }
0x57: {  	v17 =	vmin.f32 v18, v26;
	v16 =	vsel vm1, v16, v27;
	(xrf1) =	vsort.ascd.msk.f32 $0xffff, v8, v5;
	v3, v14, _ =	vpop (xrf1)  }
0x58: {  	vm0 =	vle.f32 v22, v11;
	(xrf1) =	vsort.dscd.msk.f32 $0xffff, v21, v13;
	v13 =	vmin.f32 v22, v11;
	v5, v8, _ =	vpop (xrf1)  }
0x59: {  	v12 =	vsel vm0, v23, v12;
	vm0 =	vle.f32 v7, v19;
	v7 =	vmin.f32 v7, v19;
	v18, v24, _ =	vpop (xrf1)  }
0x5a: {  	v6 =	vsel vm0, v6, v20;
	v11, v21, _ =	vpop (xrf1)  }
0x5b: {  	(xrf1) =	vsort.dscd.msk.f32 $0xffff, v17, v16;
	v16, v17, _ =	vpop (xrf1)  }
0x5c: {  	(xrf1) =	vsort.dscd.msk.f32 $0xffff, v13, v12;
	v12, v13, _ =	vpop (xrf1)  }
0x5d: {  	(xrf1) =	vsort.dscd.msk.f32 $0xffff, v7, v6;
	vm0 =	vle.f32 v3, v18;
	v6, v7, _ =	vpop (xrf1)  }
0x5e: {  	v3 =	vmin.f32 v3, v18;
	v14 =	vsel vm0, v14, v24;
	vm0 =	vle.f32 v4, v6  }
0x5f: {  	(xrf1) =	vsort.dscd.msk.f32 $0xffff, v3, v14;
	v3 =	vmin.f32 v4, v6;
	v4 =	vsel vm0, v9, v7;
	_ =	sdelay $0x3  }
0x60: {  	(xrf1) =	vsort.dscd.msk.f32 $0xffff, v3, v4;
	v3, v4, _ =	vpop (xrf1)  }
0x61: {  	v6, v7, _ =	vpop (xrf1)  }
0x62: {  	v9, v14, _ =	vpop (xrf1)  }
0x63: {  	v18 =	vmin.f32 v10, v6;
	vm0 =	vle.f32 v10, v6;
	vm1 =	vle.f32 v11, v9;
	v6, v10, _ =	vpop (xrf1)  }
0x64: {  	v7 =	vsel vm0, v15, v7;
	v9 =	vmin.f32 v11, v9;
	v11 =	vsel vm1, v21, v14;
	v14, v15, _ =	vpop (xrf1);
	_ =	sdelay $0x1  }
0x65: {  	(xrf1) =	vsort.dscd.msk.f32 $0xffff, v18, v7;
	v7 =	vmin.f32 v12, v14;
	vm0 =	vle.f32 v12, v14;
	v12, v14, _ =	vpop (xrf1)  }
0x66: {  	(xrf1) =	vsort.dscd.msk.f32 $0xffff, v9, v11;
	v9 =	vsel vm0, v13, v15;
	vm1 =	vle.f32 v3, v12  }
0x67: {  	v4 =	vsel vm1, v4, v14  }
0x68: {  	v3 =	vmin.f32 v3, v12  }
0x69: {  	v11, v13, _ =	vpop (xrf1)  }
0x6a: {  	(xrf1) =	vsort.dscd.msk.f32 $0xffff, v7, v9;
	v7, v9, _ =	vpop (xrf1)  }
0x6b: {  	vm0 =	vle.f32 v6, v11;
	(xrf1) =	vsort.dscd.msk.f32 $0xffff, v3, v4;
	v3, v4, _ =	vpop (xrf1)  }
0x6c: {  	v12 =	vmin.f32 v6, v11;
	v3 =	vsel vm0, v10, v13  }
0x6d: {  	v6 =	vmin.f32 v16, v7;
	vm0 =	vle.f32 v16, v7;
	v7, v10, _ =	vpop (xrf1);
	(xrf1) =	vsort.dscd.msk.f32 $0xffff, v12, v3  }
0x6e: {  	v9 =	vsel vm0, v17, v9;
	vm0 =	vle.f32 v5, v7  }
0x6f: {  	v3 =	vmin.f32 v5, v7;
	(xrf1) =	vsort.dscd.msk.f32 $0xffff, v6, v9;
	v5 =	vsel vm0, v8, v10  }
0x70: {  	(xrf1) =	vsort.dscd.msk.f32 $0xffff, v3, v5;
	_ =	sdelay $0x6  }
0x71: {  	v3, v5, _ =	vpop (xrf1)  }
0x72: {  	v3, v6, _ =	vpop (xrf1)  }
0x73: {  	v3, v7, _ =	vpop (xrf1)  }
0x74: {  	v3, v8, _ =	vpop (xrf1)  }
0x75: {  	v3, v9, _ =	vpop (xrf1)  }
0x76: {  	v3 =	vperm.xlane v8, v2  }
0x77: {  	v5 =	vperm.xlane v5, v2;
	v8, v10, _ =	vpop (xrf1)  }
0x78: {  	v7 =	vperm.xlane v7, v2;
	v8, v11, _ =	vpop (xrf1);
	v3 =	vadd.s32 v1, v3  }
0x79: {  	[tilespmem:$0x10000] =	vst v3;
	v3 =	vadd.s32 v1, v5;
	v5 =	vperm.xlane v11, v2  }
0x7a: {  	[tilespmem:$0x10080] =	vst v3;
	v3 =	vadd.s32 v1, v7;
	v7 =	vperm.xlane v9, v2  }
0x7b: {  	[tilespmem:$0x10100] =	vst v3;
	v3 =	vadd.s32 v1, v5;
	v5 =	vperm.xlane v6, v2  }
0x7c: {  	v6 =	vperm.xlane v10, v2;
	[tilespmem:$0x10180] =	vst v3;
	v3 =	vadd.s32 v1, v7  }
0x7d: {  	v4 =	vperm.xlane v4, v2;
	[tilespmem:$0x10200] =	vst v3;
	v3 =	vadd.s32 v1, v5  }
0x7e: {  	s12 =	simm.s32 $0x0;
	[tilespmem:$0x10280] =	vst v3;
	v3 =	vadd.s32 v1, v6  }
0x7f: {  	s13 =	sand.u32 $0x70, s12;
	s14 =	sand.u32 $0x3C00, s12;
	[tilespmem:$0x10300] =	vst v3;
	v3 =	vadd.s32 v1, v4  }
0x80: {  	s13 =	sor.u32 s13, s14;
	[tilespmem:$0x10380] =	vst v3  }
0x81: {  	v3 =	vld [tilespmem:s13+$0x4280]  }
0x82: {  	v4 =	vld [tilespmem:s13+$0x4180]  }
0x83: {  	v5 =	vld [tilespmem:s13+$0x4000];
	_ =	sdelay $0x1  }
0x84: {  	v6 =	vor.u32 s12, v0  }
0x85: {  	(xrf1) =	vsort.ascd.msk.f32 $0xffff, v3, v6  }
0x86: {  	(xrf1) =	vsort.ascd.msk.f32 $0xffff, v4, v6  }
0x87: {  	v3 =	vld [tilespmem:s13+$0x4100];
	(xrf1) =	vsort.ascd.msk.f32 $0xffff, v5, v6  }
0x88: {  	v4 =	vld [tilespmem:s13+$0x4380]  }
0x89: {  	v5 =	vld [tilespmem:s13+$0x4080];
	_ =	sdelay $0x1  }
0x8a: {  	s23 =	simm.s32 $0x10;
	s24 =	simm.s32 $0x80  }
0x8b: {  	s15 =	sand.u32 $0x70, s23;
	s14 =	sand.u32 $0x3C00, s24;
	(xrf1) =	vsort.ascd.msk.f32 $0xffff, v3, v6  }
0x8c: {  	s14 =	sor.u32 s15, s14;
	(xrf1) =	vsort.ascd.msk.f32 $0xffff, v4, v6  }
0x8d: {  	v3 =	vld [tilespmem:s14+$0x4280];
	(xrf1) =	vsort.ascd.msk.f32 $0xffff, v5, v6  }
0x8e: {  	v4 =	vld [tilespmem:s13+$0x4200]  }
0x8f: {  	v5 =	vld [tilespmem:s14+$0x4180]  }
0x90: {  	v7 =	vld [tilespmem:s14+$0x4000]  }
0x91: {  	v9 =	vor.u32 s23, v0;
	v8 =	vld [tilespmem:s13+$0x4300]  }
0x92: {  	(xrf1) =	vsort.ascd.msk.f32 $0xffff, v3, v9;
	v11, v12, _ =	vpop (xrf1)  }
0x93: {  	v10 =	vld [tilespmem:s14+$0x4100];
	(xrf1) =	vsort.ascd.msk.f32 $0xffff, v4, v6;
	v3, v4, _ =	vpop (xrf1)  }
0x94: {  	(xrf1) =	vsort.ascd.msk.f32 $0xffff, v5, v9;
	v5 =	vimm.f32 $+Inf;
	v13, v14, _ =	vpop (xrf1)  }
0x95: {  	v15 =	vld [tilespmem:s14+$0x4380];
	(xrf1) =	vsort.ascd.msk.f32 $0xffff, v7, v9;
	v7 =	vimm.s32 $0x0;
	vm0 =	vle.f32 v13, v5  }
0x96: {  	(xrf1) =	vsort.ascd.msk.f32 $0xffff, v8, v6;
	v8 =	vsel vm0, v14, v7;
	vm0 =	vle.f32 v3, v5  }
0x97: {  	v4 =	vsel vm0, v4, v7  }
0x98: {  	(xrf1) =	vsort.ascd.msk.f32 $0xffff, v10, v9;
	v6 =	vmin.f32 v13, v5;
	v3 =	vmin.f32 v3, v5  }
0x99: {  	s25 =	simm.s32 $0x20;
	s26 =	simm.s32 $0x100;
	(xrf1) =	vsort.dscd.msk.f32 $0xffff, v6, v8;
	v8, v10, _ =	vpop (xrf1)  }
0x9a: {  	s28 =	sand.u32 $0x70, s25;
	s12 =	sand.u32 $0x3C00, s26;
	v6 =	vld [tilespmem:s14+$0x4080];
	(xrf1) =	vsort.ascd.msk.f32 $0xffff, v15, v9;
	v13, v14, _ =	vpop (xrf1)  }
0x9b: {  	s12 =	sor.u32 s28, s12;
	(xrf1) =	vsort.dscd.msk.f32 $0xffff, v3, v4;
	v3, v4, _ =	vpop (xrf1)  }
0x9c: {  	v15 =	vld [tilespmem:s12+$0x4280];
	vm0 =	vle.f32 v3, v5  }
0x9d: {  	v4 =	vsel vm0, v4, v7  }
0x9e: {  	v16 =	vld [tilespmem:s14+$0x4200];
	v3 =	vmin.f32 v3, v5  }
0x9f: {  	(xrf1) =	vsort.ascd.msk.f32 $0xffff, v6, v9;
	vm0 =	vle.f32 v13, v5  }
0xa0: {  	v22 =	vor.u32 s25, v0;
	v6 =	vld [tilespmem:s12+$0x4180];
	(xrf1) =	vsort.dscd.msk.f32 $0xffff, v3, v4;
	v14 =	vsel vm0, v14, v7  }
0xa1: {  	v17 =	vld [tilespmem:s12+$0x4000];
	v13 =	vmin.f32 v13, v5;
	vm0 =	vle.f32 v8, v5;
	(xrf1) =	vsort.ascd.msk.f32 $0xffff, v15, v22;
	v3, v4, _ =	vpop (xrf1)  }
0xa2: {  	v15 =	vld [tilespmem:s14+$0x4300];
	v10 =	vsel vm0, v10, v7;
	v18, v19, _ =	vpop (xrf1);
	(xrf1) =	vsort.dscd.msk.f32 $0xffff, v13, v14  }
0xa3: {  	v8 =	vmin.f32 v8, v5;
	v13 =	vld [tilespmem:s12+$0x4100];
	v14, v20, _ =	vpop (xrf1);
	(xrf1) =	vsort.ascd.msk.f32 $0xffff, v16, v9  }
0xa4: {  	v16, v21, _ =	vpop (xrf1);
	(xrf1) =	vsort.dscd.msk.f32 $0xffff, v8, v10  }
0xa5: {  	(xrf1) =	vsort.ascd.msk.f32 $0xffff, v6, v22  }
0xa6: {  	v8, v10, _ =	vpop (xrf1);
	(xrf1) =	vsort.ascd.msk.f32 $0xffff, v17, v22  }
0xa7: {  	vm0 =	vle.f32 v18, v5;
	v23, v24, _ =	vpop (xrf1);
	(xrf1) =	vsort.ascd.msk.f32 $0xffff, v15, v9  }
0xa8: {  	(xrf1) =	vsort.ascd.msk.f32 $0xffff, v13, v22;
	v13 =	vsel vm0, v19, v7  }
0xa9: {  	v6 =	vld [tilespmem:s12+$0x4380]  }
0xaa: {  	v9 =	vmin.f32 v18, v5;
	v15, v17, _ =	vpop (xrf1)  }
0xab: {  	vm1 =	vle.f32 v16, v15;
	v19, v25, _ =	vpop (xrf1);
	v15 =	vmin.f32 v16, v15;
	vm0 =	vle.f32 v8, v5  }
0xac: {  	v16 =	vsel vm1, v21, v17;
	(xrf1) =	vsort.dscd.msk.f32 $0xffff, v9, v13;
	v9 =	vmin.f32 v8, v5;
	v8, v13, _ =	vpop (xrf1)  }
0xad: {  	(xrf1) =	vsort.dscd.msk.f32 $0xffff, v15, v16;
	vm1 =	vle.f32 v14, v8  }
0xae: {  	(xrf1) =	vsort.ascd.msk.f32 $0xffff, v6, v22;
	v6 =	vsel vm0, v10, v7;
	v10 =	vsel vm1, v20, v13  }
0xaf: {  	v8 =	vmin.f32 v14, v8  }
0xb0: {  	s29 =	simm.s32 $0x30;
	s30 =	simm.s32 $0x180;
	v18 =	vld [tilespmem:s12+$0x4080]  }
0xb1: {  	s31 =	sand.u32 $0x70, s29;
	s14 =	sand.u32 $0x3C00, s30;
	(xrf1) =	vsort.dscd.msk.f32 $0xffff, v9, v6;
	v13, v14, _ =	vpop (xrf1)  }
0xb2: {  	s14 =	sor.u32 s31, s14;
	vm0 =	vle.f32 v11, v5;
	(xrf1) =	vsort.dscd.msk.f32 $0xffff, v8, v10;
	v8, v10, _ =	vpop (xrf1)  }
0xb3: {  	v9 =	vld [tilespmem:s14+$0x4280];
	v7 =	vsel vm0, v12, v7;
	vm1 =	vle.f32 v13, v8  }
0xb4: {  	v10 =	vsel vm1, v14, v10  }
0xb5: {  	v11 =	vmin.f32 v11, v5;
	(xrf1) =	vsort.ascd.msk.f32 $0xffff, v18, v22;
	v5, v6, _ =	vpop (xrf1)  }
0xb6: {  	(xrf1) =	vsort.dscd.msk.f32 $0xffff, v11, v7;
	v8 =	vmin.f32 v13, v8;
	v7, v12, _ =	vpop (xrf1)  }
0xb7: {  	v11 =	vor.u32 s29, v0;
	(xrf1) =	vsort.dscd.msk.f32 $0xffff, v8, v10;
	v26, v16, _ =	vpop (xrf1)  }
0xb8: {  	v15 =	vld [tilespmem:s12+$0x4200];
	vm0 =	vle.f32 v19, v7;
	(xrf1) =	vsort.ascd.msk.f32 $0xffff, v9, v11;
	v9, v10, _ =	vpop (xrf1)  }
0xb9: {  	v7 =	vmin.f32 v19, v7;
	v8 =	vsel vm0, v25, v12;
	vm0 =	vle.f32 v23, v9  }
0xba: {  	v21 =	vld [tilespmem:s14+$0x4180];
	(xrf1) =	vsort.dscd.msk.f32 $0xffff, v7, v8;
	v8 =	vmin.f32 v23, v9;
	v9 =	vsel vm0, v24, v10  }
0xbb: {  	v27 =	vld [tilespmem:s14+$0x4000];
	v14, v13, _ =	vpop (xrf1)  }
0xbc: {  	v25 =	vld [tilespmem:s12+$0x4300];
	v20, v18, _ =	vpop (xrf1)  }
0xbd: {  	v12 =	vld [tilespmem:s14+$0x4080];
	(xrf1) =	vsort.ascd.msk.f32 $0xffff, v15, v22;
	v19, v17, _ =	vpop (xrf1)  }
0xbe: {  	v15 =	vld [tilespmem:s14+$0x4100];
	(xrf1) =	vsort.dscd.msk.f32 $0xffff, v8, v9;
	v10, v9, _ =	vpop (xrf1)  }
0xbf: {  	v7 =	vld [tilespmem:s14+$0x4300];
	(xrf1) =	vsort.ascd.msk.f32 $0xffff, v21, v11;
	v24, v23, _ =	vpop (xrf1)  }
0xc0: {  	v8 =	vld [tilespmem:s14+$0x4200];
	(xrf1) =	vsort.ascd.msk.f32 $0xffff, v27, v11  }
0xc1: {  	s15 =	simm.s32 $0x40;
	s12 =	simm.s32 $0x200;
	v21 =	vld [tilespmem:s14+$0x4380];
	(xrf1) =	vsort.ascd.msk.f32 $0xffff, v25, v22;
	v22 =	vmin.f32 v26, v24;
	vm0 =	vle.f32 v26, v24;
	v25, v24, _ =	vpop (xrf1)  }
.LBB2_5:
0xc2: {  	s14 =	sand.u32 $0x70, s15  }
0xc3: {  	s16 =	sand.u32 $0x3C00, s12;
	(xrf1) =	vsort.ascd.msk.f32 $0xffff, v15, v11;
	vm1 =	vle.f32 v20, v25;
	v26, v27, _ =	vpop (xrf1);
	v23 =	vsel vm0, v16, v23;
	v28 =	vmov v11;
	s17 =	smov.u32 s15;
	s13 =	sadd.s32 $0x10, s15  }
0xc4: {  	p0 =	sne.s32 s15, $0x7F0;
	v11 =	vmin.f32 v20, v25;
	s14 =	sor.u32 s14, s16;
	v20 =	vsel vm1, v18, v24;
	(xrf1) =	vsort.dscd.msk.f32 $0xffff, v22, v23;
	v15, v18, _ =	vpop (xrf1)  }
0xc5: {  	v29 =	vld [tilespmem:s14+$0x4300];
	(xrf1) =	vsort.dscd.msk.f32 $0xffff, v11, v20;
	v11 =	vmin.f32 v19, v15;
	vm0 =	vle.f32 v19, v15;
	v16, v19, _ =	vpop (xrf1)  }
0xc6: {  	v20 =	vld [tilespmem:s14+$0x4280];
	(xrf1) =	vsort.ascd.msk.f32 $0xffff, v21, v28;
	vm1 =	vle.f32 v14, v16;
	v21, v22, _ =	vpop (xrf1);
	v17 =	vsel vm0, v17, v18  }
0xc7: {  	v25 =	vmin.f32 v14, v16;
	v15 =	vld [tilespmem:s14+$0x4100];
	v16 =	vsel vm1, v13, v19;
	(xrf1) =	vsort.dscd.msk.f32 $0xffff, v11, v17  }
0xc8: {  	v23 =	vld [tilespmem:s14+$0x4180];
	(xrf1) =	vsort.dscd.msk.f32 $0xffff, v25, v16;
	v11, v13, _ =	vpop (xrf1)  }
0xc9: {  	v17 =	vld [tilespmem:s14+$0x4200];
	(xrf1) =	vsort.ascd.msk.f32 $0xffff, v12, v28;
	v19 =	vmin.f32 v3, v11;
	vm0 =	vle.f32 v3, v11;
	v11, v14, _ =	vpop (xrf1);
	v3 =	vmov v5  }
0xca: {  	v24 =	vld [tilespmem:s14+$0x4000];
	v5, v18, _ =	vpop (xrf1);
	v30 =	vmin.f32 v21, v11;
	vm1 =	vle.f32 v21, v11;
	v21 =	vsel vm0, v4, v13  }
0xcb: {  	v11 =	vor.u32 s17, v0;
	v4 =	vmov v6;
	v31 =	vsel vm1, v22, v14;
	(xrf1) =	vsort.dscd.msk.f32 $0xffff, v19, v21;
	v12, v14, _ =	vpop (xrf1)  }
0xcc: {  	v6 =	vmov v18;
	v19 =	vmin.f32 v26, v12;
	vm0 =	vle.f32 v26, v12;
	(xrf1) =	vsort.dscd.msk.f32 $0xffff, v30, v31;
	v25, v16, _ =	vpop (xrf1)  }
0xcd: {  	v12 =	vld [tilespmem:s14+$0x4080];
	(xrf1) =	vsort.ascd.msk.f32 $0xffff, v20, v11;
	v26 =	vsel vm0, v27, v14;
	v21, v22, _ =	vpop (xrf1)  }
0xce: {  	v14, v13, _ =	vpop (xrf1);
	vm0 =	vle.f32 v10, v21;
	(xrf1) =	vsort.dscd.msk.f32 $0xffff, v19, v26  }
.Ltmp1:
0xcf: {  	v26 =	vmin.f32 v10, v21;
	v20, v18, _ =	vpop (xrf1);
	(xrf1) =	vsort.ascd.msk.f32 $0xffff, v8, v28;
	v21 =	vsel vm0, v9, v22;
	v8 =	vmov v17;
	(pc) =	sbr.rel @p0 .LBB2_5-.Ltmp1, $4  }
0xd0: {  	(xrf1) =	vsort.dscd.msk.f32 $0xffff, v26, v21;
	v19, v17, _ =	vpop (xrf1)  }
0xd1: {  	(xrf1) =	vsort.ascd.msk.f32 $0xffff, v23, v11;
	v10, v9, _ =	vpop (xrf1)  }
0xd2: {  	v21 =	vld [tilespmem:s14+$0x4380];
	(xrf1) =	vsort.ascd.msk.f32 $0xffff, v24, v11;
	v26, v23, _ =	vpop (xrf1)  }
0xd3: {  	s12 =	sadd.s32 $0x80, s12;
	s15 =	smov.u32 s13;
	(xrf1) =	vsort.ascd.msk.f32 $0xffff, v7, v28;
	v22 =	vmin.f32 v25, v26;
	vm0 =	vle.f32 v25, v26;
	v25, v24, _ =	vpop (xrf1);
	v7 =	vmov v29  }
0xd4: {  	v16 =	vsel vm0, v16, v23;
	_ =	sdelay $0x1  }
0xd5: {  	(xrf1) =	vsort.ascd.msk.f32 $0xffff, v15, v11;
	v15, v26, _ =	vpop (xrf1)  }
0xd6: {  	(xrf1) =	vsort.dscd.msk.f32 $0xffff, v22, v16;
	v16, v22, _ =	vpop (xrf1)  }
0xd7: {  	vm0 =	vle.f32 v19, v16  }
0xd8: {  	vm1 =	vle.f32 v20, v25;
	v20 =	vmin.f32 v20, v25;
	v17 =	vsel vm0, v17, v22  }
0xd9: {  	v18 =	vsel vm1, v18, v24  }
0xda: {  	(xrf1) =	vsort.dscd.msk.f32 $0xffff, v20, v18;
	v18 =	vmin.f32 v19, v16;
	v16, v19, _ =	vpop (xrf1)  }
0xdb: {  	(xrf1) =	vsort.ascd.msk.f32 $0xffff, v21, v11;
	vm1 =	vle.f32 v14, v16;
	v20, v21, _ =	vpop (xrf1)  }
0xdc: {  	v14 =	vmin.f32 v14, v16;
	v13 =	vsel vm1, v13, v19;
	(xrf1) =	vsort.dscd.msk.f32 $0xffff, v18, v17;
	v16, v17, _ =	vpop (xrf1)  }
0xdd: {  	vm0 =	vle.f32 v3, v16  }
0xde: {  	v4 =	vsel vm0, v4, v17  }
0xdf: {  	(xrf1) =	vsort.dscd.msk.f32 $0xffff, v14, v13;
	v3 =	vmin.f32 v3, v16  }
0xe0: {  	(xrf1) =	vsort.ascd.msk.f32 $0xffff, v12, v11;
	v12, v13, _ =	vpop (xrf1)  }
0xe1: {  	v14, v16, _ =	vpop (xrf1)  }
0xe2: {  	vm0 =	vle.f32 v20, v12;
	(xrf1) =	vsort.dscd.msk.f32 $0xffff, v3, v4;
	v3, v4, _ =	vpop (xrf1)  }
0xe3: {  	v13 =	vsel vm0, v21, v13;
	v17, v18, _ =	vpop (xrf1);
	vm0 =	vle.f32 v15, v3  }
0xe4: {  	v12 =	vmin.f32 v20, v12;
	v19, v22, _ =	vpop (xrf1);
	v4 =	vsel vm0, v26, v4  }
0xe5: {  	v3 =	vmin.f32 v15, v3;
	v23, v24, _ =	vpop (xrf1)  }
0xe6: {  	(xrf1) =	vsort.dscd.msk.f32 $0xffff, v12, v13;
	vm0 =	vle.f32 v10, v19;
	v20, v21, _ =	vpop (xrf1)  }
0xe7: {  	(xrf1) =	vsort.dscd.msk.f32 $0xffff, v3, v4;
	v9 =	vsel vm0, v9, v22;
	v12, v13, _ =	vpop (xrf1)  }
0xe8: {  	(xrf1) =	vsort.ascd.msk.f32 $0xffff, v8, v11;
	v8 =	vmin.f32 v10, v19;
	v3, v4, _ =	vpop (xrf1)  }
0xe9: {  	v10, v15, _ =	vpop (xrf1)  }
0xea: {  	vm0 =	vle.f32 v17, v10  }
0xeb: {  	(xrf1) =	vsort.dscd.msk.f32 $0xffff, v8, v9;
	v8, v9, _ =	vpop (xrf1);
	v15 =	vsel vm0, v18, v15  }
0xec: {  	v10 =	vmin.f32 v17, v10;
	vm1 =	vle.f32 v20, v8  }
0xed: {  	(xrf1) =	vsort.ascd.msk.f32 $0xffff, v7, v11;
	v7, v11, _ =	vpop (xrf1);
	v9 =	vsel vm1, v21, v9  }
0xee: {  	v17, v18, _ =	vpop (xrf1);
	(xrf1) =	vsort.dscd.msk.f32 $0xffff, v10, v15  }
0xef: {  	v8 =	vmin.f32 v20, v8;
	v10, v15, _ =	vpop (xrf1)  }
0xf0: {  	vm0 =	vle.f32 v12, v17;
	(xrf1) =	vsort.dscd.msk.f32 $0xffff, v8, v9;
	v8 =	vmin.f32 v12, v17;
	v9, v12, _ =	vpop (xrf1)  }
0xf1: {  	v13 =	vsel vm0, v13, v18;
	vm1 =	vle.f32 v23, v10;
	v10 =	vmin.f32 v23, v10;
	v17, v18, _ =	vpop (xrf1)  }
0xf2: {  	(xrf1) =	vsort.dscd.msk.f32 $0xffff, v8, v13;
	v15 =	vsel vm1, v24, v15;
	vm0 =	vle.f32 v5, v17  }
0xf3: {  	(xrf1) =	vsort.dscd.msk.f32 $0xffff, v10, v15;
	v5 =	vmin.f32 v5, v17;
	v6 =	vsel vm0, v6, v18  }
0xf4: {  	(xrf1) =	vsort.dscd.msk.f32 $0xffff, v5, v6;
	_ =	sdelay $0x2  }
0xf5: {  	v5, v6, _ =	vpop (xrf1)  }
0xf6: {  	v8, v10, _ =	vpop (xrf1);
	vm0 =	vle.f32 v9, v5  }
0xf7: {  	v13, v15, _ =	vpop (xrf1);
	v6 =	vsel vm0, v12, v6  }
0xf8: {  	v5 =	vmin.f32 v9, v5;
	vm0 =	vle.f32 v7, v8;
	v17, v18, _ =	vpop (xrf1)  }
0xf9: {  	v7 =	vmin.f32 v7, v8;
	(xrf1) =	vsort.dscd.msk.f32 $0xffff, v5, v6;
	v5 =	vsel vm0, v11, v10;
	v9, v12, _ =	vpop (xrf1)  }
0xfa: {  	vm0 =	vle.f32 v3, v17;
	(xrf1) =	vsort.dscd.msk.f32 $0xffff, v7, v5;
	v6, v8, _ =	vpop (xrf1)  }
0xfb: {  	v3 =	vmin.f32 v3, v17;
	v4 =	vsel vm0, v4, v18;
	vm0 =	vle.f32 v13, v6  }
0xfc: {  	(xrf1) =	vsort.dscd.msk.f32 $0xffff, v3, v4;
	v4 =	vsel vm0, v15, v8  }
0xfd: {  	v5, v7, _ =	vpop (xrf1);
	v3 =	vmin.f32 v13, v6  }
0xfe: {  	v5, v10, _ =	vpop (xrf1)  }
0xff: {  	v6, v8, _ =	vpop (xrf1)  }
0x100: {  	(xrf1) =	vsort.dscd.msk.f32 $0xffff, v3, v4;
	vm0 =	vle.f32 v9, v5;
	v3, v4, _ =	vpop (xrf1)  }
0x101: {  	v5 =	vmin.f32 v9, v5;
	v6 =	vsel vm0, v12, v10;
	vm0 =	vle.f32 v14, v3  }
0x102: {  	(xrf1) =	vsort.dscd.msk.f32 $0xffff, v5, v6;
	v3 =	vmin.f32 v14, v3;
	v4 =	vsel vm0, v16, v4  }
0x103: {  	(xrf1) =	vsort.dscd.msk.f32 $0xffff, v3, v4;
	_ =	sdelay $0x7  }
0x104: {  	v3, v4, _ =	vpop (xrf1)  }
0x105: {  	v3, v5, _ =	vpop (xrf1)  }
0x106: {  	v3 =	vperm.xlane v7, v2;
	v6, v7, _ =	vpop (xrf1)  }
0x107: {  	v4 =	vperm.xlane v4, v2;
	v6, v9, _ =	vpop (xrf1)  }
0x108: {  	v3 =	vadd.s32 v1, v3;
	v6 =	vperm.xlane v7, v2  }
0x109: {  	[tilespmem:$0x10400] =	vst v3;
	v3 =	vadd.s32 v1, v4;
	v4 =	vperm.xlane v8, v2;
	v7, v10, _ =	vpop (xrf1)  }
0x10a: {  	[tilespmem:$0x10480] =	vst v3;
	v3 =	vadd.s32 v1, v6;
	v6 =	vperm.xlane v9, v2;
	v7, v8, _ =	vpop (xrf1)  }
0x10b: {  	[tilespmem:$0x10500] =	vst v3;
	v3 =	vadd.s32 v1, v4;
	v4 =	vperm.xlane v8, v2  }
0x10c: {  	[tilespmem:$0x10580] =	vst v3;
	v3 =	vadd.s32 v1, v6;
	v6 =	vperm.xlane v10, v2  }
0x10d: {  	[tilespmem:$0x10600] =	vst v3;
	v3 =	vadd.s32 v1, v4;
	v4 =	vperm.xlane v5, v2  }
0x10e: {  	s12 =	simm.s32 $0x0;
	[tilespmem:$0x10680] =	vst v3;
	v3 =	vadd.s32 v1, v6  }
0x10f: {  	s13 =	sand.u32 $0x70, s12;
	s14 =	sand.u32 $0x3C00, s12;
	[tilespmem:$0x10700] =	vst v3;
	v3 =	vadd.s32 v1, v4  }
0x110: {  	s13 =	sor.u32 s13, s14;
	[tilespmem:$0x10780] =	vst v3  }
0x111: {  	v3 =	vld [tilespmem:s13+$0x8280]  }
0x112: {  	v4 =	vld [tilespmem:s13+$0x8180]  }
0x113: {  	v5 =	vld [tilespmem:s13+$0x8000];
	_ =	sdelay $0x1  }
0x114: {  	v6 =	vor.u32 s12, v0  }
0x115: {  	(xrf1) =	vsort.ascd.msk.f32 $0xffff, v3, v6  }
0x116: {  	(xrf1) =	vsort.ascd.msk.f32 $0xffff, v4, v6  }
0x117: {  	v3 =	vld [tilespmem:s13+$0x8100];
	(xrf1) =	vsort.ascd.msk.f32 $0xffff, v5, v6  }
0x118: {  	v4 =	vld [tilespmem:s13+$0x8380]  }
0x119: {  	v5 =	vld [tilespmem:s13+$0x8080];
	_ =	sdelay $0x1  }
0x11a: {  	s23 =	simm.s32 $0x10;
	s24 =	simm.s32 $0x80  }
0x11b: {  	s15 =	sand.u32 $0x70, s23;
	s14 =	sand.u32 $0x3C00, s24;
	(xrf1) =	vsort.ascd.msk.f32 $0xffff, v3, v6  }
0x11c: {  	s14 =	sor.u32 s15, s14;
	(xrf1) =	vsort.ascd.msk.f32 $0xffff, v4, v6  }
0x11d: {  	v3 =	vld [tilespmem:s14+$0x8280];
	(xrf1) =	vsort.ascd.msk.f32 $0xffff, v5, v6  }
0x11e: {  	v4 =	vld [tilespmem:s13+$0x8200]  }
0x11f: {  	v5 =	vld [tilespmem:s14+$0x8180]  }
0x120: {  	v7 =	vld [tilespmem:s14+$0x8000]  }
0x121: {  	v9 =	vor.u32 s23, v0;
	v8 =	vld [tilespmem:s13+$0x8300]  }
0x122: {  	(xrf1) =	vsort.ascd.msk.f32 $0xffff, v3, v9;
	v11, v12, _ =	vpop (xrf1)  }
0x123: {  	v10 =	vld [tilespmem:s14+$0x8100];
	(xrf1) =	vsort.ascd.msk.f32 $0xffff, v4, v6;
	v3, v4, _ =	vpop (xrf1)  }
0x124: {  	(xrf1) =	vsort.ascd.msk.f32 $0xffff, v5, v9;
	v5 =	vimm.f32 $+Inf;
	v13, v14, _ =	vpop (xrf1)  }
0x125: {  	v15 =	vld [tilespmem:s14+$0x8380];
	(xrf1) =	vsort.ascd.msk.f32 $0xffff, v7, v9;
	v7 =	vimm.s32 $0x0;
	vm0 =	vle.f32 v13, v5  }
0x126: {  	(xrf1) =	vsort.ascd.msk.f32 $0xffff, v8, v6;
	v8 =	vsel vm0, v14, v7;
	vm0 =	vle.f32 v3, v5  }
0x127: {  	v4 =	vsel vm0, v4, v7  }
0x128: {  	(xrf1) =	vsort.ascd.msk.f32 $0xffff, v10, v9;
	v6 =	vmin.f32 v13, v5;
	v3 =	vmin.f32 v3, v5  }
0x129: {  	s25 =	simm.s32 $0x20;
	s26 =	simm.s32 $0x100;
	(xrf1) =	vsort.dscd.msk.f32 $0xffff, v6, v8;
	v8, v10, _ =	vpop (xrf1)  }
0x12a: {  	s28 =	sand.u32 $0x70, s25;
	s12 =	sand.u32 $0x3C00, s26;
	v6 =	vld [tilespmem:s14+$0x8080];
	(xrf1) =	vsort.ascd.msk.f32 $0xffff, v15, v9;
	v13, v14, _ =	vpop (xrf1)  }
0x12b: {  	s12 =	sor.u32 s28, s12;
	(xrf1) =	vsort.dscd.msk.f32 $0xffff, v3, v4;
	v3, v4, _ =	vpop (xrf1)  }
0x12c: {  	v15 =	vld [tilespmem:s12+$0x8280];
	vm0 =	vle.f32 v3, v5  }
0x12d: {  	v4 =	vsel vm0, v4, v7  }
0x12e: {  	v16 =	vld [tilespmem:s14+$0x8200];
	v3 =	vmin.f32 v3, v5  }
0x12f: {  	(xrf1) =	vsort.ascd.msk.f32 $0xffff, v6, v9;
	vm0 =	vle.f32 v13, v5  }
0x130: {  	v22 =	vor.u32 s25, v0;
	v6 =	vld [tilespmem:s12+$0x8180];
	(xrf1) =	vsort.dscd.msk.f32 $0xffff, v3, v4;
	v14 =	vsel vm0, v14, v7  }
0x131: {  	v17 =	vld [tilespmem:s12+$0x8000];
	v13 =	vmin.f32 v13, v5;
	vm0 =	vle.f32 v8, v5;
	(xrf1) =	vsort.ascd.msk.f32 $0xffff, v15, v22;
	v3, v4, _ =	vpop (xrf1)  }
0x132: {  	v15 =	vld [tilespmem:s14+$0x8300];
	v10 =	vsel vm0, v10, v7;
	v18, v19, _ =	vpop (xrf1);
	(xrf1) =	vsort.dscd.msk.f32 $0xffff, v13, v14  }
0x133: {  	v8 =	vmin.f32 v8, v5;
	v13 =	vld [tilespmem:s12+$0x8100];
	v14, v20, _ =	vpop (xrf1);
	(xrf1) =	vsort.ascd.msk.f32 $0xffff, v16, v9  }
0x134: {  	v16, v21, _ =	vpop (xrf1);
	(xrf1) =	vsort.dscd.msk.f32 $0xffff, v8, v10  }
0x135: {  	(xrf1) =	vsort.ascd.msk.f32 $0xffff, v6, v22  }
0x136: {  	v8, v10, _ =	vpop (xrf1);
	(xrf1) =	vsort.ascd.msk.f32 $0xffff, v17, v22  }
0x137: {  	vm0 =	vle.f32 v18, v5;
	v23, v24, _ =	vpop (xrf1);
	(xrf1) =	vsort.ascd.msk.f32 $0xffff, v15, v9  }
0x138: {  	(xrf1) =	vsort.ascd.msk.f32 $0xffff, v13, v22;
	v13 =	vsel vm0, v19, v7  }
0x139: {  	v6 =	vld [tilespmem:s12+$0x8380]  }
0x13a: {  	v9 =	vmin.f32 v18, v5;
	v15, v17, _ =	vpop (xrf1)  }
0x13b: {  	vm1 =	vle.f32 v16, v15;
	v19, v25, _ =	vpop (xrf1);
	v15 =	vmin.f32 v16, v15;
	vm0 =	vle.f32 v8, v5  }
0x13c: {  	v16 =	vsel vm1, v21, v17;
	(xrf1) =	vsort.dscd.msk.f32 $0xffff, v9, v13;
	v9 =	vmin.f32 v8, v5;
	v8, v13, _ =	vpop (xrf1)  }
0x13d: {  	(xrf1) =	vsort.dscd.msk.f32 $0xffff, v15, v16;
	vm1 =	vle.f32 v14, v8  }
0x13e: {  	(xrf1) =	vsort.ascd.msk.f32 $0xffff, v6, v22;
	v6 =	vsel vm0, v10, v7;
	v10 =	vsel vm1, v20, v13  }
0x13f: {  	v8 =	vmin.f32 v14, v8  }
0x140: {  	s29 =	simm.s32 $0x30;
	s30 =	simm.s32 $0x180;
	v18 =	vld [tilespmem:s12+$0x8080]  }
0x141: {  	s31 =	sand.u32 $0x70, s29;
	s14 =	sand.u32 $0x3C00, s30;
	(xrf1) =	vsort.dscd.msk.f32 $0xffff, v9, v6;
	v13, v14, _ =	vpop (xrf1)  }
0x142: {  	s14 =	sor.u32 s31, s14;
	vm0 =	vle.f32 v11, v5;
	(xrf1) =	vsort.dscd.msk.f32 $0xffff, v8, v10;
	v8, v10, _ =	vpop (xrf1)  }
0x143: {  	v9 =	vld [tilespmem:s14+$0x8280];
	v7 =	vsel vm0, v12, v7;
	vm1 =	vle.f32 v13, v8  }
0x144: {  	v10 =	vsel vm1, v14, v10  }
0x145: {  	v11 =	vmin.f32 v11, v5;
	(xrf1) =	vsort.ascd.msk.f32 $0xffff, v18, v22;
	v5, v6, _ =	vpop (xrf1)  }
0x146: {  	(xrf1) =	vsort.dscd.msk.f32 $0xffff, v11, v7;
	v8 =	vmin.f32 v13, v8;
	v7, v12, _ =	vpop (xrf1)  }
0x147: {  	v11 =	vor.u32 s29, v0;
	(xrf1) =	vsort.dscd.msk.f32 $0xffff, v8, v10;
	v26, v16, _ =	vpop (xrf1)  }
0x148: {  	v15 =	vld [tilespmem:s12+$0x8200];
	vm0 =	vle.f32 v19, v7;
	(xrf1) =	vsort.ascd.msk.f32 $0xffff, v9, v11;
	v9, v10, _ =	vpop (xrf1)  }
0x149: {  	v7 =	vmin.f32 v19, v7;
	v8 =	vsel vm0, v25, v12;
	vm0 =	vle.f32 v23, v9  }
0x14a: {  	v21 =	vld [tilespmem:s14+$0x8180];
	(xrf1) =	vsort.dscd.msk.f32 $0xffff, v7, v8;
	v8 =	vmin.f32 v23, v9;
	v9 =	vsel vm0, v24, v10  }
0x14b: {  	v27 =	vld [tilespmem:s14+$0x8000];
	v14, v13, _ =	vpop (xrf1)  }
0x14c: {  	v25 =	vld [tilespmem:s12+$0x8300];
	v20, v18, _ =	vpop (xrf1)  }
0x14d: {  	v12 =	vld [tilespmem:s14+$0x8080];
	(xrf1) =	vsort.ascd.msk.f32 $0xffff, v15, v22;
	v19, v17, _ =	vpop (xrf1)  }
0x14e: {  	v15 =	vld [tilespmem:s14+$0x8100];
	(xrf1) =	vsort.dscd.msk.f32 $0xffff, v8, v9;
	v10, v9, _ =	vpop (xrf1)  }
0x14f: {  	v7 =	vld [tilespmem:s14+$0x8300];
	(xrf1) =	vsort.ascd.msk.f32 $0xffff, v21, v11;
	v24, v23, _ =	vpop (xrf1)  }
0x150: {  	v8 =	vld [tilespmem:s14+$0x8200];
	(xrf1) =	vsort.ascd.msk.f32 $0xffff, v27, v11  }
0x151: {  	s15 =	simm.s32 $0x40;
	s12 =	simm.s32 $0x200;
	v21 =	vld [tilespmem:s14+$0x8380];
	(xrf1) =	vsort.ascd.msk.f32 $0xffff, v25, v22;
	v22 =	vmin.f32 v26, v24;
	vm0 =	vle.f32 v26, v24;
	v25, v24, _ =	vpop (xrf1)  }
.LBB2_7:
0x152: {  	s14 =	sand.u32 $0x70, s15  }
0x153: {  	s16 =	sand.u32 $0x3C00, s12;
	(xrf1) =	vsort.ascd.msk.f32 $0xffff, v15, v11;
	vm1 =	vle.f32 v20, v25;
	v26, v27, _ =	vpop (xrf1);
	v23 =	vsel vm0, v16, v23;
	v28 =	vmov v11;
	s17 =	smov.u32 s15;
	s13 =	sadd.s32 $0x10, s15  }
0x154: {  	p0 =	sne.s32 s15, $0x7F0;
	v11 =	vmin.f32 v20, v25;
	s14 =	sor.u32 s14, s16;
	v20 =	vsel vm1, v18, v24;
	(xrf1) =	vsort.dscd.msk.f32 $0xffff, v22, v23;
	v15, v18, _ =	vpop (xrf1)  }
0x155: {  	v29 =	vld [tilespmem:s14+$0x8300];
	(xrf1) =	vsort.dscd.msk.f32 $0xffff, v11, v20;
	v11 =	vmin.f32 v19, v15;
	vm0 =	vle.f32 v19, v15;
	v16, v19, _ =	vpop (xrf1)  }
0x156: {  	v20 =	vld [tilespmem:s14+$0x8280];
	(xrf1) =	vsort.ascd.msk.f32 $0xffff, v21, v28;
	vm1 =	vle.f32 v14, v16;
	v21, v22, _ =	vpop (xrf1);
	v17 =	vsel vm0, v17, v18  }
0x157: {  	v25 =	vmin.f32 v14, v16;
	v15 =	vld [tilespmem:s14+$0x8100];
	v16 =	vsel vm1, v13, v19;
	(xrf1) =	vsort.dscd.msk.f32 $0xffff, v11, v17  }
0x158: {  	v23 =	vld [tilespmem:s14+$0x8180];
	(xrf1) =	vsort.dscd.msk.f32 $0xffff, v25, v16;
	v11, v13, _ =	vpop (xrf1)  }
0x159: {  	v17 =	vld [tilespmem:s14+$0x8200];
	(xrf1) =	vsort.ascd.msk.f32 $0xffff, v12, v28;
	v19 =	vmin.f32 v3, v11;
	vm0 =	vle.f32 v3, v11;
	v11, v14, _ =	vpop (xrf1);
	v3 =	vmov v5  }
0x15a: {  	v24 =	vld [tilespmem:s14+$0x8000];
	v5, v18, _ =	vpop (xrf1);
	v30 =	vmin.f32 v21, v11;
	vm1 =	vle.f32 v21, v11;
	v21 =	vsel vm0, v4, v13  }
0x15b: {  	v11 =	vor.u32 s17, v0;
	v4 =	vmov v6;
	v31 =	vsel vm1, v22, v14;
	(xrf1) =	vsort.dscd.msk.f32 $0xffff, v19, v21;
	v12, v14, _ =	vpop (xrf1)  }
0x15c: {  	v6 =	vmov v18;
	v19 =	vmin.f32 v26, v12;
	vm0 =	vle.f32 v26, v12;
	(xrf1) =	vsort.dscd.msk.f32 $0xffff, v30, v31;
	v25, v16, _ =	vpop (xrf1)  }
0x15d: {  	v12 =	vld [tilespmem:s14+$0x8080];
	(xrf1) =	vsort.ascd.msk.f32 $0xffff, v20, v11;
	v26 =	vsel vm0, v27, v14;
	v21, v22, _ =	vpop (xrf1)  }
0x15e: {  	v14, v13, _ =	vpop (xrf1);
	vm0 =	vle.f32 v10, v21;
	(xrf1) =	vsort.dscd.msk.f32 $0xffff, v19, v26  }
.Ltmp2:
0x15f: {  	v26 =	vmin.f32 v10, v21;
	v20, v18, _ =	vpop (xrf1);
	(xrf1) =	vsort.ascd.msk.f32 $0xffff, v8, v28;
	v21 =	vsel vm0, v9, v22;
	v8 =	vmov v17;
	(pc) =	sbr.rel @p0 .LBB2_7-.Ltmp2, $4  }
0x160: {  	(xrf1) =	vsort.dscd.msk.f32 $0xffff, v26, v21;
	v19, v17, _ =	vpop (xrf1)  }
0x161: {  	(xrf1) =	vsort.ascd.msk.f32 $0xffff, v23, v11;
	v10, v9, _ =	vpop (xrf1)  }
0x162: {  	v21 =	vld [tilespmem:s14+$0x8380];
	(xrf1) =	vsort.ascd.msk.f32 $0xffff, v24, v11;
	v26, v23, _ =	vpop (xrf1)  }
0x163: {  	s12 =	sadd.s32 $0x80, s12;
	s15 =	smov.u32 s13;
	(xrf1) =	vsort.ascd.msk.f32 $0xffff, v7, v28;
	v22 =	vmin.f32 v25, v26;
	vm0 =	vle.f32 v25, v26;
	v25, v24, _ =	vpop (xrf1);
	v7 =	vmov v29  }
0x164: {  	v16 =	vsel vm0, v16, v23;
	_ =	sdelay $0x1  }
0x165: {  	(xrf1) =	vsort.ascd.msk.f32 $0xffff, v15, v11;
	v15, v26, _ =	vpop (xrf1)  }
0x166: {  	(xrf1) =	vsort.dscd.msk.f32 $0xffff, v22, v16;
	v16, v22, _ =	vpop (xrf1)  }
0x167: {  	vm0 =	vle.f32 v19, v16  }
0x168: {  	vm1 =	vle.f32 v20, v25;
	v20 =	vmin.f32 v20, v25;
	v17 =	vsel vm0, v17, v22  }
0x169: {  	v18 =	vsel vm1, v18, v24  }
0x16a: {  	(xrf1) =	vsort.dscd.msk.f32 $0xffff, v20, v18;
	v18 =	vmin.f32 v19, v16;
	v16, v19, _ =	vpop (xrf1)  }
0x16b: {  	(xrf1) =	vsort.ascd.msk.f32 $0xffff, v21, v11;
	vm1 =	vle.f32 v14, v16;
	v20, v21, _ =	vpop (xrf1)  }
0x16c: {  	v14 =	vmin.f32 v14, v16;
	v13 =	vsel vm1, v13, v19;
	(xrf1) =	vsort.dscd.msk.f32 $0xffff, v18, v17;
	v16, v17, _ =	vpop (xrf1)  }
0x16d: {  	vm0 =	vle.f32 v3, v16  }
0x16e: {  	v4 =	vsel vm0, v4, v17  }
0x16f: {  	(xrf1) =	vsort.dscd.msk.f32 $0xffff, v14, v13;
	v3 =	vmin.f32 v3, v16  }
0x170: {  	(xrf1) =	vsort.ascd.msk.f32 $0xffff, v12, v11;
	v12, v13, _ =	vpop (xrf1)  }
0x171: {  	v14, v16, _ =	vpop (xrf1)  }
0x172: {  	vm0 =	vle.f32 v20, v12;
	(xrf1) =	vsort.dscd.msk.f32 $0xffff, v3, v4;
	v3, v4, _ =	vpop (xrf1)  }
0x173: {  	v13 =	vsel vm0, v21, v13;
	v17, v18, _ =	vpop (xrf1);
	vm0 =	vle.f32 v15, v3  }
0x174: {  	v12 =	vmin.f32 v20, v12;
	v19, v22, _ =	vpop (xrf1);
	v4 =	vsel vm0, v26, v4  }
0x175: {  	v3 =	vmin.f32 v15, v3;
	v23, v24, _ =	vpop (xrf1)  }
0x176: {  	(xrf1) =	vsort.dscd.msk.f32 $0xffff, v12, v13;
	vm0 =	vle.f32 v10, v19;
	v20, v21, _ =	vpop (xrf1)  }
0x177: {  	(xrf1) =	vsort.dscd.msk.f32 $0xffff, v3, v4;
	v9 =	vsel vm0, v9, v22;
	v12, v13, _ =	vpop (xrf1)  }
0x178: {  	(xrf1) =	vsort.ascd.msk.f32 $0xffff, v8, v11;
	v8 =	vmin.f32 v10, v19;
	v3, v4, _ =	vpop (xrf1)  }
0x179: {  	v10, v15, _ =	vpop (xrf1)  }
0x17a: {  	vm0 =	vle.f32 v17, v10  }
0x17b: {  	(xrf1) =	vsort.dscd.msk.f32 $0xffff, v8, v9;
	v8, v9, _ =	vpop (xrf1);
	v15 =	vsel vm0, v18, v15  }
0x17c: {  	v10 =	vmin.f32 v17, v10;
	vm1 =	vle.f32 v20, v8  }
0x17d: {  	(xrf1) =	vsort.ascd.msk.f32 $0xffff, v7, v11;
	v7, v11, _ =	vpop (xrf1);
	v9 =	vsel vm1, v21, v9  }
0x17e: {  	v17, v18, _ =	vpop (xrf1);
	(xrf1) =	vsort.dscd.msk.f32 $0xffff, v10, v15  }
0x17f: {  	v8 =	vmin.f32 v20, v8;
	v10, v15, _ =	vpop (xrf1)  }
0x180: {  	vm0 =	vle.f32 v12, v17;
	(xrf1) =	vsort.dscd.msk.f32 $0xffff, v8, v9;
	v8 =	vmin.f32 v12, v17;
	v9, v12, _ =	vpop (xrf1)  }
0x181: {  	v13 =	vsel vm0, v13, v18;
	vm1 =	vle.f32 v23, v10;
	v10 =	vmin.f32 v23, v10;
	v17, v18, _ =	vpop (xrf1)  }
0x182: {  	(xrf1) =	vsort.dscd.msk.f32 $0xffff, v8, v13;
	v15 =	vsel vm1, v24, v15;
	vm0 =	vle.f32 v5, v17  }
0x183: {  	(xrf1) =	vsort.dscd.msk.f32 $0xffff, v10, v15;
	v5 =	vmin.f32 v5, v17;
	v6 =	vsel vm0, v6, v18  }
0x184: {  	(xrf1) =	vsort.dscd.msk.f32 $0xffff, v5, v6;
	_ =	sdelay $0x2  }
0x185: {  	v5, v6, _ =	vpop (xrf1)  }
0x186: {  	v8, v10, _ =	vpop (xrf1);
	vm0 =	vle.f32 v9, v5  }
0x187: {  	v13, v15, _ =	vpop (xrf1);
	v6 =	vsel vm0, v12, v6  }
0x188: {  	v5 =	vmin.f32 v9, v5;
	vm0 =	vle.f32 v7, v8;
	v17, v18, _ =	vpop (xrf1)  }
0x189: {  	v7 =	vmin.f32 v7, v8;
	(xrf1) =	vsort.dscd.msk.f32 $0xffff, v5, v6;
	v5 =	vsel vm0, v11, v10;
	v9, v12, _ =	vpop (xrf1)  }
0x18a: {  	vm0 =	vle.f32 v3, v17;
	(xrf1) =	vsort.dscd.msk.f32 $0xffff, v7, v5;
	v6, v8, _ =	vpop (xrf1)  }
0x18b: {  	v3 =	vmin.f32 v3, v17;
	v4 =	vsel vm0, v4, v18;
	vm0 =	vle.f32 v13, v6  }
0x18c: {  	(xrf1) =	vsort.dscd.msk.f32 $0xffff, v3, v4;
	v4 =	vsel vm0, v15, v8  }
0x18d: {  	v5, v7, _ =	vpop (xrf1);
	v3 =	vmin.f32 v13, v6  }
0x18e: {  	v5, v10, _ =	vpop (xrf1)  }
0x18f: {  	v6, v8, _ =	vpop (xrf1)  }
0x190: {  	(xrf1) =	vsort.dscd.msk.f32 $0xffff, v3, v4;
	vm0 =	vle.f32 v9, v5;
	v3, v4, _ =	vpop (xrf1)  }
0x191: {  	v5 =	vmin.f32 v9, v5;
	v6 =	vsel vm0, v12, v10;
	vm0 =	vle.f32 v14, v3  }
0x192: {  	(xrf1) =	vsort.dscd.msk.f32 $0xffff, v5, v6;
	v3 =	vmin.f32 v14, v3;
	v4 =	vsel vm0, v16, v4  }
0x193: {  	(xrf1) =	vsort.dscd.msk.f32 $0xffff, v3, v4;
	_ =	sdelay $0x7  }
0x194: {  	v3, v4, _ =	vpop (xrf1)  }
0x195: {  	v3, v5, _ =	vpop (xrf1)  }
0x196: {  	v3 =	vperm.xlane v7, v2;
	v6, v7, _ =	vpop (xrf1)  }
0x197: {  	v4 =	vperm.xlane v4, v2;
	v6, v9, _ =	vpop (xrf1)  }
0x198: {  	v3 =	vadd.s32 v1, v3;
	v6 =	vperm.xlane v7, v2  }
0x199: {  	[tilespmem:$0x10800] =	vst v3;
	v3 =	vadd.s32 v1, v4;
	v4 =	vperm.xlane v8, v2;
	v7, v10, _ =	vpop (xrf1)  }
0x19a: {  	[tilespmem:$0x10880] =	vst v3;
	v3 =	vadd.s32 v1, v6;
	v6 =	vperm.xlane v9, v2;
	v7, v8, _ =	vpop (xrf1)  }
0x19b: {  	[tilespmem:$0x10900] =	vst v3;
	v3 =	vadd.s32 v1, v4;
	v4 =	vperm.xlane v8, v2  }
0x19c: {  	[tilespmem:$0x10980] =	vst v3;
	v3 =	vadd.s32 v1, v6;
	v6 =	vperm.xlane v10, v2  }
0x19d: {  	[tilespmem:$0x10A00] =	vst v3;
	v3 =	vadd.s32 v1, v4;
	v4 =	vperm.xlane v5, v2  }
0x19e: {  	s12 =	simm.s32 $0x0;
	[tilespmem:$0x10A80] =	vst v3;
	v3 =	vadd.s32 v1, v6  }
0x19f: {  	s13 =	sand.u32 $0x70, s12;
	s14 =	sand.u32 $0x3C00, s12;
	[tilespmem:$0x10B00] =	vst v3;
	v3 =	vadd.s32 v1, v4  }
0x1a0: {  	s13 =	sor.u32 s13, s14;
	[tilespmem:$0x10B80] =	vst v3  }
0x1a1: {  	v3 =	vld [tilespmem:s13+$0xC280]  }
0x1a2: {  	v4 =	vld [tilespmem:s13+$0xC180]  }
0x1a3: {  	v5 =	vld [tilespmem:s13+$0xC000];
	_ =	sdelay $0x1  }
0x1a4: {  	v6 =	vor.u32 s12, v0  }
0x1a5: {  	(xrf1) =	vsort.ascd.msk.f32 $0xffff, v3, v6  }
0x1a6: {  	(xrf1) =	vsort.ascd.msk.f32 $0xffff, v4, v6  }
0x1a7: {  	v3 =	vld [tilespmem:s13+$0xC100];
	(xrf1) =	vsort.ascd.msk.f32 $0xffff, v5, v6  }
0x1a8: {  	v4 =	vld [tilespmem:s13+$0xC380]  }
0x1a9: {  	v5 =	vld [tilespmem:s13+$0xC080];
	_ =	sdelay $0x1  }
0x1aa: {  	s23 =	simm.s32 $0x10;
	s24 =	simm.s32 $0x80  }
0x1ab: {  	s15 =	sand.u32 $0x70, s23;
	s14 =	sand.u32 $0x3C00, s24;
	(xrf1) =	vsort.ascd.msk.f32 $0xffff, v3, v6  }
0x1ac: {  	s14 =	sor.u32 s15, s14;
	(xrf1) =	vsort.ascd.msk.f32 $0xffff, v4, v6  }
0x1ad: {  	v3 =	vld [tilespmem:s14+$0xC280];
	(xrf1) =	vsort.ascd.msk.f32 $0xffff, v5, v6  }
0x1ae: {  	v4 =	vld [tilespmem:s13+$0xC200]  }
0x1af: {  	v5 =	vld [tilespmem:s14+$0xC180]  }
0x1b0: {  	v7 =	vld [tilespmem:s14+$0xC000]  }
0x1b1: {  	v9 =	vor.u32 s23, v0;
	v8 =	vld [tilespmem:s13+$0xC300]  }
0x1b2: {  	(xrf1) =	vsort.ascd.msk.f32 $0xffff, v3, v9;
	v11, v12, _ =	vpop (xrf1)  }
0x1b3: {  	v10 =	vld [tilespmem:s14+$0xC100];
	(xrf1) =	vsort.ascd.msk.f32 $0xffff, v4, v6;
	v3, v4, _ =	vpop (xrf1)  }
0x1b4: {  	(xrf1) =	vsort.ascd.msk.f32 $0xffff, v5, v9;
	v5 =	vimm.f32 $+Inf;
	v13, v14, _ =	vpop (xrf1)  }
0x1b5: {  	v15 =	vld [tilespmem:s14+$0xC380];
	(xrf1) =	vsort.ascd.msk.f32 $0xffff, v7, v9;
	v7 =	vimm.s32 $0x0;
	vm0 =	vle.f32 v13, v5  }
0x1b6: {  	(xrf1) =	vsort.ascd.msk.f32 $0xffff, v8, v6;
	v8 =	vsel vm0, v14, v7;
	vm0 =	vle.f32 v3, v5  }
0x1b7: {  	v4 =	vsel vm0, v4, v7  }
0x1b8: {  	(xrf1) =	vsort.ascd.msk.f32 $0xffff, v10, v9;
	v6 =	vmin.f32 v13, v5;
	v3 =	vmin.f32 v3, v5  }
0x1b9: {  	s25 =	simm.s32 $0x20;
	s26 =	simm.s32 $0x100;
	(xrf1) =	vsort.dscd.msk.f32 $0xffff, v6, v8;
	v8, v10, _ =	vpop (xrf1)  }
0x1ba: {  	s28 =	sand.u32 $0x70, s25;
	s12 =	sand.u32 $0x3C00, s26;
	v6 =	vld [tilespmem:s14+$0xC080];
	(xrf1) =	vsort.ascd.msk.f32 $0xffff, v15, v9;
	v13, v14, _ =	vpop (xrf1)  }
0x1bb: {  	s12 =	sor.u32 s28, s12;
	(xrf1) =	vsort.dscd.msk.f32 $0xffff, v3, v4;
	v3, v4, _ =	vpop (xrf1)  }
0x1bc: {  	v15 =	vld [tilespmem:s12+$0xC280];
	vm0 =	vle.f32 v3, v5  }
0x1bd: {  	v4 =	vsel vm0, v4, v7  }
0x1be: {  	v16 =	vld [tilespmem:s14+$0xC200];
	v3 =	vmin.f32 v3, v5  }
0x1bf: {  	(xrf1) =	vsort.ascd.msk.f32 $0xffff, v6, v9;
	vm0 =	vle.f32 v13, v5  }
0x1c0: {  	v22 =	vor.u32 s25, v0;
	v6 =	vld [tilespmem:s12+$0xC180];
	(xrf1) =	vsort.dscd.msk.f32 $0xffff, v3, v4;
	v14 =	vsel vm0, v14, v7  }
0x1c1: {  	v17 =	vld [tilespmem:s12+$0xC000];
	v13 =	vmin.f32 v13, v5;
	vm0 =	vle.f32 v8, v5;
	(xrf1) =	vsort.ascd.msk.f32 $0xffff, v15, v22;
	v3, v4, _ =	vpop (xrf1)  }
0x1c2: {  	v15 =	vld [tilespmem:s14+$0xC300];
	v10 =	vsel vm0, v10, v7;
	v18, v19, _ =	vpop (xrf1);
	(xrf1) =	vsort.dscd.msk.f32 $0xffff, v13, v14  }
0x1c3: {  	v8 =	vmin.f32 v8, v5;
	v13 =	vld [tilespmem:s12+$0xC100];
	v14, v20, _ =	vpop (xrf1);
	(xrf1) =	vsort.ascd.msk.f32 $0xffff, v16, v9  }
0x1c4: {  	v16, v21, _ =	vpop (xrf1);
	(xrf1) =	vsort.dscd.msk.f32 $0xffff, v8, v10  }
0x1c5: {  	(xrf1) =	vsort.ascd.msk.f32 $0xffff, v6, v22  }
0x1c6: {  	v8, v10, _ =	vpop (xrf1);
	(xrf1) =	vsort.ascd.msk.f32 $0xffff, v17, v22  }
0x1c7: {  	vm0 =	vle.f32 v18, v5;
	v23, v24, _ =	vpop (xrf1);
	(xrf1) =	vsort.ascd.msk.f32 $0xffff, v15, v9  }
0x1c8: {  	(xrf1) =	vsort.ascd.msk.f32 $0xffff, v13, v22;
	v13 =	vsel vm0, v19, v7  }
0x1c9: {  	v6 =	vld [tilespmem:s12+$0xC380]  }
0x1ca: {  	v9 =	vmin.f32 v18, v5;
	v15, v17, _ =	vpop (xrf1)  }
0x1cb: {  	vm1 =	vle.f32 v16, v15;
	v19, v25, _ =	vpop (xrf1);
	v15 =	vmin.f32 v16, v15;
	vm0 =	vle.f32 v8, v5  }
0x1cc: {  	v16 =	vsel vm1, v21, v17;
	(xrf1) =	vsort.dscd.msk.f32 $0xffff, v9, v13;
	v9 =	vmin.f32 v8, v5;
	v8, v13, _ =	vpop (xrf1)  }
0x1cd: {  	(xrf1) =	vsort.dscd.msk.f32 $0xffff, v15, v16;
	vm1 =	vle.f32 v14, v8  }
0x1ce: {  	(xrf1) =	vsort.ascd.msk.f32 $0xffff, v6, v22;
	v6 =	vsel vm0, v10, v7;
	v10 =	vsel vm1, v20, v13  }
0x1cf: {  	v8 =	vmin.f32 v14, v8  }
0x1d0: {  	s29 =	simm.s32 $0x30;
	s30 =	simm.s32 $0x180;
	v18 =	vld [tilespmem:s12+$0xC080]  }
0x1d1: {  	s31 =	sand.u32 $0x70, s29;
	s14 =	sand.u32 $0x3C00, s30;
	(xrf1) =	vsort.dscd.msk.f32 $0xffff, v9, v6;
	v13, v14, _ =	vpop (xrf1)  }
0x1d2: {  	s14 =	sor.u32 s31, s14;
	vm0 =	vle.f32 v11, v5;
	(xrf1) =	vsort.dscd.msk.f32 $0xffff, v8, v10;
	v8, v10, _ =	vpop (xrf1)  }
0x1d3: {  	v9 =	vld [tilespmem:s14+$0xC280];
	v7 =	vsel vm0, v12, v7;
	vm1 =	vle.f32 v13, v8  }
0x1d4: {  	v10 =	vsel vm1, v14, v10  }
0x1d5: {  	v11 =	vmin.f32 v11, v5;
	(xrf1) =	vsort.ascd.msk.f32 $0xffff, v18, v22;
	v5, v6, _ =	vpop (xrf1)  }
0x1d6: {  	(xrf1) =	vsort.dscd.msk.f32 $0xffff, v11, v7;
	v8 =	vmin.f32 v13, v8;
	v7, v12, _ =	vpop (xrf1)  }
0x1d7: {  	v11 =	vor.u32 s29, v0;
	(xrf1) =	vsort.dscd.msk.f32 $0xffff, v8, v10;
	v26, v16, _ =	vpop (xrf1)  }
0x1d8: {  	v15 =	vld [tilespmem:s12+$0xC200];
	vm0 =	vle.f32 v19, v7;
	(xrf1) =	vsort.ascd.msk.f32 $0xffff, v9, v11;
	v9, v10, _ =	vpop (xrf1)  }
0x1d9: {  	v7 =	vmin.f32 v19, v7;
	v8 =	vsel vm0, v25, v12;
	vm0 =	vle.f32 v23, v9  }
0x1da: {  	v21 =	vld [tilespmem:s14+$0xC180];
	(xrf1) =	vsort.dscd.msk.f32 $0xffff, v7, v8;
	v8 =	vmin.f32 v23, v9;
	v9 =	vsel vm0, v24, v10  }
0x1db: {  	v27 =	vld [tilespmem:s14+$0xC000];
	v14, v13, _ =	vpop (xrf1)  }
0x1dc: {  	v25 =	vld [tilespmem:s12+$0xC300];
	v20, v18, _ =	vpop (xrf1)  }
0x1dd: {  	v12 =	vld [tilespmem:s14+$0xC080];
	(xrf1) =	vsort.ascd.msk.f32 $0xffff, v15, v22;
	v19, v17, _ =	vpop (xrf1)  }
0x1de: {  	v15 =	vld [tilespmem:s14+$0xC100];
	(xrf1) =	vsort.dscd.msk.f32 $0xffff, v8, v9;
	v10, v9, _ =	vpop (xrf1)  }
0x1df: {  	v7 =	vld [tilespmem:s14+$0xC300];
	(xrf1) =	vsort.ascd.msk.f32 $0xffff, v21, v11;
	v24, v23, _ =	vpop (xrf1)  }
0x1e0: {  	v8 =	vld [tilespmem:s14+$0xC200];
	(xrf1) =	vsort.ascd.msk.f32 $0xffff, v27, v11  }
0x1e1: {  	s15 =	simm.s32 $0x40;
	s12 =	simm.s32 $0x200;
	v21 =	vld [tilespmem:s14+$0xC380];
	(xrf1) =	vsort.ascd.msk.f32 $0xffff, v25, v22;
	v22 =	vmin.f32 v26, v24;
	vm0 =	vle.f32 v26, v24;
	v25, v24, _ =	vpop (xrf1)  }
.LBB2_9:
0x1e2: {  	s14 =	sand.u32 $0x70, s15  }
0x1e3: {  	s16 =	sand.u32 $0x3C00, s12;
	(xrf1) =	vsort.ascd.msk.f32 $0xffff, v15, v11;
	vm1 =	vle.f32 v20, v25;
	v26, v27, _ =	vpop (xrf1);
	v23 =	vsel vm0, v16, v23;
	v28 =	vmov v11;
	s17 =	smov.u32 s15;
	s13 =	sadd.s32 $0x10, s15  }
0x1e4: {  	p0 =	sne.s32 s15, $0x7F0;
	v11 =	vmin.f32 v20, v25;
	s14 =	sor.u32 s14, s16;
	v20 =	vsel vm1, v18, v24;
	(xrf1) =	vsort.dscd.msk.f32 $0xffff, v22, v23;
	v15, v18, _ =	vpop (xrf1)  }
0x1e5: {  	v29 =	vld [tilespmem:s14+$0xC300];
	(xrf1) =	vsort.dscd.msk.f32 $0xffff, v11, v20;
	v11 =	vmin.f32 v19, v15;
	vm0 =	vle.f32 v19, v15;
	v16, v19, _ =	vpop (xrf1)  }
0x1e6: {  	v20 =	vld [tilespmem:s14+$0xC280];
	(xrf1) =	vsort.ascd.msk.f32 $0xffff, v21, v28;
	vm1 =	vle.f32 v14, v16;
	v21, v22, _ =	vpop (xrf1);
	v17 =	vsel vm0, v17, v18  }
0x1e7: {  	v25 =	vmin.f32 v14, v16;
	v15 =	vld [tilespmem:s14+$0xC100];
	v16 =	vsel vm1, v13, v19;
	(xrf1) =	vsort.dscd.msk.f32 $0xffff, v11, v17  }
0x1e8: {  	v23 =	vld [tilespmem:s14+$0xC180];
	(xrf1) =	vsort.dscd.msk.f32 $0xffff, v25, v16;
	v11, v13, _ =	vpop (xrf1)  }
0x1e9: {  	v17 =	vld [tilespmem:s14+$0xC200];
	(xrf1) =	vsort.ascd.msk.f32 $0xffff, v12, v28;
	v19 =	vmin.f32 v3, v11;
	vm0 =	vle.f32 v3, v11;
	v11, v14, _ =	vpop (xrf1);
	v3 =	vmov v5  }
0x1ea: {  	v24 =	vld [tilespmem:s14+$0xC000];
	v5, v18, _ =	vpop (xrf1);
	v30 =	vmin.f32 v21, v11;
	vm1 =	vle.f32 v21, v11;
	v21 =	vsel vm0, v4, v13  }
0x1eb: {  	v11 =	vor.u32 s17, v0;
	v4 =	vmov v6;
	v31 =	vsel vm1, v22, v14;
	(xrf1) =	vsort.dscd.msk.f32 $0xffff, v19, v21;
	v12, v14, _ =	vpop (xrf1)  }
0x1ec: {  	v6 =	vmov v18;
	v19 =	vmin.f32 v26, v12;
	vm0 =	vle.f32 v26, v12;
	(xrf1) =	vsort.dscd.msk.f32 $0xffff, v30, v31;
	v25, v16, _ =	vpop (xrf1)  }
0x1ed: {  	v12 =	vld [tilespmem:s14+$0xC080];
	(xrf1) =	vsort.ascd.msk.f32 $0xffff, v20, v11;
	v26 =	vsel vm0, v27, v14;
	v21, v22, _ =	vpop (xrf1)  }
0x1ee: {  	v14, v13, _ =	vpop (xrf1);
	vm0 =	vle.f32 v10, v21;
	(xrf1) =	vsort.dscd.msk.f32 $0xffff, v19, v26  }
.Ltmp3:
0x1ef: {  	v26 =	vmin.f32 v10, v21;
	v20, v18, _ =	vpop (xrf1);
	(xrf1) =	vsort.ascd.msk.f32 $0xffff, v8, v28;
	v21 =	vsel vm0, v9, v22;
	v8 =	vmov v17;
	(pc) =	sbr.rel @p0 .LBB2_9-.Ltmp3, $4  }
0x1f0: {  	(xrf1) =	vsort.dscd.msk.f32 $0xffff, v26, v21;
	v19, v17, _ =	vpop (xrf1)  }
0x1f1: {  	(xrf1) =	vsort.ascd.msk.f32 $0xffff, v23, v11;
	v10, v9, _ =	vpop (xrf1)  }
0x1f2: {  	v21 =	vld [tilespmem:s14+$0xC380];
	(xrf1) =	vsort.ascd.msk.f32 $0xffff, v24, v11;
	v26, v23, _ =	vpop (xrf1)  }
0x1f3: {  	s12 =	sadd.s32 $0x80, s12;
	s15 =	smov.u32 s13;
	(xrf1) =	vsort.ascd.msk.f32 $0xffff, v7, v28;
	v22 =	vmin.f32 v25, v26;
	vm0 =	vle.f32 v25, v26;
	v25, v24, _ =	vpop (xrf1);
	v7 =	vmov v29  }
0x1f4: {  	v16 =	vsel vm0, v16, v23;
	_ =	sdelay $0x1  }
0x1f5: {  	(xrf1) =	vsort.ascd.msk.f32 $0xffff, v15, v11;
	v44, v26, _ =	vpop (xrf1)  }
0x1f6: {  	(xrf1) =	vsort.dscd.msk.f32 $0xffff, v22, v16;
	v16, v22, _ =	vpop (xrf1)  }
0x1f7: {  	vm1 =	vle.f32 v20, v25;
	v46 =	vmin.f32 v19, v16;
	vm11 =	vle.f32 v19, v16;
	v16, v19, _ =	vpop (xrf1)  }
0x1f8: {  	v45 =	vmin.f32 v20, v25;
	v18 =	vsel vm1, v18, v24;
	v47, v48, _ =	vpop (xrf1)  }
0x1f9: {  	(xrf1) =	vsort.dscd.msk.f32 $0xffff, v45, v18;
	v50, v51, _ =	vpop (xrf1)  }
0x1fa: {  	(xrf1) =	vsort.ascd.msk.f32 $0xffff, v21, v11;
	vm12 =	vle.f32 v14, v16;
	vm13 =	vle.f32 v3, v50  }
0x1fb: {  	v17 =	vsel vm11, v17, v22;
	v49 =	vmin.f32 v14, v16;
	v4 =	vsel vm13, v4, v51  }
0x1fc: {  	v13 =	vsel vm12, v13, v19;
	(xrf1) =	vsort.dscd.msk.f32 $0xffff, v46, v17;
	v3 =	vmin.f32 v3, v50  }
0x1fd: {  	(xrf1) =	vsort.dscd.msk.f32 $0xffff, v49, v13;
	v53, v52, _ =	vpop (xrf1)  }
0x1fe: {  	(xrf1) =	vsort.ascd.msk.f32 $0xffff, v12, v11;
	v54, v55, _ =	vpop (xrf1)  }
0x1ff: {  	vm14 =	vle.f32 v47, v53;
	(xrf1) =	vsort.dscd.msk.f32 $0xffff, v3, v4;
	v3, v4, _ =	vpop (xrf1)  }
0x200: {  	v13 =	vsel vm14, v48, v52;
	v57, v56, _ =	vpop (xrf1);
	vm15 =	vle.f32 v44, v3  }
0x201: {  	v12 =	vmin.f32 v47, v53;
	v59, v58, _ =	vpop (xrf1);
	v4 =	vsel vm15, v26, v4  }
0x202: {  	v3 =	vmin.f32 v44, v3;
	v60, v61, _ =	vpop (xrf1)  }
0x203: {  	v62, v63, _ =	vpop (xrf1)  }
0x204: {  	(xrf1) =	vsort.dscd.msk.f32 $0xffff, v12, v13;
	vm4 =	vle.f32 v10, v59;
	v12, v13, _ =	vpop (xrf1)  }
0x205: {  	(xrf1) =	vsort.dscd.msk.f32 $0xffff, v3, v4;
	v9 =	vsel vm4, v9, v58;
	v3, v4, _ =	vpop (xrf1)  }
0x206: {  	v27, v26, _ =	vpop (xrf1)  }
0x207: {  	vm5 =	vle.f32 v57, v27  }
0x208: {  	v25 =	vmin.f32 v10, v59;
	(xrf1) =	vsort.ascd.msk.f32 $0xffff, v8, v11;
	v15 =	vsel vm5, v56, v26  }
0x209: {  	(xrf1) =	vsort.dscd.msk.f32 $0xffff, v25, v9;
	v8, v9, _ =	vpop (xrf1);
	v10 =	vmin.f32 v57, v27  }
0x20a: {  	(xrf1) =	vsort.ascd.msk.f32 $0xffff, v7, v11;
	v7, v11, _ =	vpop (xrf1)  }
0x20b: {  	vm6 =	vle.f32 v62, v8;
	v8 =	vmin.f32 v62, v8;
	v28, v29, _ =	vpop (xrf1)  }
0x20c: {  	v9 =	vsel vm6, v63, v9;
	(xrf1) =	vsort.dscd.msk.f32 $0xffff, v10, v15;
	vm7 =	vle.f32 v12, v28;
	v10, v15, _ =	vpop (xrf1)  }
0x20d: {  	(xrf1) =	vsort.dscd.msk.f32 $0xffff, v8, v9;
	v30 =	vmin.f32 v12, v28;
	v13 =	vsel vm7, v13, v29;
	v31, v32, _ =	vpop (xrf1)  }
0x20e: {  	(xrf1) =	vsort.dscd.msk.f32 $0xffff, v30, v13;
	vm8 =	vle.f32 v60, v10;
	v33, v34, _ =	vpop (xrf1)  }
0x20f: {  	v10 =	vmin.f32 v60, v10;
	v15 =	vsel vm8, v61, v15;
	vm9 =	vle.f32 v5, v33  }
0x210: {  	(xrf1) =	vsort.dscd.msk.f32 $0xffff, v10, v15;
	v35 =	vmin.f32 v5, v33;
	v6 =	vsel vm9, v6, v34  }
0x211: {  	(xrf1) =	vsort.dscd.msk.f32 $0xffff, v35, v6;
	_ =	sdelay $0x4  }
0x212: {  	v5, v6, _ =	vpop (xrf1)  }
0x213: {  	v36, v37, _ =	vpop (xrf1)  }
0x214: {  	vm10 =	vle.f32 v31, v5;
	v38, v39, _ =	vpop (xrf1);
	vm11 =	vle.f32 v7, v36;
	v7 =	vmin.f32 v7, v36  }
0x215: {  	v5 =	vmin.f32 v31, v5;
	v6 =	vsel vm10, v32, v6;
	v40, v41, _ =	vpop (xrf1)  }
0x216: {  	v44 =	vsel vm11, v11, v37;
	v42, v43, _ =	vpop (xrf1);
	(xrf1) =	vsort.dscd.msk.f32 $0xffff, v5, v6;
	vm12 =	vle.f32 v3, v40  }
0x217: {  	v3 =	vmin.f32 v3, v40;
	v46, v45, _ =	vpop (xrf1);
	(xrf1) =	vsort.dscd.msk.f32 $0xffff, v7, v44;
	v4 =	vsel vm12, v4, v41  }
0x218: {  	v5, v7, _ =	vpop (xrf1);
	(xrf1) =	vsort.dscd.msk.f32 $0xffff, v3, v4;
	v3 =	vmin.f32 v38, v46  }
0x219: {  	vm13 =	vle.f32 v38, v46;
	v5, v10, _ =	vpop (xrf1)  }
0x21a: {  	v47 =	vsel vm13, v39, v45;
	v48, v49, _ =	vpop (xrf1)  }
0x21b: {  	(xrf1) =	vsort.dscd.msk.f32 $0xffff, v3, v47;
	vm14 =	vle.f32 v42, v5;
	v3, v4, _ =	vpop (xrf1)  }
0x21c: {  	v5 =	vmin.f32 v42, v5;
	v6 =	vsel vm14, v43, v10;
	vm15 =	vle.f32 v54, v3  }
0x21d: {  	(xrf1) =	vsort.dscd.msk.f32 $0xffff, v5, v6;
	v3 =	vmin.f32 v54, v3;
	v4 =	vsel vm15, v55, v4  }
0x21e: {  	(xrf1) =	vsort.dscd.msk.f32 $0xffff, v3, v4;
	_ =	sdelay $0x7  }
0x21f: {  	v3, v4, _ =	vpop (xrf1)  }
0x220: {  	v3, v50, _ =	vpop (xrf1)  }
0x221: {  	v3 =	vperm.xlane v7, v2  }
0x222: {  	v4 =	vperm.xlane v4, v2;
	v51, v52, _ =	vpop (xrf1)  }
0x223: {  	v6 =	vperm.xlane v52, v2;
	v54, v53, _ =	vpop (xrf1);
	v3 =	vadd.s32 v1, v3  }
0x224: {  	v57 =	vperm.xlane v49, v2;
	[tilespmem:$0x10C00] =	vst v3;
	v3 =	vadd.s32 v1, v4;
	v56, v55, _ =	vpop (xrf1)  }
0x225: {  	v60 =	vperm.xlane v53, v2;
	[tilespmem:$0x10C80] =	vst v3;
	v3 =	vadd.s32 v1, v6;
	v58, v59, _ =	vpop (xrf1)  }
0x226: {  	[tilespmem:$0x10D00] =	vst v3;
	v3 =	vadd.s32 v1, v57;
	v61 =	vperm.xlane v59, v2  }
0x227: {  	v62 =	vperm.xlane v55, v2;
	[tilespmem:$0x10D80] =	vst v3;
	v3 =	vadd.s32 v1, v60  }
0x228: {  	v63 =	vperm.xlane v50, v2;
	[tilespmem:$0x10E00] =	vst v3;
	v3 =	vadd.s32 v1, v61  }
0x229: {  	s10 =	sadd.s32 $0x1, s10;
	[tilespmem:$0x10E80] =	vst v3;
	v3 =	vadd.s32 v1, v62  }
0x22a: {  	s11 =	sshll.u32 s11, $0x4;
	p0 =	sne.s32 s10, $0x10;
	[tilespmem:$0x10F00] =	vst v3;
	v3 =	vadd.s32 v1, v63  }
.Ltmp4:
0x22b: {  	s11 =	sadd.s32 s4, s11;
	[tilespmem:$0x10F80] =	vst v3;
	(pc) =	sbr.rel @p0 .LBB2_2-.Ltmp4, $4  }
0x22c: {  	[hbm4b:s11+s1] =	stream.linear.scatter [tilespmem:s8], [sflag:$0x1], $0x1000, $0x38;
	[tilespmem:$0x11000] =	vst v63  }
0x22d: {  	_ =	swait.ge [sflag:s7], $0x1000  }
0x22e: {  	[sflag:s7] =	ssyncset.done $0x0  }
0x22f: {  	[sflag:s7] =	ssyncadd.s32 $0xFFFFF000  }
0x230: {  	s9 =	sadd.s32 $0x1, s9  }
0x231: {  	p0 =	sne.s32 s9, s6  }
.Ltmp5:
0x232: {  	_ = 	snop;
	(pc) =	sbr.rel @p0 .LBB2_1-.Ltmp5, $1  }
0x233: {  	_ =	sdelay $0x3  }
0x234: {  	_ =	sfence.sel $0x180000  }
0x235: {  	[bflag:$0x0] =	sbarrier.arrive $0xFFFF  }
0x236: {  	p0 =	sne.s32 s2, $0x0;
	_ =	strace $0x90000047  }
0x237: {  	s0 =	sadd.s32 @!p0 $0x100000, s0;
	[bflag:$0x2] =	sbarrier.arrive $0xFFFF  }
0x238: {  	[sflag:s0] =	ssyncadd.tile.s32 @!p0 $0x1;
	_ =	shalt  }
.Lfunc_end2:
_tile_overlayer_lowered:
.L_overlay_start_2:
0x239: {  	(tag) =	ssettag $0x2  }
0x23a: {  	s0 =	rddreg [dreg:$0x0];
	s2 =	stileid.u32  }
0x23b: {  	s1 =	rddreg [dreg:$0x1];
	p0 =	sne.s32 s2, $0x0  }
0x23c: {  	s3 =	rddreg [dreg:$0x2];
	[bflag:$0x3] =	sbarrier.arrive $0xFFFF;
	s2 =	simm.s32 @!p0 $0x1C01  }
0x23d: {  	[timem:s3], [sflag:s2] =	dma.local @!p0 [hbm:s0], s1  }
0x23e: {  	s0 =	simm.s32 @!p0 $0x1  }
0x23f: {  	_ =	swait.ge @!p0 [sflag:s0], s1  }
0x240: {  	s1 =	ssub.s32 @!p0 $0x0, s1;
	[sflag:s0] =	ssyncset.done @!p0 $0x0  }
0x241: {  	[sflag:s0] =	ssyncadd.s32 @!p0 s1  }
0x242: {  	[bflag:$0x3] =	sbarrier.arrive $0xFFFF  }
0x243: {  	_ =	shalt  }

</sc_bundles>
